<compile_context>
chip_gen: v7x
topology: tpu7x:2x2x1
jax: 0.10.2.dev20260603
libtpu: 0.0.44.dev20260713+nightly
codegen_flags: <defaults>
</compile_context>

<pallas_src>
import functools

import jax
import jax.numpy as jnp
from jax import lax
from jax.experimental import pallas as pl
from jax.experimental.pallas import tpu as pltpu
from jax.experimental.pallas import tpu_sc as plsc

B = 16384
NSLOT = 84
NC, NS = 2, 16
NW = NC * NS
GCH = 128
HCH = 256
R = 256
NCOLS = 5656
NHALF = 2

_mesh = plsc.VectorSubcoreMesh(
    core_axis_name="c", subcore_axis_name="s", num_cores=NC, num_subcores=NS)


def _make_gather_sc(nb):
    rpw = nb // NW
    nu = NSLOT * (rpw // HCH)

    @functools.partial(
        pl.kernel,
        out_type=jax.ShapeDtypeStruct((NSLOT * nb, 128), jnp.float32),
        mesh=_mesh,
        scratch_types=[
            pltpu.VMEM((2, HCH), jnp.int32),
            pltpu.VMEM((3, HCH, 128), jnp.float32),
            pltpu.SemaphoreType.DMA,
            pltpu.SemaphoreType.DMA((2,)),
            pltpu.SemaphoreType.DMA((3,)),
            pltpu.VMEM_SHARED((2736, 128), jnp.float32),
        ],
    )
    def _gather_sc(ctab, cidx, g, uidx, gbuf, sem_i, sem_g, sem_s, stab):
        wid = lax.axis_index("s") * NC + lax.axis_index("c")

        @pl.when(lax.axis_index("s") == 0)
        def _():
            pltpu.sync_copy(ctab, stab)

        plsc.subcore_barrier()

        def ubase(u):
            s = u // (rpw // HCH)
            h = lax.rem(u, rpw // HCH)
            return s * nb + wid * rpw + h * HCH

        pltpu.async_copy(cidx.at[pl.ds(ubase(0), HCH)], uidx.at[0], sem_i)

        def body(u, carry):
            m3 = lax.rem(u, 3)
            p2 = lax.rem(u, 2)

            @pl.when(jnp.logical_and(u >= 3, u <= nu + 2))
            def _():
                pltpu.make_async_copy(
                    gbuf.at[0], g.at[pl.ds(0, HCH)], sem_s.at[m3]).wait()

            @pl.when(u < nu)
            def _():
                pltpu.make_async_copy(
                    cidx.at[pl.ds(0, HCH)], uidx.at[0], sem_i).wait()
                for q in range(HCH // GCH):
                    pltpu.async_copy(
                        stab.at[uidx.at[p2, pl.ds(q * GCH, GCH)]],
                        gbuf.at[m3, pl.ds(q * GCH, GCH)], sem_g.at[p2])

            @pl.when(jnp.logical_and(u >= 1, u <= nu))
            def _():
                pm3 = lax.rem(u + 2, 3)
                pp2 = lax.rem(u + 1, 2)
                for q in range(HCH // GCH):
                    pltpu.make_async_copy(
                        stab.at[uidx.at[0, pl.ds(0, GCH)]],
                        gbuf.at[0, pl.ds(0, GCH)], sem_g.at[pp2]).wait()
                pltpu.async_copy(gbuf.at[pm3], g.at[pl.ds(ubase(u - 1), HCH)],
                                 sem_s.at[pm3])

            @pl.when(u + 1 < nu)
            def _():
                pltpu.async_copy(cidx.at[pl.ds(ubase(u + 1), HCH)],
                                 uidx.at[lax.rem(u + 1, 2)], sem_i)

            return carry

        lax.fori_loop(0, nu + 3, body, 0)

    return _gather_sc


_gather_half = _make_gather_sc(B // NHALF)


def _assemble(fields_ref, sides_ref, pa_ref, ma_ref, *gs_out):
    gs = gs_out[:NSLOT]
    out_ref = gs_out[NSLOT]
    out_ref[:, 0:24] = fields_ref[...]
    out_ref[:, 24:88] = sides_ref[...]
    for p in range(12):
        c = 88 + p * 464
        out_ref[:, c:c + 64] = gs[p][:, :64]
        out_ref[:, c + 64:c + 80] = gs[60 + p][:, :16]
        out_ref[:, c + 80:c + 96] = gs[72 + p][:, :16]
        out_ref[:, c + 96:c + 144] = pa_ref[:, p * 48:(p + 1) * 48]
        for k in range(4):
            out_ref[:, c + 144 + k * 64:c + 208 + k * 64] = \
                gs[12 + 4 * p + k][:, :64]
        out_ref[:, c + 400:c + 464] = ma_ref[:, p * 64:(p + 1) * 64]


def _assemble_cont(prev_ref, *rest):
    _assemble(*rest)


def kernel(fields, sides, species, moves, items, abilities,
           pokemon_attributes, move_attributes,
           species_table, move_table, item_table, ability_table):
    b = fields.shape[0]
    ctab = jnp.concatenate([
        jnp.pad(species_table, ((0, 0), (0, 64))),
        jnp.pad(move_table, ((0, 0), (0, 64))),
        jnp.pad(item_table, ((0, 0), (0, 112))),
        jnp.pad(ability_table, ((0, 0), (0, 112))),
    ], axis=0)
    n_sp = species_table.shape[0]
    n_mv = move_table.shape[0]
    n_it = item_table.shape[0]
    cidx = jnp.concatenate([
        species.reshape(b, 12).astype(jnp.int32),
        moves.reshape(b, 48).astype(jnp.int32) + n_sp,
        items.reshape(b, 12).astype(jnp.int32) + (n_sp + n_mv),
        abilities.reshape(b, 12).astype(jnp.int32) + (n_sp + n_mv + n_it),
    ], axis=1)

    sides2 = sides.reshape(b, 64)
    pa2 = pokemon_attributes.reshape(b, 576)
    ma2 = move_attributes.reshape(b, 768)

    b2 = b // NHALF
    gpb = b2 // R
    out = None
    for h in range(NHALF):
        cidx_h = cidx[h * b2:(h + 1) * b2].T.reshape(-1)
        g_h = _gather_half(ctab, cidx_h)

        off = h * gpb
        dspec = lambda w, o=off: pl.BlockSpec((R, w), lambda i, o=o: (i + o, 0))
        gspecs = [
            pl.BlockSpec((R, 128),
                         functools.partial(lambda i, s: (s * gpb + i, 0), s=s))
            for s in range(NSLOT)
        ]
        in_specs = [dspec(24), dspec(64), dspec(576), dspec(768)] + gspecs
        args = (fields, sides2, pa2, ma2, *([g_h] * NSLOT))
        if h == 0:
            body = _assemble
            aliases = {}
        else:
            body = _assemble_cont
            in_specs = [pl.BlockSpec(memory_space=pl.ANY)] + in_specs
            args = (out, *args)
            aliases = {0: 0}
        out = pl.pallas_call(
            body,
            grid=(gpb,),
            in_specs=in_specs,
            out_specs=pl.BlockSpec((R, NCOLS), lambda i, o=off: (i + o, 0)),
            out_shape=jax.ShapeDtypeStruct((b, NCOLS), jnp.float32),
            input_output_aliases=aliases,
            compiler_params=pltpu.CompilerParams(
                vmem_limit_bytes=63 * 1024 * 1024),
        )(*args)
    return out

# --- scband reference (transcript-rebuilt; emitter-appended) ---
"""Pipeline reference for scband-encoder-34720515621147 (READ-ONLY COPY).

The authoritative reference and input builder live on the scoring server;
editing this copy changes nothing except your own understanding.
"""

import jax, jax.numpy as jnp
import numpy as np

B = 16384

def setup_inputs(seed: int = 0):
    key = jax.random.key(seed)
    ks = jax.random.split(key, 12)
    species = jax.random.randint(ks[0], (B, 2, 6), 0, 1025)
    moves = jax.random.randint(ks[1], (B, 2, 6, 4), 0, 919)
    items = jax.random.randint(ks[2], (B, 2, 6), 0, 479)
    abilities = jax.random.randint(ks[3], (B, 2, 6), 0, 309)
    fields = jax.random.normal(ks[4], (B, 24), dtype=jnp.float32)
    sides = jax.random.normal(ks[5], (B, 2, 32), dtype=jnp.float32)
    pokemon_attributes = jax.random.normal(ks[6], (B, 2, 6, 48), dtype=jnp.float32)
    move_attributes = jax.random.normal(ks[7], (B, 2, 6, 4, 16), dtype=jnp.float32)
    species_table = jax.random.normal(ks[8], (1026, 64), dtype=jnp.float32).at[0].set(0.0)
    move_table = jax.random.normal(ks[9], (920, 64), dtype=jnp.float32).at[0].set(0.0)
    item_table = jax.random.normal(ks[10], (480, 16), dtype=jnp.float32).at[0].set(0.0)
    ability_table = jax.random.normal(ks[11], (310, 16), dtype=jnp.float32).at[0].set(0.0)
    return {
        'fields': fields, 'sides': sides,
        'species': species, 'moves': moves, 'items': items, 'abilities': abilities,
        'pokemon_attributes': pokemon_attributes, 'move_attributes': move_attributes,
        'species_table': species_table, 'move_table': move_table,
        'item_table': item_table, 'ability_table': ability_table,
    }

def reference(fields, sides, species, moves, items, abilities,
              pokemon_attributes, move_attributes,
              species_table, move_table, item_table, ability_table):
    b = fields.shape[0]
    sp = jnp.take(species_table, species, axis=0)      # [B,2,6,64]
    mv = jnp.take(move_table, moves, axis=0)           # [B,2,6,4,64]
    it = jnp.take(item_table, items, axis=0)           # [B,2,6,16]
    ab = jnp.take(ability_table, abilities, axis=0)    # [B,2,6,16]
    sides_f = sides.reshape(b, -1)
    parts = [fields, sides_f]
    for j in range(2):
        for i in range(6):
            parts.append(jnp.concatenate((
                sp[:, j, i],
                it[:, j, i],
                ab[:, j, i],
                pokemon_attributes[:, j, i],
                mv[:, j, i].reshape(b, -1),
                move_attributes[:, j, i].reshape(b, -1),
            ), axis=1))
    return jnp.concatenate(parts, axis=1)

if __name__ == "__main__":
    import jax
    _d = setup_inputs()
    print(jax.jit(kernel)(*tuple(_d.values())))

</pallas_src>

<mosaic_0001>
#map = affine_map<(d0, d1) -> (0, 0)>
#map1 = affine_map<(d0, d1) -> (0)>
module attributes {stable_mosaic.version = 14 : i64} {
  func.func @_gather_sc(%arg0: i32, %arg1: i32, %arg2: memref<2736x128xf32, #tpu.memory_space<hbm>>, %arg3: memref<688128xi32, #tpu.memory_space<hbm>>, %arg4: memref<688128x128xf32, #tpu.memory_space<hbm>>, %arg5: memref<2x256xi32, #tpu.memory_space<vmem>>, %arg6: memref<3x256x128xf32, #tpu.memory_space<vmem>>, %arg7: memref<!tpu.dma_semaphore, #tpu.memory_space<semaphore_mem>>, %arg8: memref<2x!tpu.dma_semaphore, #tpu.memory_space<semaphore_mem>>, %arg9: memref<3x!tpu.dma_semaphore, #tpu.memory_space<semaphore_mem>>, %arg10: memref<2736x128xf32, #tpu.memory_space<vmem_shared>>) attributes {dimension_semantics = [#tpu.dimension_semantics<core_parallel>, #tpu.dimension_semantics<subcore_parallel>], iteration_bounds = array<i64: 2, 16>, scalar_prefetch = 0 : i64, scratch_operands = 6 : i64, tpu.core_type = #tpu.core_type<sc_vector_subcore>, window_params = [{transform_indices = #map}, {transform_indices = #map1}, {transform_indices = #map}]} {
    %mul3A = arith.constant 2 : i32
    %mul3A_0 = arith.muli %arg1, %mul3A : i32
    %add3A = arith.addi %mul3A_0, %arg0 : i32
    %eq3A = arith.constant 0 : i32
    %eq3A_1 = arith.cmpi eq, %arg1, %eq3A : i32
    %convert_element_type3A = arith.extui %eq3A_1 : i1 to i32
    %cond3A = arith.constant 0 : i32
    %cond3A_2 = arith.cmpi ne, %convert_element_type3A, %cond3A : i32
    scf.if %cond3A_2 {
      "tpu.region"() ({
        %run_scoped3A = tpu.sem_alloc : memref<!tpu.dma_semaphore, #tpu.memory_space<semaphore_mem>>
        tpu.enqueue_dma source(%arg2 : memref<2736x128xf32, #tpu.memory_space<hbm>>) target(%arg10 : memref<2736x128xf32, #tpu.memory_space<vmem_shared>>) target_semaphore(%run_scoped3A : memref<!tpu.dma_semaphore, #tpu.memory_space<semaphore_mem>>)
        tpu.wait_dma2 semaphore(%run_scoped3A : memref<!tpu.dma_semaphore, #tpu.memory_space<semaphore_mem>>) src(%arg2 : memref<2736x128xf32, #tpu.memory_space<hbm>>) dst(%arg10 : memref<2736x128xf32, #tpu.memory_space<vmem_shared>>)
        tpu.yield
      }) : () -> ()
    } else {
    }
    %barrier3A = arith.constant 0 : index
    tpu.barrier barrier_id(%barrier3A)
    %rem3A = arith.constant 0 : i32
    %rem3A_3 = arith.constant 1 : i32
    %rem3A_4 = arith.remsi %rem3A, %rem3A_3 : i32
    %mul3A_5 = arith.constant 256 : i32
    %mul3A_6 = arith.muli %add3A, %mul3A_5 : i32
    %add3A_7 = arith.constant 0 : i32
    %add3A_8 = arith.addi %add3A_7, %mul3A_6 : i32
    %mul3A_9 = arith.constant 256 : i32
    %mul3A_10 = arith.muli %rem3A_4, %mul3A_9 : i32
    %add3A_11 = arith.addi %add3A_8, %mul3A_10 : i32
    %dma_start3A = arith.constant 0 : i32
    %dma_start3A_12 = arith.constant 0 : i32
    %dma_start3A_13 = tpu.memref_slice %arg5[%dma_start3A, %dma_start3A_12] : memref<2x256xi32, #tpu.memory_space<vmem>> -> memref<1x256xi32, #tpu.memory_space<vmem>>
    %dma_start3A_14 = tpu.memref_squeeze %dma_start3A_13 : memref<1x256xi32, #tpu.memory_space<vmem>> -> memref<256xi32, #tpu.memory_space<vmem>>
    %dma_start3A_15 = tpu.memref_slice %arg3[%add3A_11] : memref<688128xi32, #tpu.memory_space<hbm>> -> memref<256xi32, #tpu.memory_space<hbm>>
    %dma_start3A_16 = arith.constant 0 : i32
    %dma_start3A_17 = tpu.memref_slice %arg5[%dma_start3A, %dma_start3A_16] : memref<2x256xi32, #tpu.memory_space<vmem>> -> memref<1x256xi32, #tpu.memory_space<vmem>>
    %dma_start3A_18 = tpu.memref_squeeze %dma_start3A_17 : memref<1x256xi32, #tpu.memory_space<vmem>> -> memref<256xi32, #tpu.memory_space<vmem>>
    %dma_start3A_19 = tpu.memref_slice %arg3[%add3A_11] : memref<688128xi32, #tpu.memory_space<hbm>> -> memref<256xi32, #tpu.memory_space<hbm>>
    tpu.enqueue_dma source(%dma_start3A_19 : memref<256xi32, #tpu.memory_space<hbm>>) target(%dma_start3A_18 : memref<256xi32, #tpu.memory_space<vmem>>) target_semaphore(%arg7 : memref<!tpu.dma_semaphore, #tpu.memory_space<semaphore_mem>>)
    %scan3A = arith.constant 0 : i32
    %scan3A_20 = arith.constant 0 : i32
    %scan3A_21 = arith.constant 87 : i32
    %scan3A_22 = arith.addi %scan3A_20, %scan3A_21 : i32
    %scan3A_23 = arith.constant 1 : i32
    scf.for %scan3A_25 = %scan3A_20 to %scan3A_22 step %scan3A_23  : i32 {
      %rem3A_26 = arith.constant 3 : i32
      %rem3A_27 = arith.remsi %scan3A_25, %rem3A_26 : i32
      %rem3A_28 = arith.constant 2 : i32
      %rem3A_29 = arith.remsi %scan3A_25, %rem3A_28 : i32
      %ge3A = arith.constant 3 : i32
      %ge3A_30 = arith.cmpi sge, %scan3A_25, %ge3A : i32
      %le3A = arith.constant 86 : i32
      %le3A_31 = arith.cmpi sle, %scan3A_25, %le3A : i32
      %and3A = arith.andi %ge3A_30, %le3A_31 : i1
      %convert_element_type3A_32 = arith.extui %and3A : i1 to i32
      %cond3A_33 = arith.constant 0 : i32
      %cond3A_34 = arith.cmpi ne, %convert_element_type3A_32, %cond3A_33 : i32
      scf.if %cond3A_34 {
        %dma_wait3A = arith.constant 0 : i32
        %dma_wait3A_54 = arith.constant 0 : i32
        %dma_wait3A_55 = arith.constant 0 : i32
        %dma_wait3A_56 = tpu.memref_slice %arg6[%dma_wait3A, %dma_wait3A_54, %dma_wait3A_55] : memref<3x256x128xf32, #tpu.memory_space<vmem>> -> memref<1x256x128xf32, #tpu.memory_space<vmem>>
        %dma_wait3A_57 = tpu.memref_squeeze %dma_wait3A_56 : memref<1x256x128xf32, #tpu.memory_space<vmem>> -> memref<256x128xf32, #tpu.memory_space<vmem>>
        %dma_wait3A_58 = arith.constant 0 : i32
        %dma_wait3A_59 = arith.constant 0 : i32
        %dma_wait3A_60 = tpu.memref_slice %arg4[%dma_wait3A_58, %dma_wait3A_59] : memref<688128x128xf32, #tpu.memory_space<hbm>> -> memref<256x128xf32, #tpu.memory_space<hbm>>
        %dma_wait3A_61 = tpu.memref_slice %arg9[%rem3A_27] : memref<3x!tpu.dma_semaphore, #tpu.memory_space<semaphore_mem>> -> memref<1x!tpu.dma_semaphore, #tpu.memory_space<semaphore_mem>>
        %dma_wait3A_62 = tpu.memref_squeeze %dma_wait3A_61 : memref<1x!tpu.dma_semaphore, #tpu.memory_space<semaphore_mem>> -> memref<!tpu.dma_semaphore, #tpu.memory_space<semaphore_mem>>
        %dma_wait3A_63 = arith.constant 0 : i32
        %dma_wait3A_64 = arith.constant 0 : i32
        %dma_wait3A_65 = tpu.memref_slice %arg4[%dma_wait3A_63, %dma_wait3A_64] : memref<688128x128xf32, #tpu.memory_space<hbm>> -> memref<256x128xf32, #tpu.memory_space<hbm>>
        %dma_wait3A_66 = arith.constant 0 : i32
        %dma_wait3A_67 = arith.constant 0 : i32
        %dma_wait3A_68 = tpu.memref_slice %arg6[%dma_wait3A, %dma_wait3A_66, %dma_wait3A_67] : memref<3x256x128xf32, #tpu.memory_space<vmem>> -> memref<1x256x128xf32, #tpu.memory_space<vmem>>
        %dma_wait3A_69 = tpu.memref_squeeze %dma_wait3A_68 : memref<1x256x128xf32, #tpu.memory_space<vmem>> -> memref<256x128xf32, #tpu.memory_space<vmem>>
        tpu.wait_dma2 semaphore(%dma_wait3A_62 : memref<!tpu.dma_semaphore, #tpu.memory_space<semaphore_mem>>) src(%dma_wait3A_69 : memref<256x128xf32, #tpu.memory_space<vmem>>) dst(%dma_wait3A_65 : memref<256x128xf32, #tpu.memory_space<hbm>>)
      } else {
      }
      %lt3A = arith.constant 84 : i32
      %lt3A_35 = arith.cmpi slt, %scan3A_25, %lt3A : i32
      %convert_element_type3A_36 = arith.extui %lt3A_35 : i1 to i32
      %cond3A_37 = arith.constant 0 : i32
      %cond3A_38 = arith.cmpi ne, %convert_element_type3A_36, %cond3A_37 : i32
      scf.if %cond3A_38 {
        %dma_wait3A = arith.constant 0 : i32
        %dma_wait3A_54 = arith.constant 0 : i32
        %dma_wait3A_55 = tpu.memref_slice %arg5[%dma_wait3A, %dma_wait3A_54] : memref<2x256xi32, #tpu.memory_space<vmem>> -> memref<1x256xi32, #tpu.memory_space<vmem>>
        %dma_wait3A_56 = tpu.memref_squeeze %dma_wait3A_55 : memref<1x256xi32, #tpu.memory_space<vmem>> -> memref<256xi32, #tpu.memory_space<vmem>>
        %dma_wait3A_57 = arith.constant 0 : i32
        %dma_wait3A_58 = tpu.memref_slice %arg3[%dma_wait3A_57] : memref<688128xi32, #tpu.memory_space<hbm>> -> memref<256xi32, #tpu.memory_space<hbm>>
        %dma_wait3A_59 = arith.constant 0 : i32
        %dma_wait3A_60 = tpu.memref_slice %arg5[%dma_wait3A, %dma_wait3A_59] : memref<2x256xi32, #tpu.memory_space<vmem>> -> memref<1x256xi32, #tpu.memory_space<vmem>>
        %dma_wait3A_61 = tpu.memref_squeeze %dma_wait3A_60 : memref<1x256xi32, #tpu.memory_space<vmem>> -> memref<256xi32, #tpu.memory_space<vmem>>
        %dma_wait3A_62 = arith.constant 0 : i32
        %dma_wait3A_63 = tpu.memref_slice %arg3[%dma_wait3A_62] : memref<688128xi32, #tpu.memory_space<hbm>> -> memref<256xi32, #tpu.memory_space<hbm>>
        tpu.wait_dma2 semaphore(%arg7 : memref<!tpu.dma_semaphore, #tpu.memory_space<semaphore_mem>>) src(%dma_wait3A_63 : memref<256xi32, #tpu.memory_space<hbm>>) dst(%dma_wait3A_61 : memref<256xi32, #tpu.memory_space<vmem>>)
        %dma_start3A_64 = arith.constant 0 : i32
        %dma_start3A_65 = arith.constant 0 : i32
        %dma_start3A_66 = tpu.memref_slice %arg6[%rem3A_27, %dma_start3A_64, %dma_start3A_65] : memref<3x256x128xf32, #tpu.memory_space<vmem>> -> memref<1x128x128xf32, #tpu.memory_space<vmem>>
        %dma_start3A_67 = tpu.memref_squeeze %dma_start3A_66 : memref<1x128x128xf32, #tpu.memory_space<vmem>> -> memref<128x128xf32, #tpu.memory_space<vmem>>
        %dma_start3A_68 = arith.constant 0 : i32
        %dma_start3A_69 = tpu.memref_slice %arg5[%rem3A_29, %dma_start3A_68] : memref<2x256xi32, #tpu.memory_space<vmem>> -> memref<1x128xi32, #tpu.memory_space<vmem>>
        %dma_start3A_70 = tpu.memref_squeeze %dma_start3A_69 : memref<1x128xi32, #tpu.memory_space<vmem>> -> memref<128xi32, #tpu.memory_space<vmem>>
        %dma_start3A_71 = arith.constant 0 : i32
        %dma_start3A_72 = arith.constant 0 : i32
        %dma_start3A_73 = tpu.memref_slice %arg10[%dma_start3A_71, %dma_start3A_72] : memref<2736x128xf32, #tpu.memory_space<vmem_shared>> -> memref<2736x128xf32, #tpu.memory_space<vmem_shared>>
        %dma_start3A_74 = tpu.memref_slice %arg8[%rem3A_29] : memref<2x!tpu.dma_semaphore, #tpu.memory_space<semaphore_mem>> -> memref<1x!tpu.dma_semaphore, #tpu.memory_space<semaphore_mem>>
        %dma_start3A_75 = tpu.memref_squeeze %dma_start3A_74 : memref<1x!tpu.dma_semaphore, #tpu.memory_space<semaphore_mem>> -> memref<!tpu.dma_semaphore, #tpu.memory_space<semaphore_mem>>
        tpu.enqueue_indirect_dma source(%dma_start3A_73 : memref<2736x128xf32, #tpu.memory_space<vmem_shared>>) target(%dma_start3A_67 : memref<128x128xf32, #tpu.memory_space<vmem>>) offsets(%dma_start3A_70 : memref<128xi32, #tpu.memory_space<vmem>>) semaphore(%dma_start3A_75 : memref<!tpu.dma_semaphore, #tpu.memory_space<semaphore_mem>>)
        %dma_start3A_76 = arith.constant 128 : i32
        %dma_start3A_77 = arith.constant 0 : i32
        %dma_start3A_78 = tpu.memref_slice %arg6[%rem3A_27, %dma_start3A_76, %dma_start3A_77] : memref<3x256x128xf32, #tpu.memory_space<vmem>> -> memref<1x128x128xf32, #tpu.memory_space<vmem>>
        %dma_start3A_79 = tpu.memref_squeeze %dma_start3A_78 : memref<1x128x128xf32, #tpu.memory_space<vmem>> -> memref<128x128xf32, #tpu.memory_space<vmem>>
        %dma_start3A_80 = arith.constant 128 : i32
        %dma_start3A_81 = tpu.memref_slice %arg5[%rem3A_29, %dma_start3A_80] : memref<2x256xi32, #tpu.memory_space<vmem>> -> memref<1x128xi32, #tpu.memory_space<vmem>>
        %dma_start3A_82 = tpu.memref_squeeze %dma_start3A_81 : memref<1x128xi32, #tpu.memory_space<vmem>> -> memref<128xi32, #tpu.memory_space<vmem>>
        %dma_start3A_83 = arith.constant 0 : i32
        %dma_start3A_84 = arith.constant 0 : i32
        %dma_start3A_85 = tpu.memref_slice %arg10[%dma_start3A_83, %dma_start3A_84] : memref<2736x128xf32, #tpu.memory_space<vmem_shared>> -> memref<2736x128xf32, #tpu.memory_space<vmem_shared>>
        %dma_start3A_86 = tpu.memref_slice %arg8[%rem3A_29] : memref<2x!tpu.dma_semaphore, #tpu.memory_space<semaphore_mem>> -> memref<1x!tpu.dma_semaphore, #tpu.memory_space<semaphore_mem>>
        %dma_start3A_87 = tpu.memref_squeeze %dma_start3A_86 : memref<1x!tpu.dma_semaphore, #tpu.memory_space<semaphore_mem>> -> memref<!tpu.dma_semaphore, #tpu.memory_space<semaphore_mem>>
        tpu.enqueue_indirect_dma source(%dma_start3A_85 : memref<2736x128xf32, #tpu.memory_space<vmem_shared>>) target(%dma_start3A_79 : memref<128x128xf32, #tpu.memory_space<vmem>>) offsets(%dma_start3A_82 : memref<128xi32, #tpu.memory_space<vmem>>) semaphore(%dma_start3A_87 : memref<!tpu.dma_semaphore, #tpu.memory_space<semaphore_mem>>)
      } else {
      }
      %ge3A_39 = arith.constant 1 : i32
      %ge3A_40 = arith.cmpi sge, %scan3A_25, %ge3A_39 : i32
      %le3A_41 = arith.constant 84 : i32
      %le3A_42 = arith.cmpi sle, %scan3A_25, %le3A_41 : i32
      %and3A_43 = arith.andi %ge3A_40, %le3A_42 : i1
      %convert_element_type3A_44 = arith.extui %and3A_43 : i1 to i32
      %cond3A_45 = arith.constant 0 : i32
      %cond3A_46 = arith.cmpi ne, %convert_element_type3A_44, %cond3A_45 : i32
      scf.if %cond3A_46 {
        %add3A_54 = arith.constant 2 : i32
        %add3A_55 = arith.addi %scan3A_25, %add3A_54 : i32
        %rem3A_56 = arith.constant 3 : i32
        %rem3A_57 = arith.remsi %add3A_55, %rem3A_56 : i32
        %add3A_58 = arith.constant 1 : i32
        %add3A_59 = arith.addi %scan3A_25, %add3A_58 : i32
        %rem3A_60 = arith.constant 2 : i32
        %rem3A_61 = arith.remsi %add3A_59, %rem3A_60 : i32
        %dma_wait3A = arith.constant 0 : i32
        %dma_wait3A_62 = arith.constant 0 : i32
        %dma_wait3A_63 = arith.constant 0 : i32
        %dma_wait3A_64 = arith.constant 0 : i32
        %dma_wait3A_65 = tpu.memref_slice %arg6[%dma_wait3A_62, %dma_wait3A_63, %dma_wait3A_64] : memref<3x256x128xf32, #tpu.memory_space<vmem>> -> memref<1x128x128xf32, #tpu.memory_space<vmem>>
        %dma_wait3A_66 = tpu.memref_squeeze %dma_wait3A_65 : memref<1x128x128xf32, #tpu.memory_space<vmem>> -> memref<128x128xf32, #tpu.memory_space<vmem>>
        %dma_wait3A_67 = arith.constant 0 : i32
        %dma_wait3A_68 = tpu.memref_slice %arg5[%dma_wait3A, %dma_wait3A_67] : memref<2x256xi32, #tpu.memory_space<vmem>> -> memref<1x128xi32, #tpu.memory_space<vmem>>
        %dma_wait3A_69 = tpu.memref_squeeze %dma_wait3A_68 : memref<1x128xi32, #tpu.memory_space<vmem>> -> memref<128xi32, #tpu.memory_space<vmem>>
        %dma_wait3A_70 = arith.constant 0 : i32
        %dma_wait3A_71 = arith.constant 0 : i32
        %dma_wait3A_72 = tpu.memref_slice %arg10[%dma_wait3A_70, %dma_wait3A_71] : memref<2736x128xf32, #tpu.memory_space<vmem_shared>> -> memref<2736x128xf32, #tpu.memory_space<vmem_shared>>
        %dma_wait3A_73 = tpu.memref_slice %arg8[%rem3A_61] : memref<2x!tpu.dma_semaphore, #tpu.memory_space<semaphore_mem>> -> memref<1x!tpu.dma_semaphore, #tpu.memory_space<semaphore_mem>>
        %dma_wait3A_74 = tpu.memref_squeeze %dma_wait3A_73 : memref<1x!tpu.dma_semaphore, #tpu.memory_space<semaphore_mem>> -> memref<!tpu.dma_semaphore, #tpu.memory_space<semaphore_mem>>
        tpu.wait_indirect_dma semaphore(%dma_wait3A_74 : memref<!tpu.dma_semaphore, #tpu.memory_space<semaphore_mem>>) src(%dma_wait3A_72 : memref<2736x128xf32, #tpu.memory_space<vmem_shared>>) dst(%dma_wait3A_66 : memref<128x128xf32, #tpu.memory_space<vmem>>)
        %dma_wait3A_75 = arith.constant 0 : i32
        %dma_wait3A_76 = arith.constant 0 : i32
        %dma_wait3A_77 = arith.constant 0 : i32
        %dma_wait3A_78 = arith.constant 0 : i32
        %dma_wait3A_79 = tpu.memref_slice %arg6[%dma_wait3A_76, %dma_wait3A_77, %dma_wait3A_78] : memref<3x256x128xf32, #tpu.memory_space<vmem>> -> memref<1x128x128xf32, #tpu.memory_space<vmem>>
        %dma_wait3A_80 = tpu.memref_squeeze %dma_wait3A_79 : memref<1x128x128xf32, #tpu.memory_space<vmem>> -> memref<128x128xf32, #tpu.memory_space<vmem>>
        %dma_wait3A_81 = arith.constant 0 : i32
        %dma_wait3A_82 = tpu.memref_slice %arg5[%dma_wait3A_75, %dma_wait3A_81] : memref<2x256xi32, #tpu.memory_space<vmem>> -> memref<1x128xi32, #tpu.memory_space<vmem>>
        %dma_wait3A_83 = tpu.memref_squeeze %dma_wait3A_82 : memref<1x128xi32, #tpu.memory_space<vmem>> -> memref<128xi32, #tpu.memory_space<vmem>>
        %dma_wait3A_84 = arith.constant 0 : i32
        %dma_wait3A_85 = arith.constant 0 : i32
        %dma_wait3A_86 = tpu.memref_slice %arg10[%dma_wait3A_84, %dma_wait3A_85] : memref<2736x128xf32, #tpu.memory_space<vmem_shared>> -> memref<2736x128xf32, #tpu.memory_space<vmem_shared>>
        %dma_wait3A_87 = tpu.memref_slice %arg8[%rem3A_61] : memref<2x!tpu.dma_semaphore, #tpu.memory_space<semaphore_mem>> -> memref<1x!tpu.dma_semaphore, #tpu.memory_space<semaphore_mem>>
        %dma_wait3A_88 = tpu.memref_squeeze %dma_wait3A_87 : memref<1x!tpu.dma_semaphore, #tpu.memory_space<semaphore_mem>> -> memref<!tpu.dma_semaphore, #tpu.memory_space<semaphore_mem>>
        tpu.wait_indirect_dma semaphore(%dma_wait3A_88 : memref<!tpu.dma_semaphore, #tpu.memory_space<semaphore_mem>>) src(%dma_wait3A_86 : memref<2736x128xf32, #tpu.memory_space<vmem_shared>>) dst(%dma_wait3A_80 : memref<128x128xf32, #tpu.memory_space<vmem>>)
        %sub3A = arith.constant 1 : i32
        %sub3A_89 = arith.subi %scan3A_25, %sub3A : i32
        %jit3A = arith.constant 1 : i32
        %div3A = arith.divsi %sub3A_89, %jit3A : i32
        %sign3A = arith.constant 0 : i32
        %sign3A_90 = arith.cmpi sgt, %sub3A_89, %sign3A : i32
        %sign3A_91 = arith.extui %sign3A_90 : i1 to i32
        %sign3A_92 = arith.constant 0 : i32
        %sign3A_93 = arith.cmpi slt, %sub3A_89, %sign3A_92 : i32
        %sign3A_94 = arith.extui %sign3A_93 : i1 to i32
        %sign3A_95 = arith.subi %sign3A_91, %sign3A_94 : i32
        %sign3A_96 = arith.constant 0 : i32
        %sign3A_97 = arith.cmpi sgt, %jit3A, %sign3A_96 : i32
        %sign3A_98 = arith.extui %sign3A_97 : i1 to i32
        %sign3A_99 = arith.constant 0 : i32
        %sign3A_100 = arith.cmpi slt, %jit3A, %sign3A_99 : i32
        %sign3A_101 = arith.extui %sign3A_100 : i1 to i32
        %sign3A_102 = arith.subi %sign3A_98, %sign3A_101 : i32
        %ne3A = arith.cmpi ne, %sign3A_95, %sign3A_102 : i32
        %rem3A_103 = arith.remsi %sub3A_89, %jit3A : i32
        %ne3A_104 = arith.constant 0 : i32
        %ne3A_105 = arith.cmpi ne, %rem3A_103, %ne3A_104 : i32
        %and3A_106 = arith.andi %ne3A, %ne3A_105 : i1
        %sub3A_107 = arith.constant 1 : i32
        %sub3A_108 = arith.subi %div3A, %sub3A_107 : i32
        %select_n3A = arith.select %and3A_106, %sub3A_108, %div3A : i32
        %rem3A_109 = arith.constant 1 : i32
        %rem3A_110 = arith.remsi %sub3A_89, %rem3A_109 : i32
        %mul3A_111 = arith.constant 8192 : i32
        %mul3A_112 = arith.muli %select_n3A, %mul3A_111 : i32
        %mul3A_113 = arith.constant 256 : i32
        %mul3A_114 = arith.muli %add3A, %mul3A_113 : i32
        %add3A_115 = arith.addi %mul3A_112, %mul3A_114 : i32
        %mul3A_116 = arith.constant 256 : i32
        %mul3A_117 = arith.muli %rem3A_110, %mul3A_116 : i32
        %add3A_118 = arith.addi %add3A_115, %mul3A_117 : i32
        %dma_start3A_119 = arith.constant 0 : i32
        %dma_start3A_120 = arith.constant 0 : i32
        %dma_start3A_121 = tpu.memref_slice %arg6[%rem3A_57, %dma_start3A_119, %dma_start3A_120] : memref<3x256x128xf32, #tpu.memory_space<vmem>> -> memref<1x256x128xf32, #tpu.memory_space<vmem>>
        %dma_start3A_122 = tpu.memref_squeeze %dma_start3A_121 : memref<1x256x128xf32, #tpu.memory_space<vmem>> -> memref<256x128xf32, #tpu.memory_space<vmem>>
        %dma_start3A_123 = arith.constant 0 : i32
        %dma_start3A_124 = tpu.memref_slice %arg4[%add3A_118, %dma_start3A_123] : memref<688128x128xf32, #tpu.memory_space<hbm>> -> memref<256x128xf32, #tpu.memory_space<hbm>>
        %dma_start3A_125 = tpu.memref_slice %arg9[%rem3A_57] : memref<3x!tpu.dma_semaphore, #tpu.memory_space<semaphore_mem>> -> memref<1x!tpu.dma_semaphore, #tpu.memory_space<semaphore_mem>>
        %dma_start3A_126 = tpu.memref_squeeze %dma_start3A_125 : memref<1x!tpu.dma_semaphore, #tpu.memory_space<semaphore_mem>> -> memref<!tpu.dma_semaphore, #tpu.memory_space<semaphore_mem>>
        %dma_start3A_127 = arith.constant 0 : i32
        %dma_start3A_128 = tpu.memref_slice %arg4[%add3A_118, %dma_start3A_127] : memref<688128x128xf32, #tpu.memory_space<hbm>> -> memref<256x128xf32, #tpu.memory_space<hbm>>
        %dma_start3A_129 = arith.constant 0 : i32
        %dma_start3A_130 = arith.constant 0 : i32
        %dma_start3A_131 = tpu.memref_slice %arg6[%rem3A_57, %dma_start3A_129, %dma_start3A_130] : memref<3x256x128xf32, #tpu.memory_space<vmem>> -> memref<1x256x128xf32, #tpu.memory_space<vmem>>
        %dma_start3A_132 = tpu.memref_squeeze %dma_start3A_131 : memref<1x256x128xf32, #tpu.memory_space<vmem>> -> memref<256x128xf32, #tpu.memory_space<vmem>>
        tpu.enqueue_dma source(%dma_start3A_132 : memref<256x128xf32, #tpu.memory_space<vmem>>) target(%dma_start3A_128 : memref<256x128xf32, #tpu.memory_space<hbm>>) target_semaphore(%dma_start3A_126 : memref<!tpu.dma_semaphore, #tpu.memory_space<semaphore_mem>>)
      } else {
      }
      %add3A_47 = arith.constant 1 : i32
      %add3A_48 = arith.addi %scan3A_25, %add3A_47 : i32
      %lt3A_49 = arith.constant 84 : i32
      %lt3A_50 = arith.cmpi slt, %add3A_48, %lt3A_49 : i32
      %convert_element_type3A_51 = arith.extui %lt3A_50 : i1 to i32
      %cond3A_52 = arith.constant 0 : i32
      %cond3A_53 = arith.cmpi ne, %convert_element_type3A_51, %cond3A_52 : i32
      scf.if %cond3A_53 {
        %add3A_54 = arith.constant 1 : i32
        %add3A_55 = arith.addi %scan3A_25, %add3A_54 : i32
        %jit3A = arith.constant 1 : i32
        %div3A = arith.divsi %add3A_55, %jit3A : i32
        %sign3A = arith.constant 0 : i32
        %sign3A_56 = arith.cmpi sgt, %add3A_55, %sign3A : i32
        %sign3A_57 = arith.extui %sign3A_56 : i1 to i32
        %sign3A_58 = arith.constant 0 : i32
        %sign3A_59 = arith.cmpi slt, %add3A_55, %sign3A_58 : i32
        %sign3A_60 = arith.extui %sign3A_59 : i1 to i32
        %sign3A_61 = arith.subi %sign3A_57, %sign3A_60 : i32
        %sign3A_62 = arith.constant 0 : i32
        %sign3A_63 = arith.cmpi sgt, %jit3A, %sign3A_62 : i32
        %sign3A_64 = arith.extui %sign3A_63 : i1 to i32
        %sign3A_65 = arith.constant 0 : i32
        %sign3A_66 = arith.cmpi slt, %jit3A, %sign3A_65 : i32
        %sign3A_67 = arith.extui %sign3A_66 : i1 to i32
        %sign3A_68 = arith.subi %sign3A_64, %sign3A_67 : i32
        %ne3A = arith.cmpi ne, %sign3A_61, %sign3A_68 : i32
        %rem3A_69 = arith.remsi %add3A_55, %jit3A : i32
        %ne3A_70 = arith.constant 0 : i32
        %ne3A_71 = arith.cmpi ne, %rem3A_69, %ne3A_70 : i32
        %and3A_72 = arith.andi %ne3A, %ne3A_71 : i1
        %sub3A = arith.constant 1 : i32
        %sub3A_73 = arith.subi %div3A, %sub3A : i32
        %select_n3A = arith.select %and3A_72, %sub3A_73, %div3A : i32
        %rem3A_74 = arith.constant 1 : i32
        %rem3A_75 = arith.remsi %add3A_55, %rem3A_74 : i32
        %mul3A_76 = arith.constant 8192 : i32
        %mul3A_77 = arith.muli %select_n3A, %mul3A_76 : i32
        %mul3A_78 = arith.constant 256 : i32
        %mul3A_79 = arith.muli %add3A, %mul3A_78 : i32
        %add3A_80 = arith.addi %mul3A_77, %mul3A_79 : i32
        %mul3A_81 = arith.constant 256 : i32
        %mul3A_82 = arith.muli %rem3A_75, %mul3A_81 : i32
        %add3A_83 = arith.addi %add3A_80, %mul3A_82 : i32
        %add3A_84 = arith.constant 1 : i32
        %add3A_85 = arith.addi %scan3A_25, %add3A_84 : i32
        %rem3A_86 = arith.constant 2 : i32
        %rem3A_87 = arith.remsi %add3A_85, %rem3A_86 : i32
        %dma_start3A_88 = arith.constant 0 : i32
        %dma_start3A_89 = tpu.memref_slice %arg5[%rem3A_87, %dma_start3A_88] : memref<2x256xi32, #tpu.memory_space<vmem>> -> memref<1x256xi32, #tpu.memory_space<vmem>>
        %dma_start3A_90 = tpu.memref_squeeze %dma_start3A_89 : memref<1x256xi32, #tpu.memory_space<vmem>> -> memref<256xi32, #tpu.memory_space<vmem>>
        %dma_start3A_91 = tpu.memref_slice %arg3[%add3A_83] : memref<688128xi32, #tpu.memory_space<hbm>> -> memref<256xi32, #tpu.memory_space<hbm>>
        %dma_start3A_92 = arith.constant 0 : i32
        %dma_start3A_93 = tpu.memref_slice %arg5[%rem3A_87, %dma_start3A_92] : memref<2x256xi32, #tpu.memory_space<vmem>> -> memref<1x256xi32, #tpu.memory_space<vmem>>
        %dma_start3A_94 = tpu.memref_squeeze %dma_start3A_93 : memref<1x256xi32, #tpu.memory_space<vmem>> -> memref<256xi32, #tpu.memory_space<vmem>>
        %dma_start3A_95 = tpu.memref_slice %arg3[%add3A_83] : memref<688128xi32, #tpu.memory_space<hbm>> -> memref<256xi32, #tpu.memory_space<hbm>>
        tpu.enqueue_dma source(%dma_start3A_95 : memref<256xi32, #tpu.memory_space<hbm>>) target(%dma_start3A_94 : memref<256xi32, #tpu.memory_space<vmem>>) target_semaphore(%arg7 : memref<!tpu.dma_semaphore, #tpu.memory_space<semaphore_mem>>)
      } else {
      }
    }
    %scan3A_24 = arith.constant 87 : i32
    return
  }
}

#map = affine_map<(d0, d1) -> (0, 0)>
#map1 = affine_map<(d0, d1) -> (0)>
module attributes {stable_mosaic.version = 14 : i64} {
  func.func @_gather_sc(%arg0: i32, %arg1: i32, %arg2: memref<2736x128xf32, #tpu.memory_space<hbm>>, %arg3: memref<688128xi32, #tpu.memory_space<hbm>>, %arg4: memref<688128x128xf32, #tpu.memory_space<hbm>>, %arg5: memref<2x256xi32, #tpu.memory_space<vmem>>, %arg6: memref<3x256x128xf32, #tpu.memory_space<vmem>>, %arg7: memref<!tpu.dma_semaphore, #tpu.memory_space<semaphore_mem>>, %arg8: memref<2x!tpu.dma_semaphore, #tpu.memory_space<semaphore_mem>>, %arg9: memref<3x!tpu.dma_semaphore, #tpu.memory_space<semaphore_mem>>, %arg10: memref<2736x128xf32, #tpu.memory_space<vmem_shared>>) attributes {dimension_semantics = [#tpu.dimension_semantics<core_parallel>, #tpu.dimension_semantics<subcore_parallel>], iteration_bounds = array<i64: 2, 16>, scalar_prefetch = 0 : i64, scratch_operands = 6 : i64, tpu.core_type = #tpu.core_type<sc_vector_subcore>, window_params = [{transform_indices = #map}, {transform_indices = #map1}, {transform_indices = #map}]} {
    %mul3A = arith.constant 2 : i32
    %mul3A_0 = arith.muli %arg1, %mul3A : i32
    %add3A = arith.addi %mul3A_0, %arg0 : i32
    %eq3A = arith.constant 0 : i32
    %eq3A_1 = arith.cmpi eq, %arg1, %eq3A : i32
    %convert_element_type3A = arith.extui %eq3A_1 : i1 to i32
    %cond3A = arith.constant 0 : i32
    %cond3A_2 = arith.cmpi ne, %convert_element_type3A, %cond3A : i32
    scf.if %cond3A_2 {
      "tpu.region"() ({
        %run_scoped3A = tpu.sem_alloc : memref<!tpu.dma_semaphore, #tpu.memory_space<semaphore_mem>>
        tpu.enqueue_dma source(%arg2 : memref<2736x128xf32, #tpu.memory_space<hbm>>) target(%arg10 : memref<2736x128xf32, #tpu.memory_space<vmem_shared>>) target_semaphore(%run_scoped3A : memref<!tpu.dma_semaphore, #tpu.memory_space<semaphore_mem>>)
        tpu.wait_dma2 semaphore(%run_scoped3A : memref<!tpu.dma_semaphore, #tpu.memory_space<semaphore_mem>>) src(%arg2 : memref<2736x128xf32, #tpu.memory_space<hbm>>) dst(%arg10 : memref<2736x128xf32, #tpu.memory_space<vmem_shared>>)
        tpu.yield
      }) : () -> ()
    } else {
    }
    %barrier3A = arith.constant 0 : index
    tpu.barrier barrier_id(%barrier3A)
    %rem3A = arith.constant 0 : i32
    %rem3A_3 = arith.constant 1 : i32
    %rem3A_4 = arith.remsi %rem3A, %rem3A_3 : i32
    %mul3A_5 = arith.constant 256 : i32
    %mul3A_6 = arith.muli %add3A, %mul3A_5 : i32
    %add3A_7 = arith.constant 0 : i32
    %add3A_8 = arith.addi %add3A_7, %mul3A_6 : i32
    %mul3A_9 = arith.constant 256 : i32
    %mul3A_10 = arith.muli %rem3A_4, %mul3A_9 : i32
    %add3A_11 = arith.addi %add3A_8, %mul3A_10 : i32
    %dma_start3A = arith.constant 0 : i32
    %dma_start3A_12 = arith.constant 0 : i32
    %dma_start3A_13 = tpu.memref_slice %arg5[%dma_start3A, %dma_start3A_12] : memref<2x256xi32, #tpu.memory_space<vmem>> -> memref<1x256xi32, #tpu.memory_space<vmem>>
    %dma_start3A_14 = tpu.memref_squeeze %dma_start3A_13 : memref<1x256xi32, #tpu.memory_space<vmem>> -> memref<256xi32, #tpu.memory_space<vmem>>
    %dma_start3A_15 = tpu.memref_slice %arg3[%add3A_11] : memref<688128xi32, #tpu.memory_space<hbm>> -> memref<256xi32, #tpu.memory_space<hbm>>
    %dma_start3A_16 = arith.constant 0 : i32
    %dma_start3A_17 = tpu.memref_slice %arg5[%dma_start3A, %dma_start3A_16] : memref<2x256xi32, #tpu.memory_space<vmem>> -> memref<1x256xi32, #tpu.memory_space<vmem>>
    %dma_start3A_18 = tpu.memref_squeeze %dma_start3A_17 : memref<1x256xi32, #tpu.memory_space<vmem>> -> memref<256xi32, #tpu.memory_space<vmem>>
    %dma_start3A_19 = tpu.memref_slice %arg3[%add3A_11] : memref<688128xi32, #tpu.memory_space<hbm>> -> memref<256xi32, #tpu.memory_space<hbm>>
    tpu.enqueue_dma source(%dma_start3A_19 : memref<256xi32, #tpu.memory_space<hbm>>) target(%dma_start3A_18 : memref<256xi32, #tpu.memory_space<vmem>>) target_semaphore(%arg7 : memref<!tpu.dma_semaphore, #tpu.memory_space<semaphore_mem>>)
    %scan3A = arith.constant 0 : i32
    %scan3A_20 = arith.constant 0 : i32
    %scan3A_21 = arith.constant 87 : i32
    %scan3A_22 = arith.addi %scan3A_20, %scan3A_21 : i32
    %scan3A_23 = arith.constant 1 : i32
    scf.for %scan3A_25 = %scan3A_20 to %scan3A_22 step %scan3A_23  : i32 {
      %rem3A_26 = arith.constant 3 : i32
      %rem3A_27 = arith.remsi %scan3A_25, %rem3A_26 : i32
      %rem3A_28 = arith.constant 2 : i32
      %rem3A_29 = arith.remsi %scan3A_25, %rem3A_28 : i32
      %ge3A = arith.constant 3 : i32
      %ge3A_30 = arith.cmpi sge, %scan3A_25, %ge3A : i32
      %le3A = arith.constant 86 : i32
      %le3A_31 = arith.cmpi sle, %scan3A_25, %le3A : i32
      %and3A = arith.andi %ge3A_30, %le3A_31 : i1
      %convert_element_type3A_32 = arith.extui %and3A : i1 to i32
      %cond3A_33 = arith.constant 0 : i32
      %cond3A_34 = arith.cmpi ne, %convert_element_type3A_32, %cond3A_33 : i32
      scf.if %cond3A_34 {
        %dma_wait3A = arith.constant 0 : i32
        %dma_wait3A_54 = arith.constant 0 : i32
        %dma_wait3A_55 = arith.constant 0 : i32
        %dma_wait3A_56 = tpu.memref_slice %arg6[%dma_wait3A, %dma_wait3A_54, %dma_wait3A_55] : memref<3x256x128xf32, #tpu.memory_space<vmem>> -> memref<1x256x128xf32, #tpu.memory_space<vmem>>
        %dma_wait3A_57 = tpu.memref_squeeze %dma_wait3A_56 : memref<1x256x128xf32, #tpu.memory_space<vmem>> -> memref<256x128xf32, #tpu.memory_space<vmem>>
        %dma_wait3A_58 = arith.constant 0 : i32
        %dma_wait3A_59 = arith.constant 0 : i32
        %dma_wait3A_60 = tpu.memref_slice %arg4[%dma_wait3A_58, %dma_wait3A_59] : memref<688128x128xf32, #tpu.memory_space<hbm>> -> memref<256x128xf32, #tpu.memory_space<hbm>>
        %dma_wait3A_61 = tpu.memref_slice %arg9[%rem3A_27] : memref<3x!tpu.dma_semaphore, #tpu.memory_space<semaphore_mem>> -> memref<1x!tpu.dma_semaphore, #tpu.memory_space<semaphore_mem>>
        %dma_wait3A_62 = tpu.memref_squeeze %dma_wait3A_61 : memref<1x!tpu.dma_semaphore, #tpu.memory_space<semaphore_mem>> -> memref<!tpu.dma_semaphore, #tpu.memory_space<semaphore_mem>>
        %dma_wait3A_63 = arith.constant 0 : i32
        %dma_wait3A_64 = arith.constant 0 : i32
        %dma_wait3A_65 = tpu.memref_slice %arg4[%dma_wait3A_63, %dma_wait3A_64] : memref<688128x128xf32, #tpu.memory_space<hbm>> -> memref<256x128xf32, #tpu.memory_space<hbm>>
        %dma_wait3A_66 = arith.constant 0 : i32
        %dma_wait3A_67 = arith.constant 0 : i32
        %dma_wait3A_68 = tpu.memref_slice %arg6[%dma_wait3A, %dma_wait3A_66, %dma_wait3A_67] : memref<3x256x128xf32, #tpu.memory_space<vmem>> -> memref<1x256x128xf32, #tpu.memory_space<vmem>>
        %dma_wait3A_69 = tpu.memref_squeeze %dma_wait3A_68 : memref<1x256x128xf32, #tpu.memory_space<vmem>> -> memref<256x128xf32, #tpu.memory_space<vmem>>
        tpu.wait_dma2 semaphore(%dma_wait3A_62 : memref<!tpu.dma_semaphore, #tpu.memory_space<semaphore_mem>>) src(%dma_wait3A_69 : memref<256x128xf32, #tpu.memory_space<vmem>>) dst(%dma_wait3A_65 : memref<256x128xf32, #tpu.memory_space<hbm>>)
      } else {
      }
      %lt3A = arith.constant 84 : i32
      %lt3A_35 = arith.cmpi slt, %scan3A_25, %lt3A : i32
      %convert_element_type3A_36 = arith.extui %lt3A_35 : i1 to i32
      %cond3A_37 = arith.constant 0 : i32
      %cond3A_38 = arith.cmpi ne, %convert_element_type3A_36, %cond3A_37 : i32
      scf.if %cond3A_38 {
        %dma_wait3A = arith.constant 0 : i32
        %dma_wait3A_54 = arith.constant 0 : i32
        %dma_wait3A_55 = tpu.memref_slice %arg5[%dma_wait3A, %dma_wait3A_54] : memref<2x256xi32, #tpu.memory_space<vmem>> -> memref<1x256xi32, #tpu.memory_space<vmem>>
        %dma_wait3A_56 = tpu.memref_squeeze %dma_wait3A_55 : memref<1x256xi32, #tpu.memory_space<vmem>> -> memref<256xi32, #tpu.memory_space<vmem>>
        %dma_wait3A_57 = arith.constant 0 : i32
        %dma_wait3A_58 = tpu.memref_slice %arg3[%dma_wait3A_57] : memref<688128xi32, #tpu.memory_space<hbm>> -> memref<256xi32, #tpu.memory_space<hbm>>
        %dma_wait3A_59 = arith.constant 0 : i32
        %dma_wait3A_60 = tpu.memref_slice %arg5[%dma_wait3A, %dma_wait3A_59] : memref<2x256xi32, #tpu.memory_space<vmem>> -> memref<1x256xi32, #tpu.memory_space<vmem>>
        %dma_wait3A_61 = tpu.memref_squeeze %dma_wait3A_60 : memref<1x256xi32, #tpu.memory_space<vmem>> -> memref<256xi32, #tpu.memory_space<vmem>>
        %dma_wait3A_62 = arith.constant 0 : i32
        %dma_wait3A_63 = tpu.memref_slice %arg3[%dma_wait3A_62] : memref<688128xi32, #tpu.memory_space<hbm>> -> memref<256xi32, #tpu.memory_space<hbm>>
        tpu.wait_dma2 semaphore(%arg7 : memref<!tpu.dma_semaphore, #tpu.memory_space<semaphore_mem>>) src(%dma_wait3A_63 : memref<256xi32, #tpu.memory_space<hbm>>) dst(%dma_wait3A_61 : memref<256xi32, #tpu.memory_space<vmem>>)
        %dma_start3A_64 = arith.constant 0 : i32
        %dma_start3A_65 = arith.constant 0 : i32
        %dma_start3A_66 = tpu.memref_slice %arg6[%rem3A_27, %dma_start3A_64, %dma_start3A_65] : memref<3x256x128xf32, #tpu.memory_space<vmem>> -> memref<1x128x128xf32, #tpu.memory_space<vmem>>
        %dma_start3A_67 = tpu.memref_squeeze %dma_start3A_66 : memref<1x128x128xf32, #tpu.memory_space<vmem>> -> memref<128x128xf32, #tpu.memory_space<vmem>>
        %dma_start3A_68 = arith.constant 0 : i32
        %dma_start3A_69 = tpu.memref_slice %arg5[%rem3A_29, %dma_start3A_68] : memref<2x256xi32, #tpu.memory_space<vmem>> -> memref<1x128xi32, #tpu.memory_space<vmem>>
        %dma_start3A_70 = tpu.memref_squeeze %dma_start3A_69 : memref<1x128xi32, #tpu.memory_space<vmem>> -> memref<128xi32, #tpu.memory_space<vmem>>
        %dma_start3A_71 = arith.constant 0 : i32
        %dma_start3A_72 = arith.constant 0 : i32
        %dma_start3A_73 = tpu.memref_slice %arg10[%dma_start3A_71, %dma_start3A_72] : memref<2736x128xf32, #tpu.memory_space<vmem_shared>> -> memref<2736x128xf32, #tpu.memory_space<vmem_shared>>
        %dma_start3A_74 = tpu.memref_slice %arg8[%rem3A_29] : memref<2x!tpu.dma_semaphore, #tpu.memory_space<semaphore_mem>> -> memref<1x!tpu.dma_semaphore, #tpu.memory_space<semaphore_mem>>
        %dma_start3A_75 = tpu.memref_squeeze %dma_start3A_74 : memref<1x!tpu.dma_semaphore, #tpu.memory_space<semaphore_mem>> -> memref<!tpu.dma_semaphore, #tpu.memory_space<semaphore_mem>>
        tpu.enqueue_indirect_dma source(%dma_start3A_73 : memref<2736x128xf32, #tpu.memory_space<vmem_shared>>) target(%dma_start3A_67 : memref<128x128xf32, #tpu.memory_space<vmem>>) offsets(%dma_start3A_70 : memref<128xi32, #tpu.memory_space<vmem>>) semaphore(%dma_start3A_75 : memref<!tpu.dma_semaphore, #tpu.memory_space<semaphore_mem>>)
        %dma_start3A_76 = arith.constant 128 : i32
        %dma_start3A_77 = arith.constant 0 : i32
        %dma_start3A_78 = tpu.memref_slice %arg6[%rem3A_27, %dma_start3A_76, %dma_start3A_77] : memref<3x256x128xf32, #tpu.memory_space<vmem>> -> memref<1x128x128xf32, #tpu.memory_space<vmem>>
        %dma_start3A_79 = tpu.memref_squeeze %dma_start3A_78 : memref<1x128x128xf32, #tpu.memory_space<vmem>> -> memref<128x128xf32, #tpu.memory_space<vmem>>
        %dma_start3A_80 = arith.constant 128 : i32
        %dma_start3A_81 = tpu.memref_slice %arg5[%rem3A_29, %dma_start3A_80] : memref<2x256xi32, #tpu.memory_space<vmem>> -> memref<1x128xi32, #tpu.memory_space<vmem>>
        %dma_start3A_82 = tpu.memref_squeeze %dma_start3A_81 : memref<1x128xi32, #tpu.memory_space<vmem>> -> memref<128xi32, #tpu.memory_space<vmem>>
        %dma_start3A_83 = arith.constant 0 : i32
        %dma_start3A_84 = arith.constant 0 : i32
        %dma_start3A_85 = tpu.memref_slice %arg10[%dma_start3A_83, %dma_start3A_84] : memref<2736x128xf32, #tpu.memory_space<vmem_shared>> -> memref<2736x128xf32, #tpu.memory_space<vmem_shared>>
        %dma_start3A_86 = tpu.memref_slice %arg8[%rem3A_29] : memref<2x!tpu.dma_semaphore, #tpu.memory_space<semaphore_mem>> -> memref<1x!tpu.dma_semaphore, #tpu.memory_space<semaphore_mem>>
        %dma_start3A_87 = tpu.memref_squeeze %dma_start3A_86 : memref<1x!tpu.dma_semaphore, #tpu.memory_space<semaphore_mem>> -> memref<!tpu.dma_semaphore, #tpu.memory_space<semaphore_mem>>
        tpu.enqueue_indirect_dma source(%dma_start3A_85 : memref<2736x128xf32, #tpu.memory_space<vmem_shared>>) target(%dma_start3A_79 : memref<128x128xf32, #tpu.memory_space<vmem>>) offsets(%dma_start3A_82 : memref<128xi32, #tpu.memory_space<vmem>>) semaphore(%dma_start3A_87 : memref<!tpu.dma_semaphore, #tpu.memory_space<semaphore_mem>>)
      } else {
      }
      %ge3A_39 = arith.constant 1 : i32
      %ge3A_40 = arith.cmpi sge, %scan3A_25, %ge3A_39 : i32
      %le3A_41 = arith.constant 84 : i32
      %le3A_42 = arith.cmpi sle, %scan3A_25, %le3A_41 : i32
      %and3A_43 = arith.andi %ge3A_40, %le3A_42 : i1
      %convert_element_type3A_44 = arith.extui %and3A_43 : i1 to i32
      %cond3A_45 = arith.constant 0 : i32
      %cond3A_46 = arith.cmpi ne, %convert_element_type3A_44, %cond3A_45 : i32
      scf.if %cond3A_46 {
        %add3A_54 = arith.constant 2 : i32
        %add3A_55 = arith.addi %scan3A_25, %add3A_54 : i32
        %rem3A_56 = arith.constant 3 : i32
        %rem3A_57 = arith.remsi %add3A_55, %rem3A_56 : i32
        %add3A_58 = arith.constant 1 : i32
        %add3A_59 = arith.addi %scan3A_25, %add3A_58 : i32
        %rem3A_60 = arith.constant 2 : i32
        %rem3A_61 = arith.remsi %add3A_59, %rem3A_60 : i32
        %dma_wait3A = arith.constant 0 : i32
        %dma_wait3A_62 = arith.constant 0 : i32
        %dma_wait3A_63 = arith.constant 0 : i32
        %dma_wait3A_64 = arith.constant 0 : i32
        %dma_wait3A_65 = tpu.memref_slice %arg6[%dma_wait3A_62, %dma_wait3A_63, %dma_wait3A_64] : memref<3x256x128xf32, #tpu.memory_space<vmem>> -> memref<1x128x128xf32, #tpu.memory_space<vmem>>
        %dma_wait3A_66 = tpu.memref_squeeze %dma_wait3A_65 : memref<1x128x128xf32, #tpu.memory_space<vmem>> -> memref<128x128xf32, #tpu.memory_space<vmem>>
        %dma_wait3A_67 = arith.constant 0 : i32
        %dma_wait3A_68 = tpu.memref_slice %arg5[%dma_wait3A, %dma_wait3A_67] : memref<2x256xi32, #tpu.memory_space<vmem>> -> memref<1x128xi32, #tpu.memory_space<vmem>>
        %dma_wait3A_69 = tpu.memref_squeeze %dma_wait3A_68 : memref<1x128xi32, #tpu.memory_space<vmem>> -> memref<128xi32, #tpu.memory_space<vmem>>
        %dma_wait3A_70 = arith.constant 0 : i32
        %dma_wait3A_71 = arith.constant 0 : i32
        %dma_wait3A_72 = tpu.memref_slice %arg10[%dma_wait3A_70, %dma_wait3A_71] : memref<2736x128xf32, #tpu.memory_space<vmem_shared>> -> memref<2736x128xf32, #tpu.memory_space<vmem_shared>>
        %dma_wait3A_73 = tpu.memref_slice %arg8[%rem3A_61] : memref<2x!tpu.dma_semaphore, #tpu.memory_space<semaphore_mem>> -> memref<1x!tpu.dma_semaphore, #tpu.memory_space<semaphore_mem>>
        %dma_wait3A_74 = tpu.memref_squeeze %dma_wait3A_73 : memref<1x!tpu.dma_semaphore, #tpu.memory_space<semaphore_mem>> -> memref<!tpu.dma_semaphore, #tpu.memory_space<semaphore_mem>>
        tpu.wait_indirect_dma semaphore(%dma_wait3A_74 : memref<!tpu.dma_semaphore, #tpu.memory_space<semaphore_mem>>) src(%dma_wait3A_72 : memref<2736x128xf32, #tpu.memory_space<vmem_shared>>) dst(%dma_wait3A_66 : memref<128x128xf32, #tpu.memory_space<vmem>>)
        %dma_wait3A_75 = arith.constant 0 : i32
        %dma_wait3A_76 = arith.constant 0 : i32
        %dma_wait3A_77 = arith.constant 0 : i32
        %dma_wait3A_78 = arith.constant 0 : i32
        %dma_wait3A_79 = tpu.memref_slice %arg6[%dma_wait3A_76, %dma_wait3A_77, %dma_wait3A_78] : memref<3x256x128xf32, #tpu.memory_space<vmem>> -> memref<1x128x128xf32, #tpu.memory_space<vmem>>
        %dma_wait3A_80 = tpu.memref_squeeze %dma_wait3A_79 : memref<1x128x128xf32, #tpu.memory_space<vmem>> -> memref<128x128xf32, #tpu.memory_space<vmem>>
        %dma_wait3A_81 = arith.constant 0 : i32
        %dma_wait3A_82 = tpu.memref_slice %arg5[%dma_wait3A_75, %dma_wait3A_81] : memref<2x256xi32, #tpu.memory_space<vmem>> -> memref<1x128xi32, #tpu.memory_space<vmem>>
        %dma_wait3A_83 = tpu.memref_squeeze %dma_wait3A_82 : memref<1x128xi32, #tpu.memory_space<vmem>> -> memref<128xi32, #tpu.memory_space<vmem>>
        %dma_wait3A_84 = arith.constant 0 : i32
        %dma_wait3A_85 = arith.constant 0 : i32
        %dma_wait3A_86 = tpu.memref_slice %arg10[%dma_wait3A_84, %dma_wait3A_85] : memref<2736x128xf32, #tpu.memory_space<vmem_shared>> -> memref<2736x128xf32, #tpu.memory_space<vmem_shared>>
        %dma_wait3A_87 = tpu.memref_slice %arg8[%rem3A_61] : memref<2x!tpu.dma_semaphore, #tpu.memory_space<semaphore_mem>> -> memref<1x!tpu.dma_semaphore, #tpu.memory_space<semaphore_mem>>
        %dma_wait3A_88 = tpu.memref_squeeze %dma_wait3A_87 : memref<1x!tpu.dma_semaphore, #tpu.memory_space<semaphore_mem>> -> memref<!tpu.dma_semaphore, #tpu.memory_space<semaphore_mem>>
        tpu.wait_indirect_dma semaphore(%dma_wait3A_88 : memref<!tpu.dma_semaphore, #tpu.memory_space<semaphore_mem>>) src(%dma_wait3A_86 : memref<2736x128xf32, #tpu.memory_space<vmem_shared>>) dst(%dma_wait3A_80 : memref<128x128xf32, #tpu.memory_space<vmem>>)
        %sub3A = arith.constant 1 : i32
        %sub3A_89 = arith.subi %scan3A_25, %sub3A : i32
        %jit3A = arith.constant 1 : i32
        %div3A = arith.divsi %sub3A_89, %jit3A : i32
        %sign3A = arith.constant 0 : i32
        %sign3A_90 = arith.cmpi sgt, %sub3A_89, %sign3A : i32
        %sign3A_91 = arith.extui %sign3A_90 : i1 to i32
        %sign3A_92 = arith.constant 0 : i32
        %sign3A_93 = arith.cmpi slt, %sub3A_89, %sign3A_92 : i32
        %sign3A_94 = arith.extui %sign3A_93 : i1 to i32
        %sign3A_95 = arith.subi %sign3A_91, %sign3A_94 : i32
        %sign3A_96 = arith.constant 0 : i32
        %sign3A_97 = arith.cmpi sgt, %jit3A, %sign3A_96 : i32
        %sign3A_98 = arith.extui %sign3A_97 : i1 to i32
        %sign3A_99 = arith.constant 0 : i32
        %sign3A_100 = arith.cmpi slt, %jit3A, %sign3A_99 : i32
        %sign3A_101 = arith.extui %sign3A_100 : i1 to i32
        %sign3A_102 = arith.subi %sign3A_98, %sign3A_101 : i32
        %ne3A = arith.cmpi ne, %sign3A_95, %sign3A_102 : i32
        %rem3A_103 = arith.remsi %sub3A_89, %jit3A : i32
        %ne3A_104 = arith.constant 0 : i32
        %ne3A_105 = arith.cmpi ne, %rem3A_103, %ne3A_104 : i32
        %and3A_106 = arith.andi %ne3A, %ne3A_105 : i1
        %sub3A_107 = arith.constant 1 : i32
        %sub3A_108 = arith.subi %div3A, %sub3A_107 : i32
        %select_n3A = arith.select %and3A_106, %sub3A_108, %div3A : i32
        %rem3A_109 = arith.constant 1 : i32
        %rem3A_110 = arith.remsi %sub3A_89, %rem3A_109 : i32
        %mul3A_111 = arith.constant 8192 : i32
        %mul3A_112 = arith.muli %select_n3A, %mul3A_111 : i32
        %mul3A_113 = arith.constant 256 : i32
        %mul3A_114 = arith.muli %add3A, %mul3A_113 : i32
        %add3A_115 = arith.addi %mul3A_112, %mul3A_114 : i32
        %mul3A_116 = arith.constant 256 : i32
        %mul3A_117 = arith.muli %rem3A_110, %mul3A_116 : i32
        %add3A_118 = arith.addi %add3A_115, %mul3A_117 : i32
        %dma_start3A_119 = arith.constant 0 : i32
        %dma_start3A_120 = arith.constant 0 : i32
        %dma_start3A_121 = tpu.memref_slice %arg6[%rem3A_57, %dma_start3A_119, %dma_start3A_120] : memref<3x256x128xf32, #tpu.memory_space<vmem>> -> memref<1x256x128xf32, #tpu.memory_space<vmem>>
        %dma_start3A_122 = tpu.memref_squeeze %dma_start3A_121 : memref<1x256x128xf32, #tpu.memory_space<vmem>> -> memref<256x128xf32, #tpu.memory_space<vmem>>
        %dma_start3A_123 = arith.constant 0 : i32
        %dma_start3A_124 = tpu.memref_slice %arg4[%add3A_118, %dma_start3A_123] : memref<688128x128xf32, #tpu.memory_space<hbm>> -> memref<256x128xf32, #tpu.memory_space<hbm>>
        %dma_start3A_125 = tpu.memref_slice %arg9[%rem3A_57] : memref<3x!tpu.dma_semaphore, #tpu.memory_space<semaphore_mem>> -> memref<1x!tpu.dma_semaphore, #tpu.memory_space<semaphore_mem>>
        %dma_start3A_126 = tpu.memref_squeeze %dma_start3A_125 : memref<1x!tpu.dma_semaphore, #tpu.memory_space<semaphore_mem>> -> memref<!tpu.dma_semaphore, #tpu.memory_space<semaphore_mem>>
        %dma_start3A_127 = arith.constant 0 : i32
        %dma_start3A_128 = tpu.memref_slice %arg4[%add3A_118, %dma_start3A_127] : memref<688128x128xf32, #tpu.memory_space<hbm>> -> memref<256x128xf32, #tpu.memory_space<hbm>>
        %dma_start3A_129 = arith.constant 0 : i32
        %dma_start3A_130 = arith.constant 0 : i32
        %dma_start3A_131 = tpu.memref_slice %arg6[%rem3A_57, %dma_start3A_129, %dma_start3A_130] : memref<3x256x128xf32, #tpu.memory_space<vmem>> -> memref<1x256x128xf32, #tpu.memory_space<vmem>>
        %dma_start3A_132 = tpu.memref_squeeze %dma_start3A_131 : memref<1x256x128xf32, #tpu.memory_space<vmem>> -> memref<256x128xf32, #tpu.memory_space<vmem>>
        tpu.enqueue_dma source(%dma_start3A_132 : memref<256x128xf32, #tpu.memory_space<vmem>>) target(%dma_start3A_128 : memref<256x128xf32, #tpu.memory_space<hbm>>) target_semaphore(%dma_start3A_126 : memref<!tpu.dma_semaphore, #tpu.memory_space<semaphore_mem>>)
      } else {
      }
      %add3A_47 = arith.constant 1 : i32
      %add3A_48 = arith.addi %scan3A_25, %add3A_47 : i32
      %lt3A_49 = arith.constant 84 : i32
      %lt3A_50 = arith.cmpi slt, %add3A_48, %lt3A_49 : i32
      %convert_element_type3A_51 = arith.extui %lt3A_50 : i1 to i32
      %cond3A_52 = arith.constant 0 : i32
      %cond3A_53 = arith.cmpi ne, %convert_element_type3A_51, %cond3A_52 : i32
      scf.if %cond3A_53 {
        %add3A_54 = arith.constant 1 : i32
        %add3A_55 = arith.addi %scan3A_25, %add3A_54 : i32
        %jit3A = arith.constant 1 : i32
        %div3A = arith.divsi %add3A_55, %jit3A : i32
        %sign3A = arith.constant 0 : i32
        %sign3A_56 = arith.cmpi sgt, %add3A_55, %sign3A : i32
        %sign3A_57 = arith.extui %sign3A_56 : i1 to i32
        %sign3A_58 = arith.constant 0 : i32
        %sign3A_59 = arith.cmpi slt, %add3A_55, %sign3A_58 : i32
        %sign3A_60 = arith.extui %sign3A_59 : i1 to i32
        %sign3A_61 = arith.subi %sign3A_57, %sign3A_60 : i32
        %sign3A_62 = arith.constant 0 : i32
        %sign3A_63 = arith.cmpi sgt, %jit3A, %sign3A_62 : i32
        %sign3A_64 = arith.extui %sign3A_63 : i1 to i32
        %sign3A_65 = arith.constant 0 : i32
        %sign3A_66 = arith.cmpi slt, %jit3A, %sign3A_65 : i32
        %sign3A_67 = arith.extui %sign3A_66 : i1 to i32
        %sign3A_68 = arith.subi %sign3A_64, %sign3A_67 : i32
        %ne3A = arith.cmpi ne, %sign3A_61, %sign3A_68 : i32
        %rem3A_69 = arith.remsi %add3A_55, %jit3A : i32
        %ne3A_70 = arith.constant 0 : i32
        %ne3A_71 = arith.cmpi ne, %rem3A_69, %ne3A_70 : i32
        %and3A_72 = arith.andi %ne3A, %ne3A_71 : i1
        %sub3A = arith.constant 1 : i32
        %sub3A_73 = arith.subi %div3A, %sub3A : i32
        %select_n3A = arith.select %and3A_72, %sub3A_73, %div3A : i32
        %rem3A_74 = arith.constant 1 : i32
        %rem3A_75 = arith.remsi %add3A_55, %rem3A_74 : i32
        %mul3A_76 = arith.constant 8192 : i32
        %mul3A_77 = arith.muli %select_n3A, %mul3A_76 : i32
        %mul3A_78 = arith.constant 256 : i32
        %mul3A_79 = arith.muli %add3A, %mul3A_78 : i32
        %add3A_80 = arith.addi %mul3A_77, %mul3A_79 : i32
        %mul3A_81 = arith.constant 256 : i32
        %mul3A_82 = arith.muli %rem3A_75, %mul3A_81 : i32
        %add3A_83 = arith.addi %add3A_80, %mul3A_82 : i32
        %add3A_84 = arith.constant 1 : i32
        %add3A_85 = arith.addi %scan3A_25, %add3A_84 : i32
        %rem3A_86 = arith.constant 2 : i32
        %rem3A_87 = arith.remsi %add3A_85, %rem3A_86 : i32
        %dma_start3A_88 = arith.constant 0 : i32
        %dma_start3A_89 = tpu.memref_slice %arg5[%rem3A_87, %dma_start3A_88] : memref<2x256xi32, #tpu.memory_space<vmem>> -> memref<1x256xi32, #tpu.memory_space<vmem>>
        %dma_start3A_90 = tpu.memref_squeeze %dma_start3A_89 : memref<1x256xi32, #tpu.memory_space<vmem>> -> memref<256xi32, #tpu.memory_space<vmem>>
        %dma_start3A_91 = tpu.memref_slice %arg3[%add3A_83] : memref<688128xi32, #tpu.memory_space<hbm>> -> memref<256xi32, #tpu.memory_space<hbm>>
        %dma_start3A_92 = arith.constant 0 : i32
        %dma_start3A_93 = tpu.memref_slice %arg5[%rem3A_87, %dma_start3A_92] : memref<2x256xi32, #tpu.memory_space<vmem>> -> memref<1x256xi32, #tpu.memory_space<vmem>>
        %dma_start3A_94 = tpu.memref_squeeze %dma_start3A_93 : memref<1x256xi32, #tpu.memory_space<vmem>> -> memref<256xi32, #tpu.memory_space<vmem>>
        %dma_start3A_95 = tpu.memref_slice %arg3[%add3A_83] : memref<688128xi32, #tpu.memory_space<hbm>> -> memref<256xi32, #tpu.memory_space<hbm>>
        tpu.enqueue_dma source(%dma_start3A_95 : memref<256xi32, #tpu.memory_space<hbm>>) target(%dma_start3A_94 : memref<256xi32, #tpu.memory_space<vmem>>) target_semaphore(%arg7 : memref<!tpu.dma_semaphore, #tpu.memory_space<semaphore_mem>>)
      } else {
      }
    }
    %scan3A_24 = arith.constant 87 : i32
    return
  }
}

module attributes {stable_mosaic.version = 14 : i64} {
  func.func @_assemble(%arg0: i32, %arg1: memref<256x24xf32, #tpu.memory_space<vmem>>, %arg2: memref<256x64xf32, #tpu.memory_space<vmem>>, %arg3: memref<256x576xf32, #tpu.memory_space<vmem>>, %arg4: memref<256x768xf32, #tpu.memory_space<vmem>>, %arg5: memref<256x128xf32, #tpu.memory_space<vmem>>, %arg6: memref<256x128xf32, #tpu.memory_space<vmem>>, %arg7: memref<256x128xf32, #tpu.memory_space<vmem>>, %arg8: memref<256x128xf32, #tpu.memory_space<vmem>>, %arg9: memref<256x128xf32, #tpu.memory_space<vmem>>, %arg10: memref<256x128xf32, #tpu.memory_space<vmem>>, %arg11: memref<256x128xf32, #tpu.memory_space<vmem>>, %arg12: memref<256x128xf32, #tpu.memory_space<vmem>>, %arg13: memref<256x128xf32, #tpu.memory_space<vmem>>, %arg14: memref<256x128xf32, #tpu.memory_space<vmem>>, %arg15: memref<256x128xf32, #tpu.memory_space<vmem>>, %arg16: memref<256x128xf32, #tpu.memory_space<vmem>>, %arg17: memref<256x128xf32, #tpu.memory_space<vmem>>, %arg18: memref<256x128xf32, #tpu.memory_space<vmem>>, %arg19: memref<256x128xf32, #tpu.memory_space<vmem>>, %arg20: memref<256x128xf32, #tpu.memory_space<vmem>>, %arg21: memref<256x128xf32, #tpu.memory_space<vmem>>, %arg22: memref<256x128xf32, #tpu.memory_space<vmem>>, %arg23: memref<256x128xf32, #tpu.memory_space<vmem>>, %arg24: memref<256x128xf32, #tpu.memory_space<vmem>>, %arg25: memref<256x128xf32, #tpu.memory_space<vmem>>, %arg26: memref<256x128xf32, #tpu.memory_space<vmem>>, %arg27: memref<256x128xf32, #tpu.memory_space<vmem>>, %arg28: memref<256x128xf32, #tpu.memory_space<vmem>>, %arg29: memref<256x128xf32, #tpu.memory_space<vmem>>, %arg30: memref<256x128xf32, #tpu.memory_space<vmem>>, %arg31: memref<256x128xf32, #tpu.memory_space<vmem>>, %arg32: memref<256x128xf32, #tpu.memory_space<vmem>>, %arg33: memref<256x128xf32, #tpu.memory_space<vmem>>, %arg34: memref<256x128xf32, #tpu.memory_space<vmem>>, %arg35: memref<256x128xf32, #tpu.memory_space<vmem>>, %arg36: memref<256x128xf32, #tpu.memory_space<vmem>>, %arg37: memref<256x128xf32, #tpu.memory_space<vmem>>, %arg38: memref<256x128xf32, #tpu.memory_space<vmem>>, %arg39: memref<256x128xf32, #tpu.memory_space<vmem>>, %arg40: memref<256x128xf32, #tpu.memory_space<vmem>>, %arg41: memref<256x128xf32, #tpu.memory_space<vmem>>, %arg42: memref<256x128xf32, #tpu.memory_space<vmem>>, %arg43: memref<256x128xf32, #tpu.memory_space<vmem>>, %arg44: memref<256x128xf32, #tpu.memory_space<vmem>>, %arg45: memref<256x128xf32, #tpu.memory_space<vmem>>, %arg46: memref<256x128xf32, #tpu.memory_space<vmem>>, %arg47: memref<256x128xf32, #tpu.memory_space<vmem>>, %arg48: memref<256x128xf32, #tpu.memory_space<vmem>>, %arg49: memref<256x128xf32, #tpu.memory_space<vmem>>, %arg50: memref<256x128xf32, #tpu.memory_space<vmem>>, %arg51: memref<256x128xf32, #tpu.memory_space<vmem>>, %arg52: memref<256x128xf32, #tpu.memory_space<vmem>>, %arg53: memref<256x128xf32, #tpu.memory_space<vmem>>, %arg54: memref<256x128xf32, #tpu.memory_space<vmem>>, %arg55: memref<256x128xf32, #tpu.memory_space<vmem>>, %arg56: memref<256x128xf32, #tpu.memory_space<vmem>>, %arg57: memref<256x128xf32, #tpu.memory_space<vmem>>, %arg58: memref<256x128xf32, #tpu.memory_space<vmem>>, %arg59: memref<256x128xf32, #tpu.memory_space<vmem>>, %arg60: memref<256x128xf32, #tpu.memory_space<vmem>>, %arg61: memref<256x128xf32, #tpu.memory_space<vmem>>, %arg62: memref<256x128xf32, #tpu.memory_space<vmem>>, %arg63: memref<256x128xf32, #tpu.memory_space<vmem>>, %arg64: memref<256x128xf32, #tpu.memory_space<vmem>>, %arg65: memref<256x128xf32, #tpu.memory_space<vmem>>, %arg66: memref<256x128xf32, #tpu.memory_space<vmem>>, %arg67: memref<256x128xf32, #tpu.memory_space<vmem>>, %arg68: memref<256x128xf32, #tpu.memory_space<vmem>>, %arg69: memref<256x128xf32, #tpu.memory_space<vmem>>, %arg70: memref<256x128xf32, #tpu.memory_space<vmem>>, %arg71: memref<256x128xf32, #tpu.memory_space<vmem>>, %arg72: memref<256x128xf32, #tpu.memory_space<vmem>>, %arg73: memref<256x128xf32, #tpu.memory_space<vmem>>, %arg74: memref<256x128xf32, #tpu.memory_space<vmem>>, %arg75: memref<256x128xf32, #tpu.memory_space<vmem>>, %arg76: memref<256x128xf32, #tpu.memory_space<vmem>>, %arg77: memref<256x128xf32, #tpu.memory_space<vmem>>, %arg78: memref<256x128xf32, #tpu.memory_space<vmem>>, %arg79: memref<256x128xf32, #tpu.memory_space<vmem>>, %arg80: memref<256x128xf32, #tpu.memory_space<vmem>>, %arg81: memref<256x128xf32, #tpu.memory_space<vmem>>, %arg82: memref<256x128xf32, #tpu.memory_space<vmem>>, %arg83: memref<256x128xf32, #tpu.memory_space<vmem>>, %arg84: memref<256x128xf32, #tpu.memory_space<vmem>>, %arg85: memref<256x128xf32, #tpu.memory_space<vmem>>, %arg86: memref<256x128xf32, #tpu.memory_space<vmem>>, %arg87: memref<256x128xf32, #tpu.memory_space<vmem>>, %arg88: memref<256x128xf32, #tpu.memory_space<vmem>>, %arg89: memref<256x5656xf32, #tpu.memory_space<vmem>>) attributes {dimension_semantics = [#tpu.dimension_semantics<arbitrary>], iteration_bounds = array<i64: 32>, scalar_prefetch = 0 : i64, scratch_operands = 0 : i64, tpu.core_type = #tpu.core_type<tc>, window_params = [{transform_indices = @transform_0, window_bounds = array<i64: 256, 24>}, {transform_indices = @transform_1, window_bounds = array<i64: 256, 64>}, {transform_indices = @transform_2, window_bounds = array<i64: 256, 576>}, {transform_indices = @transform_3, window_bounds = array<i64: 256, 768>}, {transform_indices = @transform_4, window_bounds = array<i64: 256, 128>}, {transform_indices = @transform_5, window_bounds = array<i64: 256, 128>}, {transform_indices = @transform_6, window_bounds = array<i64: 256, 128>}, {transform_indices = @transform_7, window_bounds = array<i64: 256, 128>}, {transform_indices = @transform_8, window_bounds = array<i64: 256, 128>}, {transform_indices = @transform_9, window_bounds = array<i64: 256, 128>}, {transform_indices = @transform_10, window_bounds = array<i64: 256, 128>}, {transform_indices = @transform_11, window_bounds = array<i64: 256, 128>}, {transform_indices = @transform_12, window_bounds = array<i64: 256, 128>}, {transform_indices = @transform_13, window_bounds = array<i64: 256, 128>}, {transform_indices = @transform_14, window_bounds = array<i64: 256, 128>}, {transform_indices = @transform_15, window_bounds = array<i64: 256, 128>}, {transform_indices = @transform_16, window_bounds = array<i64: 256, 128>}, {transform_indices = @transform_17, window_bounds = array<i64: 256, 128>}, {transform_indices = @transform_18, window_bounds = array<i64: 256, 128>}, {transform_indices = @transform_19, window_bounds = array<i64: 256, 128>}, {transform_indices = @transform_20, window_bounds = array<i64: 256, 128>}, {transform_indices = @transform_21, window_bounds = array<i64: 256, 128>}, {transform_indices = @transform_22, window_bounds = array<i64: 256, 128>}, {transform_indices = @transform_23, window_bounds = array<i64: 256, 128>}, {transform_indices = @transform_24, window_bounds = array<i64: 256, 128>}, {transform_indices = @transform_25, window_bounds = array<i64: 256, 128>}, {transform_indices = @transform_26, window_bounds = array<i64: 256, 128>}, {transform_indices = @transform_27, window_bounds = array<i64: 256, 128>}, {transform_indices = @transform_28, window_bounds = array<i64: 256, 128>}, {transform_indices = @transform_29, window_bounds = array<i64: 256, 128>}, {transform_indices = @transform_30, window_bounds = array<i64: 256, 128>}, {transform_indices = @transform_31, window_bounds = array<i64: 256, 128>}, {transform_indices = @transform_32, window_bounds = array<i64: 256, 128>}, {transform_indices = @transform_33, window_bounds = array<i64: 256, 128>}, {transform_indices = @transform_34, window_bounds = array<i64: 256, 128>}, {transform_indices = @transform_35, window_bounds = array<i64: 256, 128>}, {transform_indices = @transform_36, window_bounds = array<i64: 256, 128>}, {transform_indices = @transform_37, window_bounds = array<i64: 256, 128>}, {transform_indices = @transform_38, window_bounds = array<i64: 256, 128>}, {transform_indices = @transform_39, window_bounds = array<i64: 256, 128>}, {transform_indices = @transform_40, window_bounds = array<i64: 256, 128>}, {transform_indices = @transform_41, window_bounds = array<i64: 256, 128>}, {transform_indices = @transform_42, window_bounds = array<i64: 256, 128>}, {transform_indices = @transform_43, window_bounds = array<i64: 256, 128>}, {transform_indices = @transform_44, window_bounds = array<i64: 256, 128>}, {transform_indices = @transform_45, window_bounds = array<i64: 256, 128>}, {transform_indices = @transform_46, window_bounds = array<i64: 256, 128>}, {transform_indices = @transform_47, window_bounds = array<i64: 256, 128>}, {transform_indices = @transform_48, window_bounds = array<i64: 256, 128>}, {transform_indices = @transform_49, window_bounds = array<i64: 256, 128>}, {transform_indices = @transform_50, window_bounds = array<i64: 256, 128>}, {transform_indices = @transform_51, window_bounds = array<i64: 256, 128>}, {transform_indices = @transform_52, window_bounds = array<i64: 256, 128>}, {transform_indices = @transform_53, window_bounds = array<i64: 256, 128>}, {transform_indices = @transform_54, window_bounds = array<i64: 256, 128>}, {transform_indices = @transform_55, window_bounds = array<i64: 256, 128>}, {transform_indices = @transform_56, window_bounds = array<i64: 256, 128>}, {transform_indices = @transform_57, window_bounds = array<i64: 256, 128>}, {transform_indices = @transform_58, window_bounds = array<i64: 256, 128>}, {transform_indices = @transform_59, window_bounds = array<i64: 256, 128>}, {transform_indices = @transform_60, window_bounds = array<i64: 256, 128>}, {transform_indices = @transform_61, window_bounds = array<i64: 256, 128>}, {transform_indices = @transform_62, window_bounds = array<i64: 256, 128>}, {transform_indices = @transform_63, window_bounds = array<i64: 256, 128>}, {transform_indices = @transform_64, window_bounds = array<i64: 256, 128>}, {transform_indices = @transform_65, window_bounds = array<i64: 256, 128>}, {transform_indices = @transform_66, window_bounds = array<i64: 256, 128>}, {transform_indices = @transform_67, window_bounds = array<i64: 256, 128>}, {transform_indices = @transform_68, window_bounds = array<i64: 256, 128>}, {transform_indices = @transform_69, window_bounds = array<i64: 256, 128>}, {transform_indices = @transform_70, window_bounds = array<i64: 256, 128>}, {transform_indices = @transform_71, window_bounds = array<i64: 256, 128>}, {transform_indices = @transform_72, window_bounds = array<i64: 256, 128>}, {transform_indices = @transform_73, window_bounds = array<i64: 256, 128>}, {transform_indices = @transform_74, window_bounds = array<i64: 256, 128>}, {transform_indices = @transform_75, window_bounds = array<i64: 256, 128>}, {transform_indices = @transform_76, window_bounds = array<i64: 256, 128>}, {transform_indices = @transform_77, window_bounds = array<i64: 256, 128>}, {transform_indices = @transform_78, window_bounds = array<i64: 256, 128>}, {transform_indices = @transform_79, window_bounds = array<i64: 256, 128>}, {transform_indices = @transform_80, window_bounds = array<i64: 256, 128>}, {transform_indices = @transform_81, window_bounds = array<i64: 256, 128>}, {transform_indices = @transform_82, window_bounds = array<i64: 256, 128>}, {transform_indices = @transform_83, window_bounds = array<i64: 256, 128>}, {transform_indices = @transform_84, window_bounds = array<i64: 256, 128>}, {transform_indices = @transform_85, window_bounds = array<i64: 256, 128>}, {transform_indices = @transform_86, window_bounds = array<i64: 256, 128>}, {transform_indices = @transform_87, window_bounds = array<i64: 256, 128>}, {transform_indices = @transform_88, window_bounds = array<i64: 256, 5656>}]} {
    %get3A = arith.constant 0 : index
    %get3A_0 = arith.constant 0 : index
    %get3A_1 = vector.load %arg1[%get3A, %get3A_0] : memref<256x24xf32, #tpu.memory_space<vmem>>, vector<256x24xf32>
    %swap3A = arith.constant 0 : index
    %swap3A_2 = arith.constant 0 : index
    %swap3A_3 = vector.load %arg89[%swap3A, %swap3A_2] : memref<256x5656xf32, #tpu.memory_space<vmem>>, vector<256x24xf32>
    tpu.vector_store %arg89[%swap3A, %swap3A_2], %get3A_1 {strides = array<i32>} : memref<256x5656xf32, #tpu.memory_space<vmem>>, vector<256x24xf32>,
    %get3A_4 = arith.constant 0 : index
    %get3A_5 = arith.constant 0 : index
    %get3A_6 = vector.load %arg2[%get3A_4, %get3A_5] : memref<256x64xf32, #tpu.memory_space<vmem>>, vector<256x64xf32>
    %swap3A_7 = arith.constant 0 : index
    %swap3A_8 = arith.constant 24 : index
    %swap3A_9 = vector.load %arg89[%swap3A_7, %swap3A_8] : memref<256x5656xf32, #tpu.memory_space<vmem>>, vector<256x64xf32>
    tpu.vector_store %arg89[%swap3A_7, %swap3A_8], %get3A_6 {strides = array<i32>} : memref<256x5656xf32, #tpu.memory_space<vmem>>, vector<256x64xf32>,
    %get3A_10 = arith.constant 0 : index
    %get3A_11 = arith.constant 0 : index
    %get3A_12 = vector.load %arg5[%get3A_10, %get3A_11] : memref<256x128xf32, #tpu.memory_space<vmem>>, vector<256x64xf32>
    %swap3A_13 = arith.constant 0 : index
    %swap3A_14 = arith.constant 88 : index
    %swap3A_15 = vector.load %arg89[%swap3A_13, %swap3A_14] : memref<256x5656xf32, #tpu.memory_space<vmem>>, vector<256x64xf32>
    tpu.vector_store %arg89[%swap3A_13, %swap3A_14], %get3A_12 {strides = array<i32>} : memref<256x5656xf32, #tpu.memory_space<vmem>>, vector<256x64xf32>,
    %get3A_16 = arith.constant 0 : index
    %get3A_17 = arith.constant 0 : index
    %get3A_18 = vector.load %arg65[%get3A_16, %get3A_17] : memref<256x128xf32, #tpu.memory_space<vmem>>, vector<256x16xf32>
    %swap3A_19 = arith.constant 0 : index
    %swap3A_20 = arith.constant 152 : index
    %swap3A_21 = vector.load %arg89[%swap3A_19, %swap3A_20] : memref<256x5656xf32, #tpu.memory_space<vmem>>, vector<256x16xf32>
    tpu.vector_store %arg89[%swap3A_19, %swap3A_20], %get3A_18 {strides = array<i32>} : memref<256x5656xf32, #tpu.memory_space<vmem>>, vector<256x16xf32>,
    %get3A_22 = arith.constant 0 : index
    %get3A_23 = arith.constant 0 : index
    %get3A_24 = vector.load %arg77[%get3A_22, %get3A_23] : memref<256x128xf32, #tpu.memory_space<vmem>>, vector<256x16xf32>
    %swap3A_25 = arith.constant 0 : index
    %swap3A_26 = arith.constant 168 : index
    %swap3A_27 = vector.load %arg89[%swap3A_25, %swap3A_26] : memref<256x5656xf32, #tpu.memory_space<vmem>>, vector<256x16xf32>
    tpu.vector_store %arg89[%swap3A_25, %swap3A_26], %get3A_24 {strides = array<i32>} : memref<256x5656xf32, #tpu.memory_space<vmem>>, vector<256x16xf32>,
    %get3A_28 = arith.constant 0 : index
    %get3A_29 = arith.constant 0 : index
    %get3A_30 = vector.load %arg3[%get3A_28, %get3A_29] : memref<256x576xf32, #tpu.memory_space<vmem>>, vector<256x48xf32>
    %swap3A_31 = arith.constant 0 : index
    %swap3A_32 = arith.constant 184 : index
    %swap3A_33 = vector.load %arg89[%swap3A_31, %swap3A_32] : memref<256x5656xf32, #tpu.memory_space<vmem>>, vector<256x48xf32>
    tpu.vector_store %arg89[%swap3A_31, %swap3A_32], %get3A_30 {strides = array<i32>} : memref<256x5656xf32, #tpu.memory_space<vmem>>, vector<256x48xf32>,
    %get3A_34 = arith.constant 0 : index
    %get3A_35 = arith.constant 0 : index
    %get3A_36 = vector.load %arg17[%get3A_34, %get3A_35] : memref<256x128xf32, #tpu.memory_space<vmem>>, vector<256x64xf32>
    %swap3A_37 = arith.constant 0 : index
    %swap3A_38 = arith.constant 232 : index
    %swap3A_39 = vector.load %arg89[%swap3A_37, %swap3A_38] : memref<256x5656xf32, #tpu.memory_space<vmem>>, vector<256x64xf32>
    tpu.vector_store %arg89[%swap3A_37, %swap3A_38], %get3A_36 {strides = array<i32>} : memref<256x5656xf32, #tpu.memory_space<vmem>>, vector<256x64xf32>,
    %get3A_40 = arith.constant 0 : index
    %get3A_41 = arith.constant 0 : index
    %get3A_42 = vector.load %arg18[%get3A_40, %get3A_41] : memref<256x128xf32, #tpu.memory_space<vmem>>, vector<256x64xf32>
    %swap3A_43 = arith.constant 0 : index
    %swap3A_44 = arith.constant 296 : index
    %swap3A_45 = vector.load %arg89[%swap3A_43, %swap3A_44] : memref<256x5656xf32, #tpu.memory_space<vmem>>, vector<256x64xf32>
    tpu.vector_store %arg89[%swap3A_43, %swap3A_44], %get3A_42 {strides = array<i32>} : memref<256x5656xf32, #tpu.memory_space<vmem>>, vector<256x64xf32>,
    %get3A_46 = arith.constant 0 : index
    %get3A_47 = arith.constant 0 : index
    %get3A_48 = vector.load %arg19[%get3A_46, %get3A_47] : memref<256x128xf32, #tpu.memory_space<vmem>>, vector<256x64xf32>
    %swap3A_49 = arith.constant 0 : index
    %swap3A_50 = arith.constant 360 : index
    %swap3A_51 = vector.load %arg89[%swap3A_49, %swap3A_50] : memref<256x5656xf32, #tpu.memory_space<vmem>>, vector<256x64xf32>
    tpu.vector_store %arg89[%swap3A_49, %swap3A_50], %get3A_48 {strides = array<i32>} : memref<256x5656xf32, #tpu.memory_space<vmem>>, vector<256x64xf32>,
    %get3A_52 = arith.constant 0 : index
    %get3A_53 = arith.constant 0 : index
    %get3A_54 = vector.load %arg20[%get3A_52, %get3A_53] : memref<256x128xf32, #tpu.memory_space<vmem>>, vector<256x64xf32>
    %swap3A_55 = arith.constant 0 : index
    %swap3A_56 = arith.constant 424 : index
    %swap3A_57 = vector.load %arg89[%swap3A_55, %swap3A_56] : memref<256x5656xf32, #tpu.memory_space<vmem>>, vector<256x64xf32>
    tpu.vector_store %arg89[%swap3A_55, %swap3A_56], %get3A_54 {strides = array<i32>} : memref<256x5656xf32, #tpu.memory_space<vmem>>, vector<256x64xf32>,
    %get3A_58 = arith.constant 0 : index
    %get3A_59 = arith.constant 0 : index
    %get3A_60 = vector.load %arg4[%get3A_58, %get3A_59] : memref<256x768xf32, #tpu.memory_space<vmem>>, vector<256x64xf32>
    %swap3A_61 = arith.constant 0 : index
    %swap3A_62 = arith.constant 488 : index
    %swap3A_63 = vector.load %arg89[%swap3A_61, %swap3A_62] : memref<256x5656xf32, #tpu.memory_space<vmem>>, vector<256x64xf32>
    tpu.vector_store %arg89[%swap3A_61, %swap3A_62], %get3A_60 {strides = array<i32>} : memref<256x5656xf32, #tpu.memory_space<vmem>>, vector<256x64xf32>,
    %get3A_64 = arith.constant 0 : index
    %get3A_65 = arith.constant 0 : index
    %get3A_66 = vector.load %arg6[%get3A_64, %get3A_65] : memref<256x128xf32, #tpu.memory_space<vmem>>, vector<256x64xf32>
    %swap3A_67 = arith.constant 0 : index
    %swap3A_68 = arith.constant 552 : index
    %swap3A_69 = vector.load %arg89[%swap3A_67, %swap3A_68] : memref<256x5656xf32, #tpu.memory_space<vmem>>, vector<256x64xf32>
    tpu.vector_store %arg89[%swap3A_67, %swap3A_68], %get3A_66 {strides = array<i32>} : memref<256x5656xf32, #tpu.memory_space<vmem>>, vector<256x64xf32>,
    %get3A_70 = arith.constant 0 : index
    %get3A_71 = arith.constant 0 : index
    %get3A_72 = vector.load %arg66[%get3A_70, %get3A_71] : memref<256x128xf32, #tpu.memory_space<vmem>>, vector<256x16xf32>
    %swap3A_73 = arith.constant 0 : index
    %swap3A_74 = arith.constant 616 : index
    %swap3A_75 = vector.load %arg89[%swap3A_73, %swap3A_74] : memref<256x5656xf32, #tpu.memory_space<vmem>>, vector<256x16xf32>
    tpu.vector_store %arg89[%swap3A_73, %swap3A_74], %get3A_72 {strides = array<i32>} : memref<256x5656xf32, #tpu.memory_space<vmem>>, vector<256x16xf32>,
    %get3A_76 = arith.constant 0 : index
    %get3A_77 = arith.constant 0 : index
    %get3A_78 = vector.load %arg78[%get3A_76, %get3A_77] : memref<256x128xf32, #tpu.memory_space<vmem>>, vector<256x16xf32>
    %swap3A_79 = arith.constant 0 : index
    %swap3A_80 = arith.constant 632 : index
    %swap3A_81 = vector.load %arg89[%swap3A_79, %swap3A_80] : memref<256x5656xf32, #tpu.memory_space<vmem>>, vector<256x16xf32>
    tpu.vector_store %arg89[%swap3A_79, %swap3A_80], %get3A_78 {strides = array<i32>} : memref<256x5656xf32, #tpu.memory_space<vmem>>, vector<256x16xf32>,
    %get3A_82 = arith.constant 0 : index
    %get3A_83 = arith.constant 48 : index
    %get3A_84 = vector.load %arg3[%get3A_82, %get3A_83] : memref<256x576xf32, #tpu.memory_space<vmem>>, vector<256x48xf32>
    %swap3A_85 = arith.constant 0 : index
    %swap3A_86 = arith.constant 648 : index
    %swap3A_87 = vector.load %arg89[%swap3A_85, %swap3A_86] : memref<256x5656xf32, #tpu.memory_space<vmem>>, vector<256x48xf32>
    tpu.vector_store %arg89[%swap3A_85, %swap3A_86], %get3A_84 {strides = array<i32>} : memref<256x5656xf32, #tpu.memory_space<vmem>>, vector<256x48xf32>,
    %get3A_88 = arith.constant 0 : index
    %get3A_89 = arith.constant 0 : index
    %get3A_90 = vector.load %arg21[%get3A_88, %get3A_89] : memref<256x128xf32, #tpu.memory_space<vmem>>, vector<256x64xf32>
    %swap3A_91 = arith.constant 0 : index
    %swap3A_92 = arith.constant 696 : index
    %swap3A_93 = vector.load %arg89[%swap3A_91, %swap3A_92] : memref<256x5656xf32, #tpu.memory_space<vmem>>, vector<256x64xf32>
    tpu.vector_store %arg89[%swap3A_91, %swap3A_92], %get3A_90 {strides = array<i32>} : memref<256x5656xf32, #tpu.memory_space<vmem>>, vector<256x64xf32>,
    %get3A_94 = arith.constant 0 : index
    %get3A_95 = arith.constant 0 : index
    %get3A_96 = vector.load %arg22[%get3A_94, %get3A_95] : memref<256x128xf32, #tpu.memory_space<vmem>>, vector<256x64xf32>
    %swap3A_97 = arith.constant 0 : index
    %swap3A_98 = arith.constant 760 : index
    %swap3A_99 = vector.load %arg89[%swap3A_97, %swap3A_98] : memref<256x5656xf32, #tpu.memory_space<vmem>>, vector<256x64xf32>
    tpu.vector_store %arg89[%swap3A_97, %swap3A_98], %get3A_96 {strides = array<i32>} : memref<256x5656xf32, #tpu.memory_space<vmem>>, vector<256x64xf32>,
    %get3A_100 = arith.constant 0 : index
    %get3A_101 = arith.constant 0 : index
    %get3A_102 = vector.load %arg23[%get3A_100, %get3A_101] : memref<256x128xf32, #tpu.memory_space<vmem>>, vector<256x64xf32>
    %swap3A_103 = arith.constant 0 : index
    %swap3A_104 = arith.constant 824 : index
    %swap3A_105 = vector.load %arg89[%swap3A_103, %swap3A_104] : memref<256x5656xf32, #tpu.memory_space<vmem>>, vector<256x64xf32>
    tpu.vector_store %arg89[%swap3A_103, %swap3A_104], %get3A_102 {strides = array<i32>} : memref<256x5656xf32, #tpu.memory_space<vmem>>, vector<256x64xf32>,
    %get3A_106 = arith.constant 0 : index
    %get3A_107 = arith.constant 0 : index
    %get3A_108 = vector.load %arg24[%get3A_106, %get3A_107] : memref<256x128xf32, #tpu.memory_space<vmem>>, vector<256x64xf32>
    %swap3A_109 = arith.constant 0 : index
    %swap3A_110 = arith.constant 888 : index
    %swap3A_111 = vector.load %arg89[%swap3A_109, %swap3A_110] : memref<256x5656xf32, #tpu.memory_space<vmem>>, vector<256x64xf32>
    tpu.vector_store %arg89[%swap3A_109, %swap3A_110], %get3A_108 {strides = array<i32>} : memref<256x5656xf32, #tpu.memory_space<vmem>>, vector<256x64xf32>,
    %get3A_112 = arith.constant 0 : index
    %get3A_113 = arith.constant 64 : index
    %get3A_114 = vector.load %arg4[%get3A_112, %get3A_113] : memref<256x768xf32, #tpu.memory_space<vmem>>, vector<256x64xf32>
    %swap3A_115 = arith.constant 0 : index
    %swap3A_116 = arith.constant 952 : index
    %swap3A_117 = vector.load %arg89[%swap3A_115, %swap3A_116] : memref<256x5656xf32, #tpu.memory_space<vmem>>, vector<256x64xf32>
    tpu.vector_store %arg89[%swap3A_115, %swap3A_116], %get3A_114 {strides = array<i32>} : memref<256x5656xf32, #tpu.memory_space<vmem>>, vector<256x64xf32>,
    %get3A_118 = arith.constant 0 : index
    %get3A_119 = arith.constant 0 : index
    %get3A_120 = vector.load %arg7[%get3A_118, %get3A_119] : memref<256x128xf32, #tpu.memory_space<vmem>>, vector<256x64xf32>
    %swap3A_121 = arith.constant 0 : index
    %swap3A_122 = arith.constant 1016 : index
    %swap3A_123 = vector.load %arg89[%swap3A_121, %swap3A_122] : memref<256x5656xf32, #tpu.memory_space<vmem>>, vector<256x64xf32>
    tpu.vector_store %arg89[%swap3A_121, %swap3A_122], %get3A_120 {strides = array<i32>} : memref<256x5656xf32, #tpu.memory_space<vmem>>, vector<256x64xf32>,
    %get3A_124 = arith.constant 0 : index
    %get3A_125 = arith.constant 0 : index
    %get3A_126 = vector.load %arg67[%get3A_124, %get3A_125] : memref<256x128xf32, #tpu.memory_space<vmem>>, vector<256x16xf32>
    %swap3A_127 = arith.constant 0 : index
    %swap3A_128 = arith.constant 1080 : index
    %swap3A_129 = vector.load %arg89[%swap3A_127, %swap3A_128] : memref<256x5656xf32, #tpu.memory_space<vmem>>, vector<256x16xf32>
    tpu.vector_store %arg89[%swap3A_127, %swap3A_128], %get3A_126 {strides = array<i32>} : memref<256x5656xf32, #tpu.memory_space<vmem>>, vector<256x16xf32>,
    %get3A_130 = arith.constant 0 : index
    %get3A_131 = arith.constant 0 : index
    %get3A_132 = vector.load %arg79[%get3A_130, %get3A_131] : memref<256x128xf32, #tpu.memory_space<vmem>>, vector<256x16xf32>
    %swap3A_133 = arith.constant 0 : index
    %swap3A_134 = arith.constant 1096 : index
    %swap3A_135 = vector.load %arg89[%swap3A_133, %swap3A_134] : memref<256x5656xf32, #tpu.memory_space<vmem>>, vector<256x16xf32>
    tpu.vector_store %arg89[%swap3A_133, %swap3A_134], %get3A_132 {strides = array<i32>} : memref<256x5656xf32, #tpu.memory_space<vmem>>, vector<256x16xf32>,
    %get3A_136 = arith.constant 0 : index
    %get3A_137 = arith.constant 96 : index
    %get3A_138 = vector.load %arg3[%get3A_136, %get3A_137] : memref<256x576xf32, #tpu.memory_space<vmem>>, vector<256x48xf32>
    %swap3A_139 = arith.constant 0 : index
    %swap3A_140 = arith.constant 1112 : index
    %swap3A_141 = vector.load %arg89[%swap3A_139, %swap3A_140] : memref<256x5656xf32, #tpu.memory_space<vmem>>, vector<256x48xf32>
    tpu.vector_store %arg89[%swap3A_139, %swap3A_140], %get3A_138 {strides = array<i32>} : memref<256x5656xf32, #tpu.memory_space<vmem>>, vector<256x48xf32>,
    %get3A_142 = arith.constant 0 : index
    %get3A_143 = arith.constant 0 : index
    %get3A_144 = vector.load %arg25[%get3A_142, %get3A_143] : memref<256x128xf32, #tpu.memory_space<vmem>>, vector<256x64xf32>
    %swap3A_145 = arith.constant 0 : index
    %swap3A_146 = arith.constant 1160 : index
    %swap3A_147 = vector.load %arg89[%swap3A_145, %swap3A_146] : memref<256x5656xf32, #tpu.memory_space<vmem>>, vector<256x64xf32>
    tpu.vector_store %arg89[%swap3A_145, %swap3A_146], %get3A_144 {strides = array<i32>} : memref<256x5656xf32, #tpu.memory_space<vmem>>, vector<256x64xf32>,
    %get3A_148 = arith.constant 0 : index
    %get3A_149 = arith.constant 0 : index
    %get3A_150 = vector.load %arg26[%get3A_148, %get3A_149] : memref<256x128xf32, #tpu.memory_space<vmem>>, vector<256x64xf32>
    %swap3A_151 = arith.constant 0 : index
    %swap3A_152 = arith.constant 1224 : index
    %swap3A_153 = vector.load %arg89[%swap3A_151, %swap3A_152] : memref<256x5656xf32, #tpu.memory_space<vmem>>, vector<256x64xf32>
    tpu.vector_store %arg89[%swap3A_151, %swap3A_152], %get3A_150 {strides = array<i32>} : memref<256x5656xf32, #tpu.memory_space<vmem>>, vector<256x64xf32>,
    %get3A_154 = arith.constant 0 : index
    %get3A_155 = arith.constant 0 : index
    %get3A_156 = vector.load %arg27[%get3A_154, %get3A_155] : memref<256x128xf32, #tpu.memory_space<vmem>>, vector<256x64xf32>
    %swap3A_157 = arith.constant 0 : index
    %swap3A_158 = arith.constant 1288 : index
    %swap3A_159 = vector.load %arg89[%swap3A_157, %swap3A_158] : memref<256x5656xf32, #tpu.memory_space<vmem>>, vector<256x64xf32>
    tpu.vector_store %arg89[%swap3A_157, %swap3A_158], %get3A_156 {strides = array<i32>} : memref<256x5656xf32, #tpu.memory_space<vmem>>, vector<256x64xf32>,
    %get3A_160 = arith.constant 0 : index
    %get3A_161 = arith.constant 0 : index
    %get3A_162 = vector.load %arg28[%get3A_160, %get3A_161] : memref<256x128xf32, #tpu.memory_space<vmem>>, vector<256x64xf32>
    %swap3A_163 = arith.constant 0 : index
    %swap3A_164 = arith.constant 1352 : index
    %swap3A_165 = vector.load %arg89[%swap3A_163, %swap3A_164] : memref<256x5656xf32, #tpu.memory_space<vmem>>, vector<256x64xf32>
    tpu.vector_store %arg89[%swap3A_163, %swap3A_164], %get3A_162 {strides = array<i32>} : memref<256x5656xf32, #tpu.memory_space<vmem>>, vector<256x64xf32>,
    %get3A_166 = arith.constant 0 : index
    %get3A_167 = arith.constant 128 : index
    %get3A_168 = vector.load %arg4[%get3A_166, %get3A_167] : memref<256x768xf32, #tpu.memory_space<vmem>>, vector<256x64xf32>
    %swap3A_169 = arith.constant 0 : index
    %swap3A_170 = arith.constant 1416 : index
    %swap3A_171 = vector.load %arg89[%swap3A_169, %swap3A_170] : memref<256x5656xf32, #tpu.memory_space<vmem>>, vector<256x64xf32>
    tpu.vector_store %arg89[%swap3A_169, %swap3A_170], %get3A_168 {strides = array<i32>} : memref<256x5656xf32, #tpu.memory_space<vmem>>, vector<256x64xf32>,
    %get3A_172 = arith.constant 0 : index
    %get3A_173 = arith.constant 0 : index
    %get3A_174 = vector.load %arg8[%get3A_172, %get3A_173] : memref<256x128xf32, #tpu.memory_space<vmem>>, vector<256x64xf32>
    %swap3A_175 = arith.constant 0 : index
    %swap3A_176 = arith.constant 1480 : index
    %swap3A_177 = vector.load %arg89[%swap3A_175, %swap3A_176] : memref<256x5656xf32, #tpu.memory_space<vmem>>, vector<256x64xf32>
    tpu.vector_store %arg89[%swap3A_175, %swap3A_176], %get3A_174 {strides = array<i32>} : memref<256x5656xf32, #tpu.memory_space<vmem>>, vector<256x64xf32>,
    %get3A_178 = arith.constant 0 : index
    %get3A_179 = arith.constant 0 : index
    %get3A_180 = vector.load %arg68[%get3A_178, %get3A_179] : memref<256x128xf32, #tpu.memory_space<vmem>>, vector<256x16xf32>
    %swap3A_181 = arith.constant 0 : index
    %swap3A_182 = arith.constant 1544 : index
    %swap3A_183 = vector.load %arg89[%swap3A_181, %swap3A_182] : memref<256x5656xf32, #tpu.memory_space<vmem>>, vector<256x16xf32>
    tpu.vector_store %arg89[%swap3A_181, %swap3A_182], %get3A_180 {strides = array<i32>} : memref<256x5656xf32, #tpu.memory_space<vmem>>, vector<256x16xf32>,
    %get3A_184 = arith.constant 0 : index
    %get3A_185 = arith.constant 0 : index
    %get3A_186 = vector.load %arg80[%get3A_184, %get3A_185] : memref<256x128xf32, #tpu.memory_space<vmem>>, vector<256x16xf32>
    %swap3A_187 = arith.constant 0 : index
    %swap3A_188 = arith.constant 1560 : index
    %swap3A_189 = vector.load %arg89[%swap3A_187, %swap3A_188] : memref<256x5656xf32, #tpu.memory_space<vmem>>, vector<256x16xf32>
    tpu.vector_store %arg89[%swap3A_187, %swap3A_188], %get3A_186 {strides = array<i32>} : memref<256x5656xf32, #tpu.memory_space<vmem>>, vector<256x16xf32>,
    %get3A_190 = arith.constant 0 : index
    %get3A_191 = arith.constant 144 : index
    %get3A_192 = vector.load %arg3[%get3A_190, %get3A_191] : memref<256x576xf32, #tpu.memory_space<vmem>>, vector<256x48xf32>
    %swap3A_193 = arith.constant 0 : index
    %swap3A_194 = arith.constant 1576 : index
    %swap3A_195 = vector.load %arg89[%swap3A_193, %swap3A_194] : memref<256x5656xf32, #tpu.memory_space<vmem>>, vector<256x48xf32>
    tpu.vector_store %arg89[%swap3A_193, %swap3A_194], %get3A_192 {strides = array<i32>} : memref<256x5656xf32, #tpu.memory_space<vmem>>, vector<256x48xf32>,
    %get3A_196 = arith.constant 0 : index
    %get3A_197 = arith.constant 0 : index
    %get3A_198 = vector.load %arg29[%get3A_196, %get3A_197] : memref<256x128xf32, #tpu.memory_space<vmem>>, vector<256x64xf32>
    %swap3A_199 = arith.constant 0 : index
    %swap3A_200 = arith.constant 1624 : index
    %swap3A_201 = vector.load %arg89[%swap3A_199, %swap3A_200] : memref<256x5656xf32, #tpu.memory_space<vmem>>, vector<256x64xf32>
    tpu.vector_store %arg89[%swap3A_199, %swap3A_200], %get3A_198 {strides = array<i32>} : memref<256x5656xf32, #tpu.memory_space<vmem>>, vector<256x64xf32>,
    %get3A_202 = arith.constant 0 : index
    %get3A_203 = arith.constant 0 : index
    %get3A_204 = vector.load %arg30[%get3A_202, %get3A_203] : memref<256x128xf32, #tpu.memory_space<vmem>>, vector<256x64xf32>
    %swap3A_205 = arith.constant 0 : index
    %swap3A_206 = arith.constant 1688 : index
    %swap3A_207 = vector.load %arg89[%swap3A_205, %swap3A_206] : memref<256x5656xf32, #tpu.memory_space<vmem>>, vector<256x64xf32>
    tpu.vector_store %arg89[%swap3A_205, %swap3A_206], %get3A_204 {strides = array<i32>} : memref<256x5656xf32, #tpu.memory_space<vmem>>, vector<256x64xf32>,
    %get3A_208 = arith.constant 0 : index
    %get3A_209 = arith.constant 0 : index
    %get3A_210 = vector.load %arg31[%get3A_208, %get3A_209] : memref<256x128xf32, #tpu.memory_space<vmem>>, vector<256x64xf32>
    %swap3A_211 = arith.constant 0 : index
    %swap3A_212 = arith.constant 1752 : index
    %swap3A_213 = vector.load %arg89[%swap3A_211, %swap3A_212] : memref<256x5656xf32, #tpu.memory_space<vmem>>, vector<256x64xf32>
    tpu.vector_store %arg89[%swap3A_211, %swap3A_212], %get3A_210 {strides = array<i32>} : memref<256x5656xf32, #tpu.memory_space<vmem>>, vector<256x64xf32>,
    %get3A_214 = arith.constant 0 : index
    %get3A_215 = arith.constant 0 : index
    %get3A_216 = vector.load %arg32[%get3A_214, %get3A_215] : memref<256x128xf32, #tpu.memory_space<vmem>>, vector<256x64xf32>
    %swap3A_217 = arith.constant 0 : index
    %swap3A_218 = arith.constant 1816 : index
    %swap3A_219 = vector.load %arg89[%swap3A_217, %swap3A_218] : memref<256x5656xf32, #tpu.memory_space<vmem>>, vector<256x64xf32>
    tpu.vector_store %arg89[%swap3A_217, %swap3A_218], %get3A_216 {strides = array<i32>} : memref<256x5656xf32, #tpu.memory_space<vmem>>, vector<256x64xf32>,
    %get3A_220 = arith.constant 0 : index
    %get3A_221 = arith.constant 192 : index
    %get3A_222 = vector.load %arg4[%get3A_220, %get3A_221] : memref<256x768xf32, #tpu.memory_space<vmem>>, vector<256x64xf32>
    %swap3A_223 = arith.constant 0 : index
    %swap3A_224 = arith.constant 1880 : index
    %swap3A_225 = vector.load %arg89[%swap3A_223, %swap3A_224] : memref<256x5656xf32, #tpu.memory_space<vmem>>, vector<256x64xf32>
    tpu.vector_store %arg89[%swap3A_223, %swap3A_224], %get3A_222 {strides = array<i32>} : memref<256x5656xf32, #tpu.memory_space<vmem>>, vector<256x64xf32>,
    %get3A_226 = arith.constant 0 : index
    %get3A_227 = arith.constant 0 : index
    %get3A_228 = vector.load %arg9[%get3A_226, %get3A_227] : memref<256x128xf32, #tpu.memory_space<vmem>>, vector<256x64xf32>
    %swap3A_229 = arith.constant 0 : index
    %swap3A_230 = arith.constant 1944 : index
    %swap3A_231 = vector.load %arg89[%swap3A_229, %swap3A_230] : memref<256x5656xf32, #tpu.memory_space<vmem>>, vector<256x64xf32>
    tpu.vector_store %arg89[%swap3A_229, %swap3A_230], %get3A_228 {strides = array<i32>} : memref<256x5656xf32, #tpu.memory_space<vmem>>, vector<256x64xf32>,
    %get3A_232 = arith.constant 0 : index
    %get3A_233 = arith.constant 0 : index
    %get3A_234 = vector.load %arg69[%get3A_232, %get3A_233] : memref<256x128xf32, #tpu.memory_space<vmem>>, vector<256x16xf32>
    %swap3A_235 = arith.constant 0 : index
    %swap3A_236 = arith.constant 2008 : index
    %swap3A_237 = vector.load %arg89[%swap3A_235, %swap3A_236] : memref<256x5656xf32, #tpu.memory_space<vmem>>, vector<256x16xf32>
    tpu.vector_store %arg89[%swap3A_235, %swap3A_236], %get3A_234 {strides = array<i32>} : memref<256x5656xf32, #tpu.memory_space<vmem>>, vector<256x16xf32>,
    %get3A_238 = arith.constant 0 : index
    %get3A_239 = arith.constant 0 : index
    %get3A_240 = vector.load %arg81[%get3A_238, %get3A_239] : memref<256x128xf32, #tpu.memory_space<vmem>>, vector<256x16xf32>
    %swap3A_241 = arith.constant 0 : index
    %swap3A_242 = arith.constant 2024 : index
    %swap3A_243 = vector.load %arg89[%swap3A_241, %swap3A_242] : memref<256x5656xf32, #tpu.memory_space<vmem>>, vector<256x16xf32>
    tpu.vector_store %arg89[%swap3A_241, %swap3A_242], %get3A_240 {strides = array<i32>} : memref<256x5656xf32, #tpu.memory_space<vmem>>, vector<256x16xf32>,
    %get3A_244 = arith.constant 0 : index
    %get3A_245 = arith.constant 192 : index
    %get3A_246 = vector.load %arg3[%get3A_244, %get3A_245] : memref<256x576xf32, #tpu.memory_space<vmem>>, vector<256x48xf32>
    %swap3A_247 = arith.constant 0 : index
    %swap3A_248 = arith.constant 2040 : index
    %swap3A_249 = vector.load %arg89[%swap3A_247, %swap3A_248] : memref<256x5656xf32, #tpu.memory_space<vmem>>, vector<256x48xf32>
    tpu.vector_store %arg89[%swap3A_247, %swap3A_248], %get3A_246 {strides = array<i32>} : memref<256x5656xf32, #tpu.memory_space<vmem>>, vector<256x48xf32>,
    %get3A_250 = arith.constant 0 : index
    %get3A_251 = arith.constant 0 : index
    %get3A_252 = vector.load %arg33[%get3A_250, %get3A_251] : memref<256x128xf32, #tpu.memory_space<vmem>>, vector<256x64xf32>
    %swap3A_253 = arith.constant 0 : index
    %swap3A_254 = arith.constant 2088 : index
    %swap3A_255 = vector.load %arg89[%swap3A_253, %swap3A_254] : memref<256x5656xf32, #tpu.memory_space<vmem>>, vector<256x64xf32>
    tpu.vector_store %arg89[%swap3A_253, %swap3A_254], %get3A_252 {strides = array<i32>} : memref<256x5656xf32, #tpu.memory_space<vmem>>, vector<256x64xf32>,
    %get3A_256 = arith.constant 0 : index
    %get3A_257 = arith.constant 0 : index
    %get3A_258 = vector.load %arg34[%get3A_256, %get3A_257] : memref<256x128xf32, #tpu.memory_space<vmem>>, vector<256x64xf32>
    %swap3A_259 = arith.constant 0 : index
    %swap3A_260 = arith.constant 2152 : index
    %swap3A_261 = vector.load %arg89[%swap3A_259, %swap3A_260] : memref<256x5656xf32, #tpu.memory_space<vmem>>, vector<256x64xf32>
    tpu.vector_store %arg89[%swap3A_259, %swap3A_260], %get3A_258 {strides = array<i32>} : memref<256x5656xf32, #tpu.memory_space<vmem>>, vector<256x64xf32>,
    %get3A_262 = arith.constant 0 : index
    %get3A_263 = arith.constant 0 : index
    %get3A_264 = vector.load %arg35[%get3A_262, %get3A_263] : memref<256x128xf32, #tpu.memory_space<vmem>>, vector<256x64xf32>
    %swap3A_265 = arith.constant 0 : index
    %swap3A_266 = arith.constant 2216 : index
    %swap3A_267 = vector.load %arg89[%swap3A_265, %swap3A_266] : memref<256x5656xf32, #tpu.memory_space<vmem>>, vector<256x64xf32>
    tpu.vector_store %arg89[%swap3A_265, %swap3A_266], %get3A_264 {strides = array<i32>} : memref<256x5656xf32, #tpu.memory_space<vmem>>, vector<256x64xf32>,
    %get3A_268 = arith.constant 0 : index
    %get3A_269 = arith.constant 0 : index
    %get3A_270 = vector.load %arg36[%get3A_268, %get3A_269] : memref<256x128xf32, #tpu.memory_space<vmem>>, vector<256x64xf32>
    %swap3A_271 = arith.constant 0 : index
    %swap3A_272 = arith.constant 2280 : index
    %swap3A_273 = vector.load %arg89[%swap3A_271, %swap3A_272] : memref<256x5656xf32, #tpu.memory_space<vmem>>, vector<256x64xf32>
    tpu.vector_store %arg89[%swap3A_271, %swap3A_272], %get3A_270 {strides = array<i32>} : memref<256x5656xf32, #tpu.memory_space<vmem>>, vector<256x64xf32>,
    %get3A_274 = arith.constant 0 : index
    %get3A_275 = arith.constant 256 : index
    %get3A_276 = vector.load %arg4[%get3A_274, %get3A_275] : memref<256x768xf32, #tpu.memory_space<vmem>>, vector<256x64xf32>
    %swap3A_277 = arith.constant 0 : index
    %swap3A_278 = arith.constant 2344 : index
    %swap3A_279 = vector.load %arg89[%swap3A_277, %swap3A_278] : memref<256x5656xf32, #tpu.memory_space<vmem>>, vector<256x64xf32>
    tpu.vector_store %arg89[%swap3A_277, %swap3A_278], %get3A_276 {strides = array<i32>} : memref<256x5656xf32, #tpu.memory_space<vmem>>, vector<256x64xf32>,
    %get3A_280 = arith.constant 0 : index
    %get3A_281 = arith.constant 0 : index
    %get3A_282 = vector.load %arg10[%get3A_280, %get3A_281] : memref<256x128xf32, #tpu.memory_space<vmem>>, vector<256x64xf32>
    %swap3A_283 = arith.constant 0 : index
    %swap3A_284 = arith.constant 2408 : index
    %swap3A_285 = vector.load %arg89[%swap3A_283, %swap3A_284] : memref<256x5656xf32, #tpu.memory_space<vmem>>, vector<256x64xf32>
    tpu.vector_store %arg89[%swap3A_283, %swap3A_284], %get3A_282 {strides = array<i32>} : memref<256x5656xf32, #tpu.memory_space<vmem>>, vector<256x64xf32>,
    %get3A_286 = arith.constant 0 : index
    %get3A_287 = arith.constant 0 : index
    %get3A_288 = vector.load %arg70[%get3A_286, %get3A_287] : memref<256x128xf32, #tpu.memory_space<vmem>>, vector<256x16xf32>
    %swap3A_289 = arith.constant 0 : index
    %swap3A_290 = arith.constant 2472 : index
    %swap3A_291 = vector.load %arg89[%swap3A_289, %swap3A_290] : memref<256x5656xf32, #tpu.memory_space<vmem>>, vector<256x16xf32>
    tpu.vector_store %arg89[%swap3A_289, %swap3A_290], %get3A_288 {strides = array<i32>} : memref<256x5656xf32, #tpu.memory_space<vmem>>, vector<256x16xf32>,
    %get3A_292 = arith.constant 0 : index
    %get3A_293 = arith.constant 0 : index
    %get3A_294 = vector.load %arg82[%get3A_292, %get3A_293] : memref<256x128xf32, #tpu.memory_space<vmem>>, vector<256x16xf32>
    %swap3A_295 = arith.constant 0 : index
    %swap3A_296 = arith.constant 2488 : index
    %swap3A_297 = vector.load %arg89[%swap3A_295, %swap3A_296] : memref<256x5656xf32, #tpu.memory_space<vmem>>, vector<256x16xf32>
    tpu.vector_store %arg89[%swap3A_295, %swap3A_296], %get3A_294 {strides = array<i32>} : memref<256x5656xf32, #tpu.memory_space<vmem>>, vector<256x16xf32>,
    %get3A_298 = arith.constant 0 : index
    %get3A_299 = arith.constant 240 : index
    %get3A_300 = vector.load %arg3[%get3A_298, %get3A_299] : memref<256x576xf32, #tpu.memory_space<vmem>>, vector<256x48xf32>
    %swap3A_301 = arith.constant 0 : index
    %swap3A_302 = arith.constant 2504 : index
    %swap3A_303 = vector.load %arg89[%swap3A_301, %swap3A_302] : memref<256x5656xf32, #tpu.memory_space<vmem>>, vector<256x48xf32>
    tpu.vector_store %arg89[%swap3A_301, %swap3A_302], %get3A_300 {strides = array<i32>} : memref<256x5656xf32, #tpu.memory_space<vmem>>, vector<256x48xf32>,
    %get3A_304 = arith.constant 0 : index
    %get3A_305 = arith.constant 0 : index
    %get3A_306 = vector.load %arg37[%get3A_304, %get3A_305] : memref<256x128xf32, #tpu.memory_space<vmem>>, vector<256x64xf32>
    %swap3A_307 = arith.constant 0 : index
    %swap3A_308 = arith.constant 2552 : index
    %swap3A_309 = vector.load %arg89[%swap3A_307, %swap3A_308] : memref<256x5656xf32, #tpu.memory_space<vmem>>, vector<256x64xf32>
    tpu.vector_store %arg89[%swap3A_307, %swap3A_308], %get3A_306 {strides = array<i32>} : memref<256x5656xf32, #tpu.memory_space<vmem>>, vector<256x64xf32>,
    %get3A_310 = arith.constant 0 : index
    %get3A_311 = arith.constant 0 : index
    %get3A_312 = vector.load %arg38[%get3A_310, %get3A_311] : memref<256x128xf32, #tpu.memory_space<vmem>>, vector<256x64xf32>
    %swap3A_313 = arith.constant 0 : index
    %swap3A_314 = arith.constant 2616 : index
    %swap3A_315 = vector.load %arg89[%swap3A_313, %swap3A_314] : memref<256x5656xf32, #tpu.memory_space<vmem>>, vector<256x64xf32>
    tpu.vector_store %arg89[%swap3A_313, %swap3A_314], %get3A_312 {strides = array<i32>} : memref<256x5656xf32, #tpu.memory_space<vmem>>, vector<256x64xf32>,
    %get3A_316 = arith.constant 0 : index
    %get3A_317 = arith.constant 0 : index
    %get3A_318 = vector.load %arg39[%get3A_316, %get3A_317] : memref<256x128xf32, #tpu.memory_space<vmem>>, vector<256x64xf32>
    %swap3A_319 = arith.constant 0 : index
    %swap3A_320 = arith.constant 2680 : index
    %swap3A_321 = vector.load %arg89[%swap3A_319, %swap3A_320] : memref<256x5656xf32, #tpu.memory_space<vmem>>, vector<256x64xf32>
    tpu.vector_store %arg89[%swap3A_319, %swap3A_320], %get3A_318 {strides = array<i32>} : memref<256x5656xf32, #tpu.memory_space<vmem>>, vector<256x64xf32>,
    %get3A_322 = arith.constant 0 : index
    %get3A_323 = arith.constant 0 : index
    %get3A_324 = vector.load %arg40[%get3A_322, %get3A_323] : memref<256x128xf32, #tpu.memory_space<vmem>>, vector<256x64xf32>
    %swap3A_325 = arith.constant 0 : index
    %swap3A_326 = arith.constant 2744 : index
    %swap3A_327 = vector.load %arg89[%swap3A_325, %swap3A_326] : memref<256x5656xf32, #tpu.memory_space<vmem>>, vector<256x64xf32>
    tpu.vector_store %arg89[%swap3A_325, %swap3A_326], %get3A_324 {strides = array<i32>} : memref<256x5656xf32, #tpu.memory_space<vmem>>, vector<256x64xf32>,
    %get3A_328 = arith.constant 0 : index
    %get3A_329 = arith.constant 320 : index
    %get3A_330 = vector.load %arg4[%get3A_328, %get3A_329] : memref<256x768xf32, #tpu.memory_space<vmem>>, vector<256x64xf32>
    %swap3A_331 = arith.constant 0 : index
    %swap3A_332 = arith.constant 2808 : index
    %swap3A_333 = vector.load %arg89[%swap3A_331, %swap3A_332] : memref<256x5656xf32, #tpu.memory_space<vmem>>, vector<256x64xf32>
    tpu.vector_store %arg89[%swap3A_331, %swap3A_332], %get3A_330 {strides = array<i32>} : memref<256x5656xf32, #tpu.memory_space<vmem>>, vector<256x64xf32>,
    %get3A_334 = arith.constant 0 : index
    %get3A_335 = arith.constant 0 : index
    %get3A_336 = vector.load %arg11[%get3A_334, %get3A_335] : memref<256x128xf32, #tpu.memory_space<vmem>>, vector<256x64xf32>
    %swap3A_337 = arith.constant 0 : index
    %swap3A_338 = arith.constant 2872 : index
    %swap3A_339 = vector.load %arg89[%swap3A_337, %swap3A_338] : memref<256x5656xf32, #tpu.memory_space<vmem>>, vector<256x64xf32>
    tpu.vector_store %arg89[%swap3A_337, %swap3A_338], %get3A_336 {strides = array<i32>} : memref<256x5656xf32, #tpu.memory_space<vmem>>, vector<256x64xf32>,
    %get3A_340 = arith.constant 0 : index
    %get3A_341 = arith.constant 0 : index
    %get3A_342 = vector.load %arg71[%get3A_340, %get3A_341] : memref<256x128xf32, #tpu.memory_space<vmem>>, vector<256x16xf32>
    %swap3A_343 = arith.constant 0 : index
    %swap3A_344 = arith.constant 2936 : index
    %swap3A_345 = vector.load %arg89[%swap3A_343, %swap3A_344] : memref<256x5656xf32, #tpu.memory_space<vmem>>, vector<256x16xf32>
    tpu.vector_store %arg89[%swap3A_343, %swap3A_344], %get3A_342 {strides = array<i32>} : memref<256x5656xf32, #tpu.memory_space<vmem>>, vector<256x16xf32>,
    %get3A_346 = arith.constant 0 : index
    %get3A_347 = arith.constant 0 : index
    %get3A_348 = vector.load %arg83[%get3A_346, %get3A_347] : memref<256x128xf32, #tpu.memory_space<vmem>>, vector<256x16xf32>
    %swap3A_349 = arith.constant 0 : index
    %swap3A_350 = arith.constant 2952 : index
    %swap3A_351 = vector.load %arg89[%swap3A_349, %swap3A_350] : memref<256x5656xf32, #tpu.memory_space<vmem>>, vector<256x16xf32>
    tpu.vector_store %arg89[%swap3A_349, %swap3A_350], %get3A_348 {strides = array<i32>} : memref<256x5656xf32, #tpu.memory_space<vmem>>, vector<256x16xf32>,
    %get3A_352 = arith.constant 0 : index
    %get3A_353 = arith.constant 288 : index
    %get3A_354 = vector.load %arg3[%get3A_352, %get3A_353] : memref<256x576xf32, #tpu.memory_space<vmem>>, vector<256x48xf32>
    %swap3A_355 = arith.constant 0 : index
    %swap3A_356 = arith.constant 2968 : index
    %swap3A_357 = vector.load %arg89[%swap3A_355, %swap3A_356] : memref<256x5656xf32, #tpu.memory_space<vmem>>, vector<256x48xf32>
    tpu.vector_store %arg89[%swap3A_355, %swap3A_356], %get3A_354 {strides = array<i32>} : memref<256x5656xf32, #tpu.memory_space<vmem>>, vector<256x48xf32>,
    %get3A_358 = arith.constant 0 : index
    %get3A_359 = arith.constant 0 : index
    %get3A_360 = vector.load %arg41[%get3A_358, %get3A_359] : memref<256x128xf32, #tpu.memory_space<vmem>>, vector<256x64xf32>
    %swap3A_361 = arith.constant 0 : index
    %swap3A_362 = arith.constant 3016 : index
    %swap3A_363 = vector.load %arg89[%swap3A_361, %swap3A_362] : memref<256x5656xf32, #tpu.memory_space<vmem>>, vector<256x64xf32>
    tpu.vector_store %arg89[%swap3A_361, %swap3A_362], %get3A_360 {strides = array<i32>} : memref<256x5656xf32, #tpu.memory_space<vmem>>, vector<256x64xf32>,
    %get3A_364 = arith.constant 0 : index
    %get3A_365 = arith.constant 0 : index
    %get3A_366 = vector.load %arg42[%get3A_364, %get3A_365] : memref<256x128xf32, #tpu.memory_space<vmem>>, vector<256x64xf32>
    %swap3A_367 = arith.constant 0 : index
    %swap3A_368 = arith.constant 3080 : index
    %swap3A_369 = vector.load %arg89[%swap3A_367, %swap3A_368] : memref<256x5656xf32, #tpu.memory_space<vmem>>, vector<256x64xf32>
    tpu.vector_store %arg89[%swap3A_367, %swap3A_368], %get3A_366 {strides = array<i32>} : memref<256x5656xf32, #tpu.memory_space<vmem>>, vector<256x64xf32>,
    %get3A_370 = arith.constant 0 : index
    %get3A_371 = arith.constant 0 : index
    %get3A_372 = vector.load %arg43[%get3A_370, %get3A_371] : memref<256x128xf32, #tpu.memory_space<vmem>>, vector<256x64xf32>
    %swap3A_373 = arith.constant 0 : index
    %swap3A_374 = arith.constant 3144 : index
    %swap3A_375 = vector.load %arg89[%swap3A_373, %swap3A_374] : memref<256x5656xf32, #tpu.memory_space<vmem>>, vector<256x64xf32>
    tpu.vector_store %arg89[%swap3A_373, %swap3A_374], %get3A_372 {strides = array<i32>} : memref<256x5656xf32, #tpu.memory_space<vmem>>, vector<256x64xf32>,
    %get3A_376 = arith.constant 0 : index
    %get3A_377 = arith.constant 0 : index
    %get3A_378 = vector.load %arg44[%get3A_376, %get3A_377] : memref<256x128xf32, #tpu.memory_space<vmem>>, vector<256x64xf32>
    %swap3A_379 = arith.constant 0 : index
    %swap3A_380 = arith.constant 3208 : index
    %swap3A_381 = vector.load %arg89[%swap3A_379, %swap3A_380] : memref<256x5656xf32, #tpu.memory_space<vmem>>, vector<256x64xf32>
    tpu.vector_store %arg89[%swap3A_379, %swap3A_380], %get3A_378 {strides = array<i32>} : memref<256x5656xf32, #tpu.memory_space<vmem>>, vector<256x64xf32>,
    %get3A_382 = arith.constant 0 : index
    %get3A_383 = arith.constant 384 : index
    %get3A_384 = vector.load %arg4[%get3A_382, %get3A_383] : memref<256x768xf32, #tpu.memory_space<vmem>>, vector<256x64xf32>
    %swap3A_385 = arith.constant 0 : index
    %swap3A_386 = arith.constant 3272 : index
    %swap3A_387 = vector.load %arg89[%swap3A_385, %swap3A_386] : memref<256x5656xf32, #tpu.memory_space<vmem>>, vector<256x64xf32>
    tpu.vector_store %arg89[%swap3A_385, %swap3A_386], %get3A_384 {strides = array<i32>} : memref<256x5656xf32, #tpu.memory_space<vmem>>, vector<256x64xf32>,
    %get3A_388 = arith.constant 0 : index
    %get3A_389 = arith.constant 0 : index
    %get3A_390 = vector.load %arg12[%get3A_388, %get3A_389] : memref<256x128xf32, #tpu.memory_space<vmem>>, vector<256x64xf32>
    %swap3A_391 = arith.constant 0 : index
    %swap3A_392 = arith.constant 3336 : index
    %swap3A_393 = vector.load %arg89[%swap3A_391, %swap3A_392] : memref<256x5656xf32, #tpu.memory_space<vmem>>, vector<256x64xf32>
    tpu.vector_store %arg89[%swap3A_391, %swap3A_392], %get3A_390 {strides = array<i32>} : memref<256x5656xf32, #tpu.memory_space<vmem>>, vector<256x64xf32>,
    %get3A_394 = arith.constant 0 : index
    %get3A_395 = arith.constant 0 : index
    %get3A_396 = vector.load %arg72[%get3A_394, %get3A_395] : memref<256x128xf32, #tpu.memory_space<vmem>>, vector<256x16xf32>
    %swap3A_397 = arith.constant 0 : index
    %swap3A_398 = arith.constant 3400 : index
    %swap3A_399 = vector.load %arg89[%swap3A_397, %swap3A_398] : memref<256x5656xf32, #tpu.memory_space<vmem>>, vector<256x16xf32>
    tpu.vector_store %arg89[%swap3A_397, %swap3A_398], %get3A_396 {strides = array<i32>} : memref<256x5656xf32, #tpu.memory_space<vmem>>, vector<256x16xf32>,
    %get3A_400 = arith.constant 0 : index
    %get3A_401 = arith.constant 0 : index
    %get3A_402 = vector.load %arg84[%get3A_400, %get3A_401] : memref<256x128xf32, #tpu.memory_space<vmem>>, vector<256x16xf32>
    %swap3A_403 = arith.constant 0 : index
    %swap3A_404 = arith.constant 3416 : index
    %swap3A_405 = vector.load %arg89[%swap3A_403, %swap3A_404] : memref<256x5656xf32, #tpu.memory_space<vmem>>, vector<256x16xf32>
    tpu.vector_store %arg89[%swap3A_403, %swap3A_404], %get3A_402 {strides = array<i32>} : memref<256x5656xf32, #tpu.memory_space<vmem>>, vector<256x16xf32>,
    %get3A_406 = arith.constant 0 : index
    %get3A_407 = arith.constant 336 : index
    %get3A_408 = vector.load %arg3[%get3A_406, %get3A_407] : memref<256x576xf32, #tpu.memory_space<vmem>>, vector<256x48xf32>
    %swap3A_409 = arith.constant 0 : index
    %swap3A_410 = arith.constant 3432 : index
    %swap3A_411 = vector.load %arg89[%swap3A_409, %swap3A_410] : memref<256x5656xf32, #tpu.memory_space<vmem>>, vector<256x48xf32>
    tpu.vector_store %arg89[%swap3A_409, %swap3A_410], %get3A_408 {strides = array<i32>} : memref<256x5656xf32, #tpu.memory_space<vmem>>, vector<256x48xf32>,
    %get3A_412 = arith.constant 0 : index
    %get3A_413 = arith.constant 0 : index
    %get3A_414 = vector.load %arg45[%get3A_412, %get3A_413] : memref<256x128xf32, #tpu.memory_space<vmem>>, vector<256x64xf32>
    %swap3A_415 = arith.constant 0 : index
    %swap3A_416 = arith.constant 3480 : index
    %swap3A_417 = vector.load %arg89[%swap3A_415, %swap3A_416] : memref<256x5656xf32, #tpu.memory_space<vmem>>, vector<256x64xf32>
    tpu.vector_store %arg89[%swap3A_415, %swap3A_416], %get3A_414 {strides = array<i32>} : memref<256x5656xf32, #tpu.memory_space<vmem>>, vector<256x64xf32>,
    %get3A_418 = arith.constant 0 : index
    %get3A_419 = arith.constant 0 : index
    %get3A_420 = vector.load %arg46[%get3A_418, %get3A_419] : memref<256x128xf32, #tpu.memory_space<vmem>>, vector<256x64xf32>
    %swap3A_421 = arith.constant 0 : index
    %swap3A_422 = arith.constant 3544 : index
    %swap3A_423 = vector.load %arg89[%swap3A_421, %swap3A_422] : memref<256x5656xf32, #tpu.memory_space<vmem>>, vector<256x64xf32>
    tpu.vector_store %arg89[%swap3A_421, %swap3A_422], %get3A_420 {strides = array<i32>} : memref<256x5656xf32, #tpu.memory_space<vmem>>, vector<256x64xf32>,
    %get3A_424 = arith.constant 0 : index
    %get3A_425 = arith.constant 0 : index
    %get3A_426 = vector.load %arg47[%get3A_424, %get3A_425] : memref<256x128xf32, #tpu.memory_space<vmem>>, vector<256x64xf32>
    %swap3A_427 = arith.constant 0 : index
    %swap3A_428 = arith.constant 3608 : index
    %swap3A_429 = vector.load %arg89[%swap3A_427, %swap3A_428] : memref<256x5656xf32, #tpu.memory_space<vmem>>, vector<256x64xf32>
    tpu.vector_store %arg89[%swap3A_427, %swap3A_428], %get3A_426 {strides = array<i32>} : memref<256x5656xf32, #tpu.memory_space<vmem>>, vector<256x64xf32>,
    %get3A_430 = arith.constant 0 : index
    %get3A_431 = arith.constant 0 : index
    %get3A_432 = vector.load %arg48[%get3A_430, %get3A_431] : memref<256x128xf32, #tpu.memory_space<vmem>>, vector<256x64xf32>
    %swap3A_433 = arith.constant 0 : index
    %swap3A_434 = arith.constant 3672 : index
    %swap3A_435 = vector.load %arg89[%swap3A_433, %swap3A_434] : memref<256x5656xf32, #tpu.memory_space<vmem>>, vector<256x64xf32>
    tpu.vector_store %arg89[%swap3A_433, %swap3A_434], %get3A_432 {strides = array<i32>} : memref<256x5656xf32, #tpu.memory_space<vmem>>, vector<256x64xf32>,
    %get3A_436 = arith.constant 0 : index
    %get3A_437 = arith.constant 448 : index
    %get3A_438 = vector.load %arg4[%get3A_436, %get3A_437] : memref<256x768xf32, #tpu.memory_space<vmem>>, vector<256x64xf32>
    %swap3A_439 = arith.constant 0 : index
    %swap3A_440 = arith.constant 3736 : index
    %swap3A_441 = vector.load %arg89[%swap3A_439, %swap3A_440] : memref<256x5656xf32, #tpu.memory_space<vmem>>, vector<256x64xf32>
    tpu.vector_store %arg89[%swap3A_439, %swap3A_440], %get3A_438 {strides = array<i32>} : memref<256x5656xf32, #tpu.memory_space<vmem>>, vector<256x64xf32>,
    %get3A_442 = arith.constant 0 : index
    %get3A_443 = arith.constant 0 : index
    %get3A_444 = vector.load %arg13[%get3A_442, %get3A_443] : memref<256x128xf32, #tpu.memory_space<vmem>>, vector<256x64xf32>
    %swap3A_445 = arith.constant 0 : index
    %swap3A_446 = arith.constant 3800 : index
    %swap3A_447 = vector.load %arg89[%swap3A_445, %swap3A_446] : memref<256x5656xf32, #tpu.memory_space<vmem>>, vector<256x64xf32>
    tpu.vector_store %arg89[%swap3A_445, %swap3A_446], %get3A_444 {strides = array<i32>} : memref<256x5656xf32, #tpu.memory_space<vmem>>, vector<256x64xf32>,
    %get3A_448 = arith.constant 0 : index
    %get3A_449 = arith.constant 0 : index
    %get3A_450 = vector.load %arg73[%get3A_448, %get3A_449] : memref<256x128xf32, #tpu.memory_space<vmem>>, vector<256x16xf32>
    %swap3A_451 = arith.constant 0 : index
    %swap3A_452 = arith.constant 3864 : index
    %swap3A_453 = vector.load %arg89[%swap3A_451, %swap3A_452] : memref<256x5656xf32, #tpu.memory_space<vmem>>, vector<256x16xf32>
    tpu.vector_store %arg89[%swap3A_451, %swap3A_452], %get3A_450 {strides = array<i32>} : memref<256x5656xf32, #tpu.memory_space<vmem>>, vector<256x16xf32>,
    %get3A_454 = arith.constant 0 : index
    %get3A_455 = arith.constant 0 : index
    %get3A_456 = vector.load %arg85[%get3A_454, %get3A_455] : memref<256x128xf32, #tpu.memory_space<vmem>>, vector<256x16xf32>
    %swap3A_457 = arith.constant 0 : index
    %swap3A_458 = arith.constant 3880 : index
    %swap3A_459 = vector.load %arg89[%swap3A_457, %swap3A_458] : memref<256x5656xf32, #tpu.memory_space<vmem>>, vector<256x16xf32>
    tpu.vector_store %arg89[%swap3A_457, %swap3A_458], %get3A_456 {strides = array<i32>} : memref<256x5656xf32, #tpu.memory_space<vmem>>, vector<256x16xf32>,
    %get3A_460 = arith.constant 0 : index
    %get3A_461 = arith.constant 384 : index
    %get3A_462 = vector.load %arg3[%get3A_460, %get3A_461] : memref<256x576xf32, #tpu.memory_space<vmem>>, vector<256x48xf32>
    %swap3A_463 = arith.constant 0 : index
    %swap3A_464 = arith.constant 3896 : index
    %swap3A_465 = vector.load %arg89[%swap3A_463, %swap3A_464] : memref<256x5656xf32, #tpu.memory_space<vmem>>, vector<256x48xf32>
    tpu.vector_store %arg89[%swap3A_463, %swap3A_464], %get3A_462 {strides = array<i32>} : memref<256x5656xf32, #tpu.memory_space<vmem>>, vector<256x48xf32>,
    %get3A_466 = arith.constant 0 : index
    %get3A_467 = arith.constant 0 : index
    %get3A_468 = vector.load %arg49[%get3A_466, %get3A_467] : memref<256x128xf32, #tpu.memory_space<vmem>>, vector<256x64xf32>
    %swap3A_469 = arith.constant 0 : index
    %swap3A_470 = arith.constant 3944 : index
    %swap3A_471 = vector.load %arg89[%swap3A_469, %swap3A_470] : memref<256x5656xf32, #tpu.memory_space<vmem>>, vector<256x64xf32>
    tpu.vector_store %arg89[%swap3A_469, %swap3A_470], %get3A_468 {strides = array<i32>} : memref<256x5656xf32, #tpu.memory_space<vmem>>, vector<256x64xf32>,
    %get3A_472 = arith.constant 0 : index
    %get3A_473 = arith.constant 0 : index
    %get3A_474 = vector.load %arg50[%get3A_472, %get3A_473] : memref<256x128xf32, #tpu.memory_space<vmem>>, vector<256x64xf32>
    %swap3A_475 = arith.constant 0 : index
    %swap3A_476 = arith.constant 4008 : index
    %swap3A_477 = vector.load %arg89[%swap3A_475, %swap3A_476] : memref<256x5656xf32, #tpu.memory_space<vmem>>, vector<256x64xf32>
    tpu.vector_store %arg89[%swap3A_475, %swap3A_476], %get3A_474 {strides = array<i32>} : memref<256x5656xf32, #tpu.memory_space<vmem>>, vector<256x64xf32>,
    %get3A_478 = arith.constant 0 : index
    %get3A_479 = arith.constant 0 : index
    %get3A_480 = vector.load %arg51[%get3A_478, %get3A_479] : memref<256x128xf32, #tpu.memory_space<vmem>>, vector<256x64xf32>
    %swap3A_481 = arith.constant 0 : index
    %swap3A_482 = arith.constant 4072 : index
    %swap3A_483 = vector.load %arg89[%swap3A_481, %swap3A_482] : memref<256x5656xf32, #tpu.memory_space<vmem>>, vector<256x64xf32>
    tpu.vector_store %arg89[%swap3A_481, %swap3A_482], %get3A_480 {strides = array<i32>} : memref<256x5656xf32, #tpu.memory_space<vmem>>, vector<256x64xf32>,
    %get3A_484 = arith.constant 0 : index
    %get3A_485 = arith.constant 0 : index
    %get3A_486 = vector.load %arg52[%get3A_484, %get3A_485] : memref<256x128xf32, #tpu.memory_space<vmem>>, vector<256x64xf32>
    %swap3A_487 = arith.constant 0 : index
    %swap3A_488 = arith.constant 4136 : index
    %swap3A_489 = vector.load %arg89[%swap3A_487, %swap3A_488] : memref<256x5656xf32, #tpu.memory_space<vmem>>, vector<256x64xf32>
    tpu.vector_store %arg89[%swap3A_487, %swap3A_488], %get3A_486 {strides = array<i32>} : memref<256x5656xf32, #tpu.memory_space<vmem>>, vector<256x64xf32>,
    %get3A_490 = arith.constant 0 : index
    %get3A_491 = arith.constant 512 : index
    %get3A_492 = vector.load %arg4[%get3A_490, %get3A_491] : memref<256x768xf32, #tpu.memory_space<vmem>>, vector<256x64xf32>
    %swap3A_493 = arith.constant 0 : index
    %swap3A_494 = arith.constant 4200 : index
    %swap3A_495 = vector.load %arg89[%swap3A_493, %swap3A_494] : memref<256x5656xf32, #tpu.memory_space<vmem>>, vector<256x64xf32>
    tpu.vector_store %arg89[%swap3A_493, %swap3A_494], %get3A_492 {strides = array<i32>} : memref<256x5656xf32, #tpu.memory_space<vmem>>, vector<256x64xf32>,
    %get3A_496 = arith.constant 0 : index
    %get3A_497 = arith.constant 0 : index
    %get3A_498 = vector.load %arg14[%get3A_496, %get3A_497] : memref<256x128xf32, #tpu.memory_space<vmem>>, vector<256x64xf32>
    %swap3A_499 = arith.constant 0 : index
    %swap3A_500 = arith.constant 4264 : index
    %swap3A_501 = vector.load %arg89[%swap3A_499, %swap3A_500] : memref<256x5656xf32, #tpu.memory_space<vmem>>, vector<256x64xf32>
    tpu.vector_store %arg89[%swap3A_499, %swap3A_500], %get3A_498 {strides = array<i32>} : memref<256x5656xf32, #tpu.memory_space<vmem>>, vector<256x64xf32>,
    %get3A_502 = arith.constant 0 : index
    %get3A_503 = arith.constant 0 : index
    %get3A_504 = vector.load %arg74[%get3A_502, %get3A_503] : memref<256x128xf32, #tpu.memory_space<vmem>>, vector<256x16xf32>
    %swap3A_505 = arith.constant 0 : index
    %swap3A_506 = arith.constant 4328 : index
    %swap3A_507 = vector.load %arg89[%swap3A_505, %swap3A_506] : memref<256x5656xf32, #tpu.memory_space<vmem>>, vector<256x16xf32>
    tpu.vector_store %arg89[%swap3A_505, %swap3A_506], %get3A_504 {strides = array<i32>} : memref<256x5656xf32, #tpu.memory_space<vmem>>, vector<256x16xf32>,
    %get3A_508 = arith.constant 0 : index
    %get3A_509 = arith.constant 0 : index
    %get3A_510 = vector.load %arg86[%get3A_508, %get3A_509] : memref<256x128xf32, #tpu.memory_space<vmem>>, vector<256x16xf32>
    %swap3A_511 = arith.constant 0 : index
    %swap3A_512 = arith.constant 4344 : index
    %swap3A_513 = vector.load %arg89[%swap3A_511, %swap3A_512] : memref<256x5656xf32, #tpu.memory_space<vmem>>, vector<256x16xf32>
    tpu.vector_store %arg89[%swap3A_511, %swap3A_512], %get3A_510 {strides = array<i32>} : memref<256x5656xf32, #tpu.memory_space<vmem>>, vector<256x16xf32>,
    %get3A_514 = arith.constant 0 : index
    %get3A_515 = arith.constant 432 : index
    %get3A_516 = vector.load %arg3[%get3A_514, %get3A_515] : memref<256x576xf32, #tpu.memory_space<vmem>>, vector<256x48xf32>
    %swap3A_517 = arith.constant 0 : index
    %swap3A_518 = arith.constant 4360 : index
    %swap3A_519 = vector.load %arg89[%swap3A_517, %swap3A_518] : memref<256x5656xf32, #tpu.memory_space<vmem>>, vector<256x48xf32>
    tpu.vector_store %arg89[%swap3A_517, %swap3A_518], %get3A_516 {strides = array<i32>} : memref<256x5656xf32, #tpu.memory_space<vmem>>, vector<256x48xf32>,
    %get3A_520 = arith.constant 0 : index
    %get3A_521 = arith.constant 0 : index
    %get3A_522 = vector.load %arg53[%get3A_520, %get3A_521] : memref<256x128xf32, #tpu.memory_space<vmem>>, vector<256x64xf32>
    %swap3A_523 = arith.constant 0 : index
    %swap3A_524 = arith.constant 4408 : index
    %swap3A_525 = vector.load %arg89[%swap3A_523, %swap3A_524] : memref<256x5656xf32, #tpu.memory_space<vmem>>, vector<256x64xf32>
    tpu.vector_store %arg89[%swap3A_523, %swap3A_524], %get3A_522 {strides = array<i32>} : memref<256x5656xf32, #tpu.memory_space<vmem>>, vector<256x64xf32>,
    %get3A_526 = arith.constant 0 : index
    %get3A_527 = arith.constant 0 : index
    %get3A_528 = vector.load %arg54[%get3A_526, %get3A_527] : memref<256x128xf32, #tpu.memory_space<vmem>>, vector<256x64xf32>
    %swap3A_529 = arith.constant 0 : index
    %swap3A_530 = arith.constant 4472 : index
    %swap3A_531 = vector.load %arg89[%swap3A_529, %swap3A_530] : memref<256x5656xf32, #tpu.memory_space<vmem>>, vector<256x64xf32>
    tpu.vector_store %arg89[%swap3A_529, %swap3A_530], %get3A_528 {strides = array<i32>} : memref<256x5656xf32, #tpu.memory_space<vmem>>, vector<256x64xf32>,
    %get3A_532 = arith.constant 0 : index
    %get3A_533 = arith.constant 0 : index
    %get3A_534 = vector.load %arg55[%get3A_532, %get3A_533] : memref<256x128xf32, #tpu.memory_space<vmem>>, vector<256x64xf32>
    %swap3A_535 = arith.constant 0 : index
    %swap3A_536 = arith.constant 4536 : index
    %swap3A_537 = vector.load %arg89[%swap3A_535, %swap3A_536] : memref<256x5656xf32, #tpu.memory_space<vmem>>, vector<256x64xf32>
    tpu.vector_store %arg89[%swap3A_535, %swap3A_536], %get3A_534 {strides = array<i32>} : memref<256x5656xf32, #tpu.memory_space<vmem>>, vector<256x64xf32>,
    %get3A_538 = arith.constant 0 : index
    %get3A_539 = arith.constant 0 : index
    %get3A_540 = vector.load %arg56[%get3A_538, %get3A_539] : memref<256x128xf32, #tpu.memory_space<vmem>>, vector<256x64xf32>
    %swap3A_541 = arith.constant 0 : index
    %swap3A_542 = arith.constant 4600 : index
    %swap3A_543 = vector.load %arg89[%swap3A_541, %swap3A_542] : memref<256x5656xf32, #tpu.memory_space<vmem>>, vector<256x64xf32>
    tpu.vector_store %arg89[%swap3A_541, %swap3A_542], %get3A_540 {strides = array<i32>} : memref<256x5656xf32, #tpu.memory_space<vmem>>, vector<256x64xf32>,
    %get3A_544 = arith.constant 0 : index
    %get3A_545 = arith.constant 576 : index
    %get3A_546 = vector.load %arg4[%get3A_544, %get3A_545] : memref<256x768xf32, #tpu.memory_space<vmem>>, vector<256x64xf32>
    %swap3A_547 = arith.constant 0 : index
    %swap3A_548 = arith.constant 4664 : index
    %swap3A_549 = vector.load %arg89[%swap3A_547, %swap3A_548] : memref<256x5656xf32, #tpu.memory_space<vmem>>, vector<256x64xf32>
    tpu.vector_store %arg89[%swap3A_547, %swap3A_548], %get3A_546 {strides = array<i32>} : memref<256x5656xf32, #tpu.memory_space<vmem>>, vector<256x64xf32>,
    %get3A_550 = arith.constant 0 : index
    %get3A_551 = arith.constant 0 : index
    %get3A_552 = vector.load %arg15[%get3A_550, %get3A_551] : memref<256x128xf32, #tpu.memory_space<vmem>>, vector<256x64xf32>
    %swap3A_553 = arith.constant 0 : index
    %swap3A_554 = arith.constant 4728 : index
    %swap3A_555 = vector.load %arg89[%swap3A_553, %swap3A_554] : memref<256x5656xf32, #tpu.memory_space<vmem>>, vector<256x64xf32>
    tpu.vector_store %arg89[%swap3A_553, %swap3A_554], %get3A_552 {strides = array<i32>} : memref<256x5656xf32, #tpu.memory_space<vmem>>, vector<256x64xf32>,
    %get3A_556 = arith.constant 0 : index
    %get3A_557 = arith.constant 0 : index
    %get3A_558 = vector.load %arg75[%get3A_556, %get3A_557] : memref<256x128xf32, #tpu.memory_space<vmem>>, vector<256x16xf32>
    %swap3A_559 = arith.constant 0 : index
    %swap3A_560 = arith.constant 4792 : index
    %swap3A_561 = vector.load %arg89[%swap3A_559, %swap3A_560] : memref<256x5656xf32, #tpu.memory_space<vmem>>, vector<256x16xf32>
    tpu.vector_store %arg89[%swap3A_559, %swap3A_560], %get3A_558 {strides = array<i32>} : memref<256x5656xf32, #tpu.memory_space<vmem>>, vector<256x16xf32>,
    %get3A_562 = arith.constant 0 : index
    %get3A_563 = arith.constant 0 : index
    %get3A_564 = vector.load %arg87[%get3A_562, %get3A_563] : memref<256x128xf32, #tpu.memory_space<vmem>>, vector<256x16xf32>
    %swap3A_565 = arith.constant 0 : index
    %swap3A_566 = arith.constant 4808 : index
    %swap3A_567 = vector.load %arg89[%swap3A_565, %swap3A_566] : memref<256x5656xf32, #tpu.memory_space<vmem>>, vector<256x16xf32>
    tpu.vector_store %arg89[%swap3A_565, %swap3A_566], %get3A_564 {strides = array<i32>} : memref<256x5656xf32, #tpu.memory_space<vmem>>, vector<256x16xf32>,
    %get3A_568 = arith.constant 0 : index
    %get3A_569 = arith.constant 480 : index
    %get3A_570 = vector.load %arg3[%get3A_568, %get3A_569] : memref<256x576xf32, #tpu.memory_space<vmem>>, vector<256x48xf32>
    %swap3A_571 = arith.constant 0 : index
    %swap3A_572 = arith.constant 4824 : index
    %swap3A_573 = vector.load %arg89[%swap3A_571, %swap3A_572] : memref<256x5656xf32, #tpu.memory_space<vmem>>, vector<256x48xf32>
    tpu.vector_store %arg89[%swap3A_571, %swap3A_572], %get3A_570 {strides = array<i32>} : memref<256x5656xf32, #tpu.memory_space<vmem>>, vector<256x48xf32>,
    %get3A_574 = arith.constant 0 : index
    %get3A_575 = arith.constant 0 : index
    %get3A_576 = vector.load %arg57[%get3A_574, %get3A_575] : memref<256x128xf32, #tpu.memory_space<vmem>>, vector<256x64xf32>
    %swap3A_577 = arith.constant 0 : index
    %swap3A_578 = arith.constant 4872 : index
    %swap3A_579 = vector.load %arg89[%swap3A_577, %swap3A_578] : memref<256x5656xf32, #tpu.memory_space<vmem>>, vector<256x64xf32>
    tpu.vector_store %arg89[%swap3A_577, %swap3A_578], %get3A_576 {strides = array<i32>} : memref<256x5656xf32, #tpu.memory_space<vmem>>, vector<256x64xf32>,
    %get3A_580 = arith.constant 0 : index
    %get3A_581 = arith.constant 0 : index
    %get3A_582 = vector.load %arg58[%get3A_580, %get3A_581] : memref<256x128xf32, #tpu.memory_space<vmem>>, vector<256x64xf32>
    %swap3A_583 = arith.constant 0 : index
    %swap3A_584 = arith.constant 4936 : index
    %swap3A_585 = vector.load %arg89[%swap3A_583, %swap3A_584] : memref<256x5656xf32, #tpu.memory_space<vmem>>, vector<256x64xf32>
    tpu.vector_store %arg89[%swap3A_583, %swap3A_584], %get3A_582 {strides = array<i32>} : memref<256x5656xf32, #tpu.memory_space<vmem>>, vector<256x64xf32>,
    %get3A_586 = arith.constant 0 : index
    %get3A_587 = arith.constant 0 : index
    %get3A_588 = vector.load %arg59[%get3A_586, %get3A_587] : memref<256x128xf32, #tpu.memory_space<vmem>>, vector<256x64xf32>
    %swap3A_589 = arith.constant 0 : index
    %swap3A_590 = arith.constant 5000 : index
    %swap3A_591 = vector.load %arg89[%swap3A_589, %swap3A_590] : memref<256x5656xf32, #tpu.memory_space<vmem>>, vector<256x64xf32>
    tpu.vector_store %arg89[%swap3A_589, %swap3A_590], %get3A_588 {strides = array<i32>} : memref<256x5656xf32, #tpu.memory_space<vmem>>, vector<256x64xf32>,
    %get3A_592 = arith.constant 0 : index
    %get3A_593 = arith.constant 0 : index
    %get3A_594 = vector.load %arg60[%get3A_592, %get3A_593] : memref<256x128xf32, #tpu.memory_space<vmem>>, vector<256x64xf32>
    %swap3A_595 = arith.constant 0 : index
    %swap3A_596 = arith.constant 5064 : index
    %swap3A_597 = vector.load %arg89[%swap3A_595, %swap3A_596] : memref<256x5656xf32, #tpu.memory_space<vmem>>, vector<256x64xf32>
    tpu.vector_store %arg89[%swap3A_595, %swap3A_596], %get3A_594 {strides = array<i32>} : memref<256x5656xf32, #tpu.memory_space<vmem>>, vector<256x64xf32>,
    %get3A_598 = arith.constant 0 : index
    %get3A_599 = arith.constant 640 : index
    %get3A_600 = vector.load %arg4[%get3A_598, %get3A_599] : memref<256x768xf32, #tpu.memory_space<vmem>>, vector<256x64xf32>
    %swap3A_601 = arith.constant 0 : index
    %swap3A_602 = arith.constant 5128 : index
    %swap3A_603 = vector.load %arg89[%swap3A_601, %swap3A_602] : memref<256x5656xf32, #tpu.memory_space<vmem>>, vector<256x64xf32>
    tpu.vector_store %arg89[%swap3A_601, %swap3A_602], %get3A_600 {strides = array<i32>} : memref<256x5656xf32, #tpu.memory_space<vmem>>, vector<256x64xf32>,
    %get3A_604 = arith.constant 0 : index
    %get3A_605 = arith.constant 0 : index
    %get3A_606 = vector.load %arg16[%get3A_604, %get3A_605] : memref<256x128xf32, #tpu.memory_space<vmem>>, vector<256x64xf32>
    %swap3A_607 = arith.constant 0 : index
    %swap3A_608 = arith.constant 5192 : index
    %swap3A_609 = vector.load %arg89[%swap3A_607, %swap3A_608] : memref<256x5656xf32, #tpu.memory_space<vmem>>, vector<256x64xf32>
    tpu.vector_store %arg89[%swap3A_607, %swap3A_608], %get3A_606 {strides = array<i32>} : memref<256x5656xf32, #tpu.memory_space<vmem>>, vector<256x64xf32>,
    %get3A_610 = arith.constant 0 : index
    %get3A_611 = arith.constant 0 : index
    %get3A_612 = vector.load %arg76[%get3A_610, %get3A_611] : memref<256x128xf32, #tpu.memory_space<vmem>>, vector<256x16xf32>
    %swap3A_613 = arith.constant 0 : index
    %swap3A_614 = arith.constant 5256 : index
    %swap3A_615 = vector.load %arg89[%swap3A_613, %swap3A_614] : memref<256x5656xf32, #tpu.memory_space<vmem>>, vector<256x16xf32>
    tpu.vector_store %arg89[%swap3A_613, %swap3A_614], %get3A_612 {strides = array<i32>} : memref<256x5656xf32, #tpu.memory_space<vmem>>, vector<256x16xf32>,
    %get3A_616 = arith.constant 0 : index
    %get3A_617 = arith.constant 0 : index
    %get3A_618 = vector.load %arg88[%get3A_616, %get3A_617] : memref<256x128xf32, #tpu.memory_space<vmem>>, vector<256x16xf32>
    %swap3A_619 = arith.constant 0 : index
    %swap3A_620 = arith.constant 5272 : index
    %swap3A_621 = vector.load %arg89[%swap3A_619, %swap3A_620] : memref<256x5656xf32, #tpu.memory_space<vmem>>, vector<256x16xf32>
    tpu.vector_store %arg89[%swap3A_619, %swap3A_620], %get3A_618 {strides = array<i32>} : memref<256x5656xf32, #tpu.memory_space<vmem>>, vector<256x16xf32>,
    %get3A_622 = arith.constant 0 : index
    %get3A_623 = arith.constant 528 : index
    %get3A_624 = vector.load %arg3[%get3A_622, %get3A_623] : memref<256x576xf32, #tpu.memory_space<vmem>>, vector<256x48xf32>
    %swap3A_625 = arith.constant 0 : index
    %swap3A_626 = arith.constant 5288 : index
    %swap3A_627 = vector.load %arg89[%swap3A_625, %swap3A_626] : memref<256x5656xf32, #tpu.memory_space<vmem>>, vector<256x48xf32>
    tpu.vector_store %arg89[%swap3A_625, %swap3A_626], %get3A_624 {strides = array<i32>} : memref<256x5656xf32, #tpu.memory_space<vmem>>, vector<256x48xf32>,
    %get3A_628 = arith.constant 0 : index
    %get3A_629 = arith.constant 0 : index
    %get3A_630 = vector.load %arg61[%get3A_628, %get3A_629] : memref<256x128xf32, #tpu.memory_space<vmem>>, vector<256x64xf32>
    %swap3A_631 = arith.constant 0 : index
    %swap3A_632 = arith.constant 5336 : index
    %swap3A_633 = vector.load %arg89[%swap3A_631, %swap3A_632] : memref<256x5656xf32, #tpu.memory_space<vmem>>, vector<256x64xf32>
    tpu.vector_store %arg89[%swap3A_631, %swap3A_632], %get3A_630 {strides = array<i32>} : memref<256x5656xf32, #tpu.memory_space<vmem>>, vector<256x64xf32>,
    %get3A_634 = arith.constant 0 : index
    %get3A_635 = arith.constant 0 : index
    %get3A_636 = vector.load %arg62[%get3A_634, %get3A_635] : memref<256x128xf32, #tpu.memory_space<vmem>>, vector<256x64xf32>
    %swap3A_637 = arith.constant 0 : index
    %swap3A_638 = arith.constant 5400 : index
    %swap3A_639 = vector.load %arg89[%swap3A_637, %swap3A_638] : memref<256x5656xf32, #tpu.memory_space<vmem>>, vector<256x64xf32>
    tpu.vector_store %arg89[%swap3A_637, %swap3A_638], %get3A_636 {strides = array<i32>} : memref<256x5656xf32, #tpu.memory_space<vmem>>, vector<256x64xf32>,
    %get3A_640 = arith.constant 0 : index
    %get3A_641 = arith.constant 0 : index
    %get3A_642 = vector.load %arg63[%get3A_640, %get3A_641] : memref<256x128xf32, #tpu.memory_space<vmem>>, vector<256x64xf32>
    %swap3A_643 = arith.constant 0 : index
    %swap3A_644 = arith.constant 5464 : index
    %swap3A_645 = vector.load %arg89[%swap3A_643, %swap3A_644] : memref<256x5656xf32, #tpu.memory_space<vmem>>, vector<256x64xf32>
    tpu.vector_store %arg89[%swap3A_643, %swap3A_644], %get3A_642 {strides = array<i32>} : memref<256x5656xf32, #tpu.memory_space<vmem>>, vector<256x64xf32>,
    %get3A_646 = arith.constant 0 : index
    %get3A_647 = arith.constant 0 : index
    %get3A_648 = vector.load %arg64[%get3A_646, %get3A_647] : memref<256x128xf32, #tpu.memory_space<vmem>>, vector<256x64xf32>
    %swap3A_649 = arith.constant 0 : index
    %swap3A_650 = arith.constant 5528 : index
    %swap3A_651 = vector.load %arg89[%swap3A_649, %swap3A_650] : memref<256x5656xf32, #tpu.memory_space<vmem>>, vector<256x64xf32>
    tpu.vector_store %arg89[%swap3A_649, %swap3A_650], %get3A_648 {strides = array<i32>} : memref<256x5656xf32, #tpu.memory_space<vmem>>, vector<256x64xf32>,
    %get3A_652 = arith.constant 0 : index
    %get3A_653 = arith.constant 704 : index
    %get3A_654 = vector.load %arg4[%get3A_652, %get3A_653] : memref<256x768xf32, #tpu.memory_space<vmem>>, vector<256x64xf32>
    %swap3A_655 = arith.constant 0 : index
    %swap3A_656 = arith.constant 5592 : index
    %swap3A_657 = vector.load %arg89[%swap3A_655, %swap3A_656] : memref<256x5656xf32, #tpu.memory_space<vmem>>, vector<256x64xf32>
    tpu.vector_store %arg89[%swap3A_655, %swap3A_656], %get3A_654 {strides = array<i32>} : memref<256x5656xf32, #tpu.memory_space<vmem>>, vector<256x64xf32>,
    return
  }
  func.func @transform_0(%arg0: i32) -> (i32, i32) {
    %add3A = arith.constant 0 : i32
    %add3A_0 = arith.addi %arg0, %add3A : i32
    %c0_i32 = arith.constant 0 : i32
    %c0_i32_1 = arith.constant 0 : i32
    return %add3A_0, %c0_i32 : i32, i32
  }
  func.func @transform_1(%arg0: i32) -> (i32, i32) {
    %add3A = arith.constant 0 : i32
    %add3A_0 = arith.addi %arg0, %add3A : i32
    %c0_i32 = arith.constant 0 : i32
    %c0_i32_1 = arith.constant 0 : i32
    return %add3A_0, %c0_i32 : i32, i32
  }
  func.func @transform_2(%arg0: i32) -> (i32, i32) {
    %add3A = arith.constant 0 : i32
    %add3A_0 = arith.addi %arg0, %add3A : i32
    %c0_i32 = arith.constant 0 : i32
    %c0_i32_1 = arith.constant 0 : i32
    return %add3A_0, %c0_i32 : i32, i32
  }
  func.func @transform_3(%arg0: i32) -> (i32, i32) {
    %add3A = arith.constant 0 : i32
    %add3A_0 = arith.addi %arg0, %add3A : i32
    %c0_i32 = arith.constant 0 : i32
    %c0_i32_1 = arith.constant 0 : i32
    return %add3A_0, %c0_i32 : i32, i32
  }
  func.func @transform_4(%arg0: i32) -> (i32, i32) {
    %add3A = arith.constant 0 : i32
    %add3A_0 = arith.addi %add3A, %arg0 : i32
    %c0_i32 = arith.constant 0 : i32
    %c0_i32_1 = arith.constant 0 : i32
    return %add3A_0, %c0_i32 : i32, i32
  }
  func.func @transform_5(%arg0: i32) -> (i32, i32) {
    %add3A = arith.constant 32 : i32
    %add3A_0 = arith.addi %add3A, %arg0 : i32
    %c0_i32 = arith.constant 0 : i32
    %c0_i32_1 = arith.constant 0 : i32
    return %add3A_0, %c0_i32 : i32, i32
  }
  func.func @transform_6(%arg0: i32) -> (i32, i32) {
    %add3A = arith.constant 64 : i32
    %add3A_0 = arith.addi %add3A, %arg0 : i32
    %c0_i32 = arith.constant 0 : i32
    %c0_i32_1 = arith.constant 0 : i32
    return %add3A_0, %c0_i32 : i32, i32
  }
  func.func @transform_7(%arg0: i32) -> (i32, i32) {
    %add3A = arith.constant 96 : i32
    %add3A_0 = arith.addi %add3A, %arg0 : i32
    %c0_i32 = arith.constant 0 : i32
    %c0_i32_1 = arith.constant 0 : i32
    return %add3A_0, %c0_i32 : i32, i32
  }
  func.func @transform_8(%arg0: i32) -> (i32, i32) {
    %add3A = arith.constant 128 : i32
    %add3A_0 = arith.addi %add3A, %arg0 : i32
    %c0_i32 = arith.constant 0 : i32
    %c0_i32_1 = arith.constant 0 : i32
    return %add3A_0, %c0_i32 : i32, i32
  }
  func.func @transform_9(%arg0: i32) -> (i32, i32) {
    %add3A = arith.constant 160 : i32
    %add3A_0 = arith.addi %add3A, %arg0 : i32
    %c0_i32 = arith.constant 0 : i32
    %c0_i32_1 = arith.constant 0 : i32
    return %add3A_0, %c0_i32 : i32, i32
  }
  func.func @transform_10(%arg0: i32) -> (i32, i32) {
    %add3A = arith.constant 192 : i32
    %add3A_0 = arith.addi %add3A, %arg0 : i32
    %c0_i32 = arith.constant 0 : i32
    %c0_i32_1 = arith.constant 0 : i32
    return %add3A_0, %c0_i32 : i32, i32
  }
  func.func @transform_11(%arg0: i32) -> (i32, i32) {
    %add3A = arith.constant 224 : i32
    %add3A_0 = arith.addi %add3A, %arg0 : i32
    %c0_i32 = arith.constant 0 : i32
    %c0_i32_1 = arith.constant 0 : i32
    return %add3A_0, %c0_i32 : i32, i32
  }
  func.func @transform_12(%arg0: i32) -> (i32, i32) {
    %add3A = arith.constant 256 : i32
    %add3A_0 = arith.addi %add3A, %arg0 : i32
    %c0_i32 = arith.constant 0 : i32
    %c0_i32_1 = arith.constant 0 : i32
    return %add3A_0, %c0_i32 : i32, i32
  }
  func.func @transform_13(%arg0: i32) -> (i32, i32) {
    %add3A = arith.constant 288 : i32
    %add3A_0 = arith.addi %add3A, %arg0 : i32
    %c0_i32 = arith.constant 0 : i32
    %c0_i32_1 = arith.constant 0 : i32
    return %add3A_0, %c0_i32 : i32, i32
  }
  func.func @transform_14(%arg0: i32) -> (i32, i32) {
    %add3A = arith.constant 320 : i32
    %add3A_0 = arith.addi %add3A, %arg0 : i32
    %c0_i32 = arith.constant 0 : i32
    %c0_i32_1 = arith.constant 0 : i32
    return %add3A_0, %c0_i32 : i32, i32
  }
  func.func @transform_15(%arg0: i32) -> (i32, i32) {
    %add3A = arith.constant 352 : i32
    %add3A_0 = arith.addi %add3A, %arg0 : i32
    %c0_i32 = arith.constant 0 : i32
    %c0_i32_1 = arith.constant 0 : i32
    return %add3A_0, %c0_i32 : i32, i32
  }
  func.func @transform_16(%arg0: i32) -> (i32, i32) {
    %add3A = arith.constant 384 : i32
    %add3A_0 = arith.addi %add3A, %arg0 : i32
    %c0_i32 = arith.constant 0 : i32
    %c0_i32_1 = arith.constant 0 : i32
    return %add3A_0, %c0_i32 : i32, i32
  }
  func.func @transform_17(%arg0: i32) -> (i32, i32) {
    %add3A = arith.constant 416 : i32
    %add3A_0 = arith.addi %add3A, %arg0 : i32
    %c0_i32 = arith.constant 0 : i32
    %c0_i32_1 = arith.constant 0 : i32
    return %add3A_0, %c0_i32 : i32, i32
  }
  func.func @transform_18(%arg0: i32) -> (i32, i32) {
    %add3A = arith.constant 448 : i32
    %add3A_0 = arith.addi %add3A, %arg0 : i32
    %c0_i32 = arith.constant 0 : i32
    %c0_i32_1 = arith.constant 0 : i32
    return %add3A_0, %c0_i32 : i32, i32
  }
  func.func @transform_19(%arg0: i32) -> (i32, i32) {
    %add3A = arith.constant 480 : i32
    %add3A_0 = arith.addi %add3A, %arg0 : i32
    %c0_i32 = arith.constant 0 : i32
    %c0_i32_1 = arith.constant 0 : i32
    return %add3A_0, %c0_i32 : i32, i32
  }
  func.func @transform_20(%arg0: i32) -> (i32, i32) {
    %add3A = arith.constant 512 : i32
    %add3A_0 = arith.addi %add3A, %arg0 : i32
    %c0_i32 = arith.constant 0 : i32
    %c0_i32_1 = arith.constant 0 : i32
    return %add3A_0, %c0_i32 : i32, i32
  }
  func.func @transform_21(%arg0: i32) -> (i32, i32) {
    %add3A = arith.constant 544 : i32
    %add3A_0 = arith.addi %add3A, %arg0 : i32
    %c0_i32 = arith.constant 0 : i32
    %c0_i32_1 = arith.constant 0 : i32
    return %add3A_0, %c0_i32 : i32, i32
  }
  func.func @transform_22(%arg0: i32) -> (i32, i32) {
    %add3A = arith.constant 576 : i32
    %add3A_0 = arith.addi %add3A, %arg0 : i32
    %c0_i32 = arith.constant 0 : i32
    %c0_i32_1 = arith.constant 0 : i32
    return %add3A_0, %c0_i32 : i32, i32
  }
  func.func @transform_23(%arg0: i32) -> (i32, i32) {
    %add3A = arith.constant 608 : i32
    %add3A_0 = arith.addi %add3A, %arg0 : i32
    %c0_i32 = arith.constant 0 : i32
    %c0_i32_1 = arith.constant 0 : i32
    return %add3A_0, %c0_i32 : i32, i32
  }
  func.func @transform_24(%arg0: i32) -> (i32, i32) {
    %add3A = arith.constant 640 : i32
    %add3A_0 = arith.addi %add3A, %arg0 : i32
    %c0_i32 = arith.constant 0 : i32
    %c0_i32_1 = arith.constant 0 : i32
    return %add3A_0, %c0_i32 : i32, i32
  }
  func.func @transform_25(%arg0: i32) -> (i32, i32) {
    %add3A = arith.constant 672 : i32
    %add3A_0 = arith.addi %add3A, %arg0 : i32
    %c0_i32 = arith.constant 0 : i32
    %c0_i32_1 = arith.constant 0 : i32
    return %add3A_0, %c0_i32 : i32, i32
  }
  func.func @transform_26(%arg0: i32) -> (i32, i32) {
    %add3A = arith.constant 704 : i32
    %add3A_0 = arith.addi %add3A, %arg0 : i32
    %c0_i32 = arith.constant 0 : i32
    %c0_i32_1 = arith.constant 0 : i32
    return %add3A_0, %c0_i32 : i32, i32
  }
  func.func @transform_27(%arg0: i32) -> (i32, i32) {
    %add3A = arith.constant 736 : i32
    %add3A_0 = arith.addi %add3A, %arg0 : i32
    %c0_i32 = arith.constant 0 : i32
    %c0_i32_1 = arith.constant 0 : i32
    return %add3A_0, %c0_i32 : i32, i32
  }
  func.func @transform_28(%arg0: i32) -> (i32, i32) {
    %add3A = arith.constant 768 : i32
    %add3A_0 = arith.addi %add3A, %arg0 : i32
    %c0_i32 = arith.constant 0 : i32
    %c0_i32_1 = arith.constant 0 : i32
    return %add3A_0, %c0_i32 : i32, i32
  }
  func.func @transform_29(%arg0: i32) -> (i32, i32) {
    %add3A = arith.constant 800 : i32
    %add3A_0 = arith.addi %add3A, %arg0 : i32
    %c0_i32 = arith.constant 0 : i32
    %c0_i32_1 = arith.constant 0 : i32
    return %add3A_0, %c0_i32 : i32, i32
  }
  func.func @transform_30(%arg0: i32) -> (i32, i32) {
    %add3A = arith.constant 832 : i32
    %add3A_0 = arith.addi %add3A, %arg0 : i32
    %c0_i32 = arith.constant 0 : i32
    %c0_i32_1 = arith.constant 0 : i32
    return %add3A_0, %c0_i32 : i32, i32
  }
  func.func @transform_31(%arg0: i32) -> (i32, i32) {
    %add3A = arith.constant 864 : i32
    %add3A_0 = arith.addi %add3A, %arg0 : i32
    %c0_i32 = arith.constant 0 : i32
    %c0_i32_1 = arith.constant 0 : i32
    return %add3A_0, %c0_i32 : i32, i32
  }
  func.func @transform_32(%arg0: i32) -> (i32, i32) {
    %add3A = arith.constant 896 : i32
    %add3A_0 = arith.addi %add3A, %arg0 : i32
    %c0_i32 = arith.constant 0 : i32
    %c0_i32_1 = arith.constant 0 : i32
    return %add3A_0, %c0_i32 : i32, i32
  }
  func.func @transform_33(%arg0: i32) -> (i32, i32) {
    %add3A = arith.constant 928 : i32
    %add3A_0 = arith.addi %add3A, %arg0 : i32
    %c0_i32 = arith.constant 0 : i32
    %c0_i32_1 = arith.constant 0 : i32
    return %add3A_0, %c0_i32 : i32, i32
  }
  func.func @transform_34(%arg0: i32) -> (i32, i32) {
    %add3A = arith.constant 960 : i32
    %add3A_0 = arith.addi %add3A, %arg0 : i32
    %c0_i32 = arith.constant 0 : i32
    %c0_i32_1 = arith.constant 0 : i32
    return %add3A_0, %c0_i32 : i32, i32
  }
  func.func @transform_35(%arg0: i32) -> (i32, i32) {
    %add3A = arith.constant 992 : i32
    %add3A_0 = arith.addi %add3A, %arg0 : i32
    %c0_i32 = arith.constant 0 : i32
    %c0_i32_1 = arith.constant 0 : i32
    return %add3A_0, %c0_i32 : i32, i32
  }
  func.func @transform_36(%arg0: i32) -> (i32, i32) {
    %add3A = arith.constant 1024 : i32
    %add3A_0 = arith.addi %add3A, %arg0 : i32
    %c0_i32 = arith.constant 0 : i32
    %c0_i32_1 = arith.constant 0 : i32
    return %add3A_0, %c0_i32 : i32, i32
  }
  func.func @transform_37(%arg0: i32) -> (i32, i32) {
    %add3A = arith.constant 1056 : i32
    %add3A_0 = arith.addi %add3A, %arg0 : i32
    %c0_i32 = arith.constant 0 : i32
    %c0_i32_1 = arith.constant 0 : i32
    return %add3A_0, %c0_i32 : i32, i32
  }
  func.func @transform_38(%arg0: i32) -> (i32, i32) {
    %add3A = arith.constant 1088 : i32
    %add3A_0 = arith.addi %add3A, %arg0 : i32
    %c0_i32 = arith.constant 0 : i32
    %c0_i32_1 = arith.constant 0 : i32
    return %add3A_0, %c0_i32 : i32, i32
  }
  func.func @transform_39(%arg0: i32) -> (i32, i32) {
    %add3A = arith.constant 1120 : i32
    %add3A_0 = arith.addi %add3A, %arg0 : i32
    %c0_i32 = arith.constant 0 : i32
    %c0_i32_1 = arith.constant 0 : i32
    return %add3A_0, %c0_i32 : i32, i32
  }
  func.func @transform_40(%arg0: i32) -> (i32, i32) {
    %add3A = arith.constant 1152 : i32
    %add3A_0 = arith.addi %add3A, %arg0 : i32
    %c0_i32 = arith.constant 0 : i32
    %c0_i32_1 = arith.constant 0 : i32
    return %add3A_0, %c0_i32 : i32, i32
  }
  func.func @transform_41(%arg0: i32) -> (i32, i32) {
    %add3A = arith.constant 1184 : i32
    %add3A_0 = arith.addi %add3A, %arg0 : i32
    %c0_i32 = arith.constant 0 : i32
    %c0_i32_1 = arith.constant 0 : i32
    return %add3A_0, %c0_i32 : i32, i32
  }
  func.func @transform_42(%arg0: i32) -> (i32, i32) {
    %add3A = arith.constant 1216 : i32
    %add3A_0 = arith.addi %add3A, %arg0 : i32
    %c0_i32 = arith.constant 0 : i32
    %c0_i32_1 = arith.constant 0 : i32
    return %add3A_0, %c0_i32 : i32, i32
  }
  func.func @transform_43(%arg0: i32) -> (i32, i32) {
    %add3A = arith.constant 1248 : i32
    %add3A_0 = arith.addi %add3A, %arg0 : i32
    %c0_i32 = arith.constant 0 : i32
    %c0_i32_1 = arith.constant 0 : i32
    return %add3A_0, %c0_i32 : i32, i32
  }
  func.func @transform_44(%arg0: i32) -> (i32, i32) {
    %add3A = arith.constant 1280 : i32
    %add3A_0 = arith.addi %add3A, %arg0 : i32
    %c0_i32 = arith.constant 0 : i32
    %c0_i32_1 = arith.constant 0 : i32
    return %add3A_0, %c0_i32 : i32, i32
  }
  func.func @transform_45(%arg0: i32) -> (i32, i32) {
    %add3A = arith.constant 1312 : i32
    %add3A_0 = arith.addi %add3A, %arg0 : i32
    %c0_i32 = arith.constant 0 : i32
    %c0_i32_1 = arith.constant 0 : i32
    return %add3A_0, %c0_i32 : i32, i32
  }
  func.func @transform_46(%arg0: i32) -> (i32, i32) {
    %add3A = arith.constant 1344 : i32
    %add3A_0 = arith.addi %add3A, %arg0 : i32
    %c0_i32 = arith.constant 0 : i32
    %c0_i32_1 = arith.constant 0 : i32
    return %add3A_0, %c0_i32 : i32, i32
  }
  func.func @transform_47(%arg0: i32) -> (i32, i32) {
    %add3A = arith.constant 1376 : i32
    %add3A_0 = arith.addi %add3A, %arg0 : i32
    %c0_i32 = arith.constant 0 : i32
    %c0_i32_1 = arith.constant 0 : i32
    return %add3A_0, %c0_i32 : i32, i32
  }
  func.func @transform_48(%arg0: i32) -> (i32, i32) {
    %add3A = arith.constant 1408 : i32
    %add3A_0 = arith.addi %add3A, %arg0 : i32
    %c0_i32 = arith.constant 0 : i32
    %c0_i32_1 = arith.constant 0 : i32
    return %add3A_0, %c0_i32 : i32, i32
  }
  func.func @transform_49(%arg0: i32) -> (i32, i32) {
    %add3A = arith.constant 1440 : i32
    %add3A_0 = arith.addi %add3A, %arg0 : i32
    %c0_i32 = arith.constant 0 : i32
    %c0_i32_1 = arith.constant 0 : i32
    return %add3A_0, %c0_i32 : i32, i32
  }
  func.func @transform_50(%arg0: i32) -> (i32, i32) {
    %add3A = arith.constant 1472 : i32
    %add3A_0 = arith.addi %add3A, %arg0 : i32
    %c0_i32 = arith.constant 0 : i32
    %c0_i32_1 = arith.constant 0 : i32
    return %add3A_0, %c0_i32 : i32, i32
  }
  func.func @transform_51(%arg0: i32) -> (i32, i32) {
    %add3A = arith.constant 1504 : i32
    %add3A_0 = arith.addi %add3A, %arg0 : i32
    %c0_i32 = arith.constant 0 : i32
    %c0_i32_1 = arith.constant 0 : i32
    return %add3A_0, %c0_i32 : i32, i32
  }
  func.func @transform_52(%arg0: i32) -> (i32, i32) {
    %add3A = arith.constant 1536 : i32
    %add3A_0 = arith.addi %add3A, %arg0 : i32
    %c0_i32 = arith.constant 0 : i32
    %c0_i32_1 = arith.constant 0 : i32
    return %add3A_0, %c0_i32 : i32, i32
  }
  func.func @transform_53(%arg0: i32) -> (i32, i32) {
    %add3A = arith.constant 1568 : i32
    %add3A_0 = arith.addi %add3A, %arg0 : i32
    %c0_i32 = arith.constant 0 : i32
    %c0_i32_1 = arith.constant 0 : i32
    return %add3A_0, %c0_i32 : i32, i32
  }
  func.func @transform_54(%arg0: i32) -> (i32, i32) {
    %add3A = arith.constant 1600 : i32
    %add3A_0 = arith.addi %add3A, %arg0 : i32
    %c0_i32 = arith.constant 0 : i32
    %c0_i32_1 = arith.constant 0 : i32
    return %add3A_0, %c0_i32 : i32, i32
  }
  func.func @transform_55(%arg0: i32) -> (i32, i32) {
    %add3A = arith.constant 1632 : i32
    %add3A_0 = arith.addi %add3A, %arg0 : i32
    %c0_i32 = arith.constant 0 : i32
    %c0_i32_1 = arith.constant 0 : i32
    return %add3A_0, %c0_i32 : i32, i32
  }
  func.func @transform_56(%arg0: i32) -> (i32, i32) {
    %add3A = arith.constant 1664 : i32
    %add3A_0 = arith.addi %add3A, %arg0 : i32
    %c0_i32 = arith.constant 0 : i32
    %c0_i32_1 = arith.constant 0 : i32
    return %add3A_0, %c0_i32 : i32, i32
  }
  func.func @transform_57(%arg0: i32) -> (i32, i32) {
    %add3A = arith.constant 1696 : i32
    %add3A_0 = arith.addi %add3A, %arg0 : i32
    %c0_i32 = arith.constant 0 : i32
    %c0_i32_1 = arith.constant 0 : i32
    return %add3A_0, %c0_i32 : i32, i32
  }
  func.func @transform_58(%arg0: i32) -> (i32, i32) {
    %add3A = arith.constant 1728 : i32
    %add3A_0 = arith.addi %add3A, %arg0 : i32
    %c0_i32 = arith.constant 0 : i32
    %c0_i32_1 = arith.constant 0 : i32
    return %add3A_0, %c0_i32 : i32, i32
  }
  func.func @transform_59(%arg0: i32) -> (i32, i32) {
    %add3A = arith.constant 1760 : i32
    %add3A_0 = arith.addi %add3A, %arg0 : i32
    %c0_i32 = arith.constant 0 : i32
    %c0_i32_1 = arith.constant 0 : i32
    return %add3A_0, %c0_i32 : i32, i32
  }
  func.func @transform_60(%arg0: i32) -> (i32, i32) {
    %add3A = arith.constant 1792 : i32
    %add3A_0 = arith.addi %add3A, %arg0 : i32
    %c0_i32 = arith.constant 0 : i32
    %c0_i32_1 = arith.constant 0 : i32
    return %add3A_0, %c0_i32 : i32, i32
  }
  func.func @transform_61(%arg0: i32) -> (i32, i32) {
    %add3A = arith.constant 1824 : i32
    %add3A_0 = arith.addi %add3A, %arg0 : i32
    %c0_i32 = arith.constant 0 : i32
    %c0_i32_1 = arith.constant 0 : i32
    return %add3A_0, %c0_i32 : i32, i32
  }
  func.func @transform_62(%arg0: i32) -> (i32, i32) {
    %add3A = arith.constant 1856 : i32
    %add3A_0 = arith.addi %add3A, %arg0 : i32
    %c0_i32 = arith.constant 0 : i32
    %c0_i32_1 = arith.constant 0 : i32
    return %add3A_0, %c0_i32 : i32, i32
  }
  func.func @transform_63(%arg0: i32) -> (i32, i32) {
    %add3A = arith.constant 1888 : i32
    %add3A_0 = arith.addi %add3A, %arg0 : i32
    %c0_i32 = arith.constant 0 : i32
    %c0_i32_1 = arith.constant 0 : i32
    return %add3A_0, %c0_i32 : i32, i32
  }
  func.func @transform_64(%arg0: i32) -> (i32, i32) {
    %add3A = arith.constant 1920 : i32
    %add3A_0 = arith.addi %add3A, %arg0 : i32
    %c0_i32 = arith.constant 0 : i32
    %c0_i32_1 = arith.constant 0 : i32
    return %add3A_0, %c0_i32 : i32, i32
  }
  func.func @transform_65(%arg0: i32) -> (i32, i32) {
    %add3A = arith.constant 1952 : i32
    %add3A_0 = arith.addi %add3A, %arg0 : i32
    %c0_i32 = arith.constant 0 : i32
    %c0_i32_1 = arith.constant 0 : i32
    return %add3A_0, %c0_i32 : i32, i32
  }
  func.func @transform_66(%arg0: i32) -> (i32, i32) {
    %add3A = arith.constant 1984 : i32
    %add3A_0 = arith.addi %add3A, %arg0 : i32
    %c0_i32 = arith.constant 0 : i32
    %c0_i32_1 = arith.constant 0 : i32
    return %add3A_0, %c0_i32 : i32, i32
  }
  func.func @transform_67(%arg0: i32) -> (i32, i32) {
    %add3A = arith.constant 2016 : i32
    %add3A_0 = arith.addi %add3A, %arg0 : i32
    %c0_i32 = arith.constant 0 : i32
    %c0_i32_1 = arith.constant 0 : i32
    return %add3A_0, %c0_i32 : i32, i32
  }
  func.func @transform_68(%arg0: i32) -> (i32, i32) {
    %add3A = arith.constant 2048 : i32
    %add3A_0 = arith.addi %add3A, %arg0 : i32
    %c0_i32 = arith.constant 0 : i32
    %c0_i32_1 = arith.constant 0 : i32
    return %add3A_0, %c0_i32 : i32, i32
  }
  func.func @transform_69(%arg0: i32) -> (i32, i32) {
    %add3A = arith.constant 2080 : i32
    %add3A_0 = arith.addi %add3A, %arg0 : i32
    %c0_i32 = arith.constant 0 : i32
    %c0_i32_1 = arith.constant 0 : i32
    return %add3A_0, %c0_i32 : i32, i32
  }
  func.func @transform_70(%arg0: i32) -> (i32, i32) {
    %add3A = arith.constant 2112 : i32
    %add3A_0 = arith.addi %add3A, %arg0 : i32
    %c0_i32 = arith.constant 0 : i32
    %c0_i32_1 = arith.constant 0 : i32
    return %add3A_0, %c0_i32 : i32, i32
  }
  func.func @transform_71(%arg0: i32) -> (i32, i32) {
    %add3A = arith.constant 2144 : i32
    %add3A_0 = arith.addi %add3A, %arg0 : i32
    %c0_i32 = arith.constant 0 : i32
    %c0_i32_1 = arith.constant 0 : i32
    return %add3A_0, %c0_i32 : i32, i32
  }
  func.func @transform_72(%arg0: i32) -> (i32, i32) {
    %add3A = arith.constant 2176 : i32
    %add3A_0 = arith.addi %add3A, %arg0 : i32
    %c0_i32 = arith.constant 0 : i32
    %c0_i32_1 = arith.constant 0 : i32
    return %add3A_0, %c0_i32 : i32, i32
  }
  func.func @transform_73(%arg0: i32) -> (i32, i32) {
    %add3A = arith.constant 2208 : i32
    %add3A_0 = arith.addi %add3A, %arg0 : i32
    %c0_i32 = arith.constant 0 : i32
    %c0_i32_1 = arith.constant 0 : i32
    return %add3A_0, %c0_i32 : i32, i32
  }
  func.func @transform_74(%arg0: i32) -> (i32, i32) {
    %add3A = arith.constant 2240 : i32
    %add3A_0 = arith.addi %add3A, %arg0 : i32
    %c0_i32 = arith.constant 0 : i32
    %c0_i32_1 = arith.constant 0 : i32
    return %add3A_0, %c0_i32 : i32, i32
  }
  func.func @transform_75(%arg0: i32) -> (i32, i32) {
    %add3A = arith.constant 2272 : i32
    %add3A_0 = arith.addi %add3A, %arg0 : i32
    %c0_i32 = arith.constant 0 : i32
    %c0_i32_1 = arith.constant 0 : i32
    return %add3A_0, %c0_i32 : i32, i32
  }
  func.func @transform_76(%arg0: i32) -> (i32, i32) {
    %add3A = arith.constant 2304 : i32
    %add3A_0 = arith.addi %add3A, %arg0 : i32
    %c0_i32 = arith.constant 0 : i32
    %c0_i32_1 = arith.constant 0 : i32
    return %add3A_0, %c0_i32 : i32, i32
  }
  func.func @transform_77(%arg0: i32) -> (i32, i32) {
    %add3A = arith.constant 2336 : i32
    %add3A_0 = arith.addi %add3A, %arg0 : i32
    %c0_i32 = arith.constant 0 : i32
    %c0_i32_1 = arith.constant 0 : i32
    return %add3A_0, %c0_i32 : i32, i32
  }
  func.func @transform_78(%arg0: i32) -> (i32, i32) {
    %add3A = arith.constant 2368 : i32
    %add3A_0 = arith.addi %add3A, %arg0 : i32
    %c0_i32 = arith.constant 0 : i32
    %c0_i32_1 = arith.constant 0 : i32
    return %add3A_0, %c0_i32 : i32, i32
  }
  func.func @transform_79(%arg0: i32) -> (i32, i32) {
    %add3A = arith.constant 2400 : i32
    %add3A_0 = arith.addi %add3A, %arg0 : i32
    %c0_i32 = arith.constant 0 : i32
    %c0_i32_1 = arith.constant 0 : i32
    return %add3A_0, %c0_i32 : i32, i32
  }
  func.func @transform_80(%arg0: i32) -> (i32, i32) {
    %add3A = arith.constant 2432 : i32
    %add3A_0 = arith.addi %add3A, %arg0 : i32
    %c0_i32 = arith.constant 0 : i32
    %c0_i32_1 = arith.constant 0 : i32
    return %add3A_0, %c0_i32 : i32, i32
  }
  func.func @transform_81(%arg0: i32) -> (i32, i32) {
    %add3A = arith.constant 2464 : i32
    %add3A_0 = arith.addi %add3A, %arg0 : i32
    %c0_i32 = arith.constant 0 : i32
    %c0_i32_1 = arith.constant 0 : i32
    return %add3A_0, %c0_i32 : i32, i32
  }
  func.func @transform_82(%arg0: i32) -> (i32, i32) {
    %add3A = arith.constant 2496 : i32
    %add3A_0 = arith.addi %add3A, %arg0 : i32
    %c0_i32 = arith.constant 0 : i32
    %c0_i32_1 = arith.constant 0 : i32
    return %add3A_0, %c0_i32 : i32, i32
  }
  func.func @transform_83(%arg0: i32) -> (i32, i32) {
    %add3A = arith.constant 2528 : i32
    %add3A_0 = arith.addi %add3A, %arg0 : i32
    %c0_i32 = arith.constant 0 : i32
    %c0_i32_1 = arith.constant 0 : i32
    return %add3A_0, %c0_i32 : i32, i32
  }
  func.func @transform_84(%arg0: i32) -> (i32, i32) {
    %add3A = arith.constant 2560 : i32
    %add3A_0 = arith.addi %add3A, %arg0 : i32
    %c0_i32 = arith.constant 0 : i32
    %c0_i32_1 = arith.constant 0 : i32
    return %add3A_0, %c0_i32 : i32, i32
  }
  func.func @transform_85(%arg0: i32) -> (i32, i32) {
    %add3A = arith.constant 2592 : i32
    %add3A_0 = arith.addi %add3A, %arg0 : i32
    %c0_i32 = arith.constant 0 : i32
    %c0_i32_1 = arith.constant 0 : i32
    return %add3A_0, %c0_i32 : i32, i32
  }
  func.func @transform_86(%arg0: i32) -> (i32, i32) {
    %add3A = arith.constant 2624 : i32
    %add3A_0 = arith.addi %add3A, %arg0 : i32
    %c0_i32 = arith.constant 0 : i32
    %c0_i32_1 = arith.constant 0 : i32
    return %add3A_0, %c0_i32 : i32, i32
  }
  func.func @transform_87(%arg0: i32) -> (i32, i32) {
    %add3A = arith.constant 2656 : i32
    %add3A_0 = arith.addi %add3A, %arg0 : i32
    %c0_i32 = arith.constant 0 : i32
    %c0_i32_1 = arith.constant 0 : i32
    return %add3A_0, %c0_i32 : i32, i32
  }
  func.func @transform_88(%arg0: i32) -> (i32, i32) {
    %add3A = arith.constant 0 : i32
    %add3A_0 = arith.addi %arg0, %add3A : i32
    %c0_i32 = arith.constant 0 : i32
    %c0_i32_1 = arith.constant 0 : i32
    return %add3A_0, %c0_i32 : i32, i32
  }
}

module attributes {stable_mosaic.version = 14 : i64} {
  func.func @_assemble_cont(%arg0: i32, %arg1: memref<16384x5656xf32, #tpu.memory_space<any>>, %arg2: memref<256x24xf32, #tpu.memory_space<vmem>>, %arg3: memref<256x64xf32, #tpu.memory_space<vmem>>, %arg4: memref<256x576xf32, #tpu.memory_space<vmem>>, %arg5: memref<256x768xf32, #tpu.memory_space<vmem>>, %arg6: memref<256x128xf32, #tpu.memory_space<vmem>>, %arg7: memref<256x128xf32, #tpu.memory_space<vmem>>, %arg8: memref<256x128xf32, #tpu.memory_space<vmem>>, %arg9: memref<256x128xf32, #tpu.memory_space<vmem>>, %arg10: memref<256x128xf32, #tpu.memory_space<vmem>>, %arg11: memref<256x128xf32, #tpu.memory_space<vmem>>, %arg12: memref<256x128xf32, #tpu.memory_space<vmem>>, %arg13: memref<256x128xf32, #tpu.memory_space<vmem>>, %arg14: memref<256x128xf32, #tpu.memory_space<vmem>>, %arg15: memref<256x128xf32, #tpu.memory_space<vmem>>, %arg16: memref<256x128xf32, #tpu.memory_space<vmem>>, %arg17: memref<256x128xf32, #tpu.memory_space<vmem>>, %arg18: memref<256x128xf32, #tpu.memory_space<vmem>>, %arg19: memref<256x128xf32, #tpu.memory_space<vmem>>, %arg20: memref<256x128xf32, #tpu.memory_space<vmem>>, %arg21: memref<256x128xf32, #tpu.memory_space<vmem>>, %arg22: memref<256x128xf32, #tpu.memory_space<vmem>>, %arg23: memref<256x128xf32, #tpu.memory_space<vmem>>, %arg24: memref<256x128xf32, #tpu.memory_space<vmem>>, %arg25: memref<256x128xf32, #tpu.memory_space<vmem>>, %arg26: memref<256x128xf32, #tpu.memory_space<vmem>>, %arg27: memref<256x128xf32, #tpu.memory_space<vmem>>, %arg28: memref<256x128xf32, #tpu.memory_space<vmem>>, %arg29: memref<256x128xf32, #tpu.memory_space<vmem>>, %arg30: memref<256x128xf32, #tpu.memory_space<vmem>>, %arg31: memref<256x128xf32, #tpu.memory_space<vmem>>, %arg32: memref<256x128xf32, #tpu.memory_space<vmem>>, %arg33: memref<256x128xf32, #tpu.memory_space<vmem>>, %arg34: memref<256x128xf32, #tpu.memory_space<vmem>>, %arg35: memref<256x128xf32, #tpu.memory_space<vmem>>, %arg36: memref<256x128xf32, #tpu.memory_space<vmem>>, %arg37: memref<256x128xf32, #tpu.memory_space<vmem>>, %arg38: memref<256x128xf32, #tpu.memory_space<vmem>>, %arg39: memref<256x128xf32, #tpu.memory_space<vmem>>, %arg40: memref<256x128xf32, #tpu.memory_space<vmem>>, %arg41: memref<256x128xf32, #tpu.memory_space<vmem>>, %arg42: memref<256x128xf32, #tpu.memory_space<vmem>>, %arg43: memref<256x128xf32, #tpu.memory_space<vmem>>, %arg44: memref<256x128xf32, #tpu.memory_space<vmem>>, %arg45: memref<256x128xf32, #tpu.memory_space<vmem>>, %arg46: memref<256x128xf32, #tpu.memory_space<vmem>>, %arg47: memref<256x128xf32, #tpu.memory_space<vmem>>, %arg48: memref<256x128xf32, #tpu.memory_space<vmem>>, %arg49: memref<256x128xf32, #tpu.memory_space<vmem>>, %arg50: memref<256x128xf32, #tpu.memory_space<vmem>>, %arg51: memref<256x128xf32, #tpu.memory_space<vmem>>, %arg52: memref<256x128xf32, #tpu.memory_space<vmem>>, %arg53: memref<256x128xf32, #tpu.memory_space<vmem>>, %arg54: memref<256x128xf32, #tpu.memory_space<vmem>>, %arg55: memref<256x128xf32, #tpu.memory_space<vmem>>, %arg56: memref<256x128xf32, #tpu.memory_space<vmem>>, %arg57: memref<256x128xf32, #tpu.memory_space<vmem>>, %arg58: memref<256x128xf32, #tpu.memory_space<vmem>>, %arg59: memref<256x128xf32, #tpu.memory_space<vmem>>, %arg60: memref<256x128xf32, #tpu.memory_space<vmem>>, %arg61: memref<256x128xf32, #tpu.memory_space<vmem>>, %arg62: memref<256x128xf32, #tpu.memory_space<vmem>>, %arg63: memref<256x128xf32, #tpu.memory_space<vmem>>, %arg64: memref<256x128xf32, #tpu.memory_space<vmem>>, %arg65: memref<256x128xf32, #tpu.memory_space<vmem>>, %arg66: memref<256x128xf32, #tpu.memory_space<vmem>>, %arg67: memref<256x128xf32, #tpu.memory_space<vmem>>, %arg68: memref<256x128xf32, #tpu.memory_space<vmem>>, %arg69: memref<256x128xf32, #tpu.memory_space<vmem>>, %arg70: memref<256x128xf32, #tpu.memory_space<vmem>>, %arg71: memref<256x128xf32, #tpu.memory_space<vmem>>, %arg72: memref<256x128xf32, #tpu.memory_space<vmem>>, %arg73: memref<256x128xf32, #tpu.memory_space<vmem>>, %arg74: memref<256x128xf32, #tpu.memory_space<vmem>>, %arg75: memref<256x128xf32, #tpu.memory_space<vmem>>, %arg76: memref<256x128xf32, #tpu.memory_space<vmem>>, %arg77: memref<256x128xf32, #tpu.memory_space<vmem>>, %arg78: memref<256x128xf32, #tpu.memory_space<vmem>>, %arg79: memref<256x128xf32, #tpu.memory_space<vmem>>, %arg80: memref<256x128xf32, #tpu.memory_space<vmem>>, %arg81: memref<256x128xf32, #tpu.memory_space<vmem>>, %arg82: memref<256x128xf32, #tpu.memory_space<vmem>>, %arg83: memref<256x128xf32, #tpu.memory_space<vmem>>, %arg84: memref<256x128xf32, #tpu.memory_space<vmem>>, %arg85: memref<256x128xf32, #tpu.memory_space<vmem>>, %arg86: memref<256x128xf32, #tpu.memory_space<vmem>>, %arg87: memref<256x128xf32, #tpu.memory_space<vmem>>, %arg88: memref<256x128xf32, #tpu.memory_space<vmem>>, %arg89: memref<256x128xf32, #tpu.memory_space<vmem>>, %arg90: memref<256x5656xf32, #tpu.memory_space<vmem>>) attributes {dimension_semantics = [#tpu.dimension_semantics<arbitrary>], iteration_bounds = array<i64: 32>, scalar_prefetch = 0 : i64, scratch_operands = 0 : i64, tpu.core_type = #tpu.core_type<tc>, window_params = [{}, {transform_indices = @transform_1, window_bounds = array<i64: 256, 24>}, {transform_indices = @transform_2, window_bounds = array<i64: 256, 64>}, {transform_indices = @transform_3, window_bounds = array<i64: 256, 576>}, {transform_indices = @transform_4, window_bounds = array<i64: 256, 768>}, {transform_indices = @transform_5, window_bounds = array<i64: 256, 128>}, {transform_indices = @transform_6, window_bounds = array<i64: 256, 128>}, {transform_indices = @transform_7, window_bounds = array<i64: 256, 128>}, {transform_indices = @transform_8, window_bounds = array<i64: 256, 128>}, {transform_indices = @transform_9, window_bounds = array<i64: 256, 128>}, {transform_indices = @transform_10, window_bounds = array<i64: 256, 128>}, {transform_indices = @transform_11, window_bounds = array<i64: 256, 128>}, {transform_indices = @transform_12, window_bounds = array<i64: 256, 128>}, {transform_indices = @transform_13, window_bounds = array<i64: 256, 128>}, {transform_indices = @transform_14, window_bounds = array<i64: 256, 128>}, {transform_indices = @transform_15, window_bounds = array<i64: 256, 128>}, {transform_indices = @transform_16, window_bounds = array<i64: 256, 128>}, {transform_indices = @transform_17, window_bounds = array<i64: 256, 128>}, {transform_indices = @transform_18, window_bounds = array<i64: 256, 128>}, {transform_indices = @transform_19, window_bounds = array<i64: 256, 128>}, {transform_indices = @transform_20, window_bounds = array<i64: 256, 128>}, {transform_indices = @transform_21, window_bounds = array<i64: 256, 128>}, {transform_indices = @transform_22, window_bounds = array<i64: 256, 128>}, {transform_indices = @transform_23, window_bounds = array<i64: 256, 128>}, {transform_indices = @transform_24, window_bounds = array<i64: 256, 128>}, {transform_indices = @transform_25, window_bounds = array<i64: 256, 128>}, {transform_indices = @transform_26, window_bounds = array<i64: 256, 128>}, {transform_indices = @transform_27, window_bounds = array<i64: 256, 128>}, {transform_indices = @transform_28, window_bounds = array<i64: 256, 128>}, {transform_indices = @transform_29, window_bounds = array<i64: 256, 128>}, {transform_indices = @transform_30, window_bounds = array<i64: 256, 128>}, {transform_indices = @transform_31, window_bounds = array<i64: 256, 128>}, {transform_indices = @transform_32, window_bounds = array<i64: 256, 128>}, {transform_indices = @transform_33, window_bounds = array<i64: 256, 128>}, {transform_indices = @transform_34, window_bounds = array<i64: 256, 128>}, {transform_indices = @transform_35, window_bounds = array<i64: 256, 128>}, {transform_indices = @transform_36, window_bounds = array<i64: 256, 128>}, {transform_indices = @transform_37, window_bounds = array<i64: 256, 128>}, {transform_indices = @transform_38, window_bounds = array<i64: 256, 128>}, {transform_indices = @transform_39, window_bounds = array<i64: 256, 128>}, {transform_indices = @transform_40, window_bounds = array<i64: 256, 128>}, {transform_indices = @transform_41, window_bounds = array<i64: 256, 128>}, {transform_indices = @transform_42, window_bounds = array<i64: 256, 128>}, {transform_indices = @transform_43, window_bounds = array<i64: 256, 128>}, {transform_indices = @transform_44, window_bounds = array<i64: 256, 128>}, {transform_indices = @transform_45, window_bounds = array<i64: 256, 128>}, {transform_indices = @transform_46, window_bounds = array<i64: 256, 128>}, {transform_indices = @transform_47, window_bounds = array<i64: 256, 128>}, {transform_indices = @transform_48, window_bounds = array<i64: 256, 128>}, {transform_indices = @transform_49, window_bounds = array<i64: 256, 128>}, {transform_indices = @transform_50, window_bounds = array<i64: 256, 128>}, {transform_indices = @transform_51, window_bounds = array<i64: 256, 128>}, {transform_indices = @transform_52, window_bounds = array<i64: 256, 128>}, {transform_indices = @transform_53, window_bounds = array<i64: 256, 128>}, {transform_indices = @transform_54, window_bounds = array<i64: 256, 128>}, {transform_indices = @transform_55, window_bounds = array<i64: 256, 128>}, {transform_indices = @transform_56, window_bounds = array<i64: 256, 128>}, {transform_indices = @transform_57, window_bounds = array<i64: 256, 128>}, {transform_indices = @transform_58, window_bounds = array<i64: 256, 128>}, {transform_indices = @transform_59, window_bounds = array<i64: 256, 128>}, {transform_indices = @transform_60, window_bounds = array<i64: 256, 128>}, {transform_indices = @transform_61, window_bounds = array<i64: 256, 128>}, {transform_indices = @transform_62, window_bounds = array<i64: 256, 128>}, {transform_indices = @transform_63, window_bounds = array<i64: 256, 128>}, {transform_indices = @transform_64, window_bounds = array<i64: 256, 128>}, {transform_indices = @transform_65, window_bounds = array<i64: 256, 128>}, {transform_indices = @transform_66, window_bounds = array<i64: 256, 128>}, {transform_indices = @transform_67, window_bounds = array<i64: 256, 128>}, {transform_indices = @transform_68, window_bounds = array<i64: 256, 128>}, {transform_indices = @transform_69, window_bounds = array<i64: 256, 128>}, {transform_indices = @transform_70, window_bounds = array<i64: 256, 128>}, {transform_indices = @transform_71, window_bounds = array<i64: 256, 128>}, {transform_indices = @transform_72, window_bounds = array<i64: 256, 128>}, {transform_indices = @transform_73, window_bounds = array<i64: 256, 128>}, {transform_indices = @transform_74, window_bounds = array<i64: 256, 128>}, {transform_indices = @transform_75, window_bounds = array<i64: 256, 128>}, {transform_indices = @transform_76, window_bounds = array<i64: 256, 128>}, {transform_indices = @transform_77, window_bounds = array<i64: 256, 128>}, {transform_indices = @transform_78, window_bounds = array<i64: 256, 128>}, {transform_indices = @transform_79, window_bounds = array<i64: 256, 128>}, {transform_indices = @transform_80, window_bounds = array<i64: 256, 128>}, {transform_indices = @transform_81, window_bounds = array<i64: 256, 128>}, {transform_indices = @transform_82, window_bounds = array<i64: 256, 128>}, {transform_indices = @transform_83, window_bounds = array<i64: 256, 128>}, {transform_indices = @transform_84, window_bounds = array<i64: 256, 128>}, {transform_indices = @transform_85, window_bounds = array<i64: 256, 128>}, {transform_indices = @transform_86, window_bounds = array<i64: 256, 128>}, {transform_indices = @transform_87, window_bounds = array<i64: 256, 128>}, {transform_indices = @transform_88, window_bounds = array<i64: 256, 128>}, {transform_indices = @transform_89, window_bounds = array<i64: 256, 5656>}]} {
    %get3A = arith.constant 0 : index
    %get3A_0 = arith.constant 0 : index
    %get3A_1 = vector.load %arg2[%get3A, %get3A_0] : memref<256x24xf32, #tpu.memory_space<vmem>>, vector<256x24xf32>
    %swap3A = arith.constant 0 : index
    %swap3A_2 = arith.constant 0 : index
    %swap3A_3 = vector.load %arg90[%swap3A, %swap3A_2] : memref<256x5656xf32, #tpu.memory_space<vmem>>, vector<256x24xf32>
    tpu.vector_store %arg90[%swap3A, %swap3A_2], %get3A_1 {strides = array<i32>} : memref<256x5656xf32, #tpu.memory_space<vmem>>, vector<256x24xf32>,
    %get3A_4 = arith.constant 0 : index
    %get3A_5 = arith.constant 0 : index
    %get3A_6 = vector.load %arg3[%get3A_4, %get3A_5] : memref<256x64xf32, #tpu.memory_space<vmem>>, vector<256x64xf32>
    %swap3A_7 = arith.constant 0 : index
    %swap3A_8 = arith.constant 24 : index
    %swap3A_9 = vector.load %arg90[%swap3A_7, %swap3A_8] : memref<256x5656xf32, #tpu.memory_space<vmem>>, vector<256x64xf32>
    tpu.vector_store %arg90[%swap3A_7, %swap3A_8], %get3A_6 {strides = array<i32>} : memref<256x5656xf32, #tpu.memory_space<vmem>>, vector<256x64xf32>,
    %get3A_10 = arith.constant 0 : index
    %get3A_11 = arith.constant 0 : index
    %get3A_12 = vector.load %arg6[%get3A_10, %get3A_11] : memref<256x128xf32, #tpu.memory_space<vmem>>, vector<256x64xf32>
    %swap3A_13 = arith.constant 0 : index
    %swap3A_14 = arith.constant 88 : index
    %swap3A_15 = vector.load %arg90[%swap3A_13, %swap3A_14] : memref<256x5656xf32, #tpu.memory_space<vmem>>, vector<256x64xf32>
    tpu.vector_store %arg90[%swap3A_13, %swap3A_14], %get3A_12 {strides = array<i32>} : memref<256x5656xf32, #tpu.memory_space<vmem>>, vector<256x64xf32>,
    %get3A_16 = arith.constant 0 : index
    %get3A_17 = arith.constant 0 : index
    %get3A_18 = vector.load %arg66[%get3A_16, %get3A_17] : memref<256x128xf32, #tpu.memory_space<vmem>>, vector<256x16xf32>
    %swap3A_19 = arith.constant 0 : index
    %swap3A_20 = arith.constant 152 : index
    %swap3A_21 = vector.load %arg90[%swap3A_19, %swap3A_20] : memref<256x5656xf32, #tpu.memory_space<vmem>>, vector<256x16xf32>
    tpu.vector_store %arg90[%swap3A_19, %swap3A_20], %get3A_18 {strides = array<i32>} : memref<256x5656xf32, #tpu.memory_space<vmem>>, vector<256x16xf32>,
    %get3A_22 = arith.constant 0 : index
    %get3A_23 = arith.constant 0 : index
    %get3A_24 = vector.load %arg78[%get3A_22, %get3A_23] : memref<256x128xf32, #tpu.memory_space<vmem>>, vector<256x16xf32>
    %swap3A_25 = arith.constant 0 : index
    %swap3A_26 = arith.constant 168 : index
    %swap3A_27 = vector.load %arg90[%swap3A_25, %swap3A_26] : memref<256x5656xf32, #tpu.memory_space<vmem>>, vector<256x16xf32>
    tpu.vector_store %arg90[%swap3A_25, %swap3A_26], %get3A_24 {strides = array<i32>} : memref<256x5656xf32, #tpu.memory_space<vmem>>, vector<256x16xf32>,
    %get3A_28 = arith.constant 0 : index
    %get3A_29 = arith.constant 0 : index
    %get3A_30 = vector.load %arg4[%get3A_28, %get3A_29] : memref<256x576xf32, #tpu.memory_space<vmem>>, vector<256x48xf32>
    %swap3A_31 = arith.constant 0 : index
    %swap3A_32 = arith.constant 184 : index
    %swap3A_33 = vector.load %arg90[%swap3A_31, %swap3A_32] : memref<256x5656xf32, #tpu.memory_space<vmem>>, vector<256x48xf32>
    tpu.vector_store %arg90[%swap3A_31, %swap3A_32], %get3A_30 {strides = array<i32>} : memref<256x5656xf32, #tpu.memory_space<vmem>>, vector<256x48xf32>,
    %get3A_34 = arith.constant 0 : index
    %get3A_35 = arith.constant 0 : index
    %get3A_36 = vector.load %arg18[%get3A_34, %get3A_35] : memref<256x128xf32, #tpu.memory_space<vmem>>, vector<256x64xf32>
    %swap3A_37 = arith.constant 0 : index
    %swap3A_38 = arith.constant 232 : index
    %swap3A_39 = vector.load %arg90[%swap3A_37, %swap3A_38] : memref<256x5656xf32, #tpu.memory_space<vmem>>, vector<256x64xf32>
    tpu.vector_store %arg90[%swap3A_37, %swap3A_38], %get3A_36 {strides = array<i32>} : memref<256x5656xf32, #tpu.memory_space<vmem>>, vector<256x64xf32>,
    %get3A_40 = arith.constant 0 : index
    %get3A_41 = arith.constant 0 : index
    %get3A_42 = vector.load %arg19[%get3A_40, %get3A_41] : memref<256x128xf32, #tpu.memory_space<vmem>>, vector<256x64xf32>
    %swap3A_43 = arith.constant 0 : index
    %swap3A_44 = arith.constant 296 : index
    %swap3A_45 = vector.load %arg90[%swap3A_43, %swap3A_44] : memref<256x5656xf32, #tpu.memory_space<vmem>>, vector<256x64xf32>
    tpu.vector_store %arg90[%swap3A_43, %swap3A_44], %get3A_42 {strides = array<i32>} : memref<256x5656xf32, #tpu.memory_space<vmem>>, vector<256x64xf32>,
    %get3A_46 = arith.constant 0 : index
    %get3A_47 = arith.constant 0 : index
    %get3A_48 = vector.load %arg20[%get3A_46, %get3A_47] : memref<256x128xf32, #tpu.memory_space<vmem>>, vector<256x64xf32>
    %swap3A_49 = arith.constant 0 : index
    %swap3A_50 = arith.constant 360 : index
    %swap3A_51 = vector.load %arg90[%swap3A_49, %swap3A_50] : memref<256x5656xf32, #tpu.memory_space<vmem>>, vector<256x64xf32>
    tpu.vector_store %arg90[%swap3A_49, %swap3A_50], %get3A_48 {strides = array<i32>} : memref<256x5656xf32, #tpu.memory_space<vmem>>, vector<256x64xf32>,
    %get3A_52 = arith.constant 0 : index
    %get3A_53 = arith.constant 0 : index
    %get3A_54 = vector.load %arg21[%get3A_52, %get3A_53] : memref<256x128xf32, #tpu.memory_space<vmem>>, vector<256x64xf32>
    %swap3A_55 = arith.constant 0 : index
    %swap3A_56 = arith.constant 424 : index
    %swap3A_57 = vector.load %arg90[%swap3A_55, %swap3A_56] : memref<256x5656xf32, #tpu.memory_space<vmem>>, vector<256x64xf32>
    tpu.vector_store %arg90[%swap3A_55, %swap3A_56], %get3A_54 {strides = array<i32>} : memref<256x5656xf32, #tpu.memory_space<vmem>>, vector<256x64xf32>,
    %get3A_58 = arith.constant 0 : index
    %get3A_59 = arith.constant 0 : index
    %get3A_60 = vector.load %arg5[%get3A_58, %get3A_59] : memref<256x768xf32, #tpu.memory_space<vmem>>, vector<256x64xf32>
    %swap3A_61 = arith.constant 0 : index
    %swap3A_62 = arith.constant 488 : index
    %swap3A_63 = vector.load %arg90[%swap3A_61, %swap3A_62] : memref<256x5656xf32, #tpu.memory_space<vmem>>, vector<256x64xf32>
    tpu.vector_store %arg90[%swap3A_61, %swap3A_62], %get3A_60 {strides = array<i32>} : memref<256x5656xf32, #tpu.memory_space<vmem>>, vector<256x64xf32>,
    %get3A_64 = arith.constant 0 : index
    %get3A_65 = arith.constant 0 : index
    %get3A_66 = vector.load %arg7[%get3A_64, %get3A_65] : memref<256x128xf32, #tpu.memory_space<vmem>>, vector<256x64xf32>
    %swap3A_67 = arith.constant 0 : index
    %swap3A_68 = arith.constant 552 : index
    %swap3A_69 = vector.load %arg90[%swap3A_67, %swap3A_68] : memref<256x5656xf32, #tpu.memory_space<vmem>>, vector<256x64xf32>
    tpu.vector_store %arg90[%swap3A_67, %swap3A_68], %get3A_66 {strides = array<i32>} : memref<256x5656xf32, #tpu.memory_space<vmem>>, vector<256x64xf32>,
    %get3A_70 = arith.constant 0 : index
    %get3A_71 = arith.constant 0 : index
    %get3A_72 = vector.load %arg67[%get3A_70, %get3A_71] : memref<256x128xf32, #tpu.memory_space<vmem>>, vector<256x16xf32>
    %swap3A_73 = arith.constant 0 : index
    %swap3A_74 = arith.constant 616 : index
    %swap3A_75 = vector.load %arg90[%swap3A_73, %swap3A_74] : memref<256x5656xf32, #tpu.memory_space<vmem>>, vector<256x16xf32>
    tpu.vector_store %arg90[%swap3A_73, %swap3A_74], %get3A_72 {strides = array<i32>} : memref<256x5656xf32, #tpu.memory_space<vmem>>, vector<256x16xf32>,
    %get3A_76 = arith.constant 0 : index
    %get3A_77 = arith.constant 0 : index
    %get3A_78 = vector.load %arg79[%get3A_76, %get3A_77] : memref<256x128xf32, #tpu.memory_space<vmem>>, vector<256x16xf32>
    %swap3A_79 = arith.constant 0 : index
    %swap3A_80 = arith.constant 632 : index
    %swap3A_81 = vector.load %arg90[%swap3A_79, %swap3A_80] : memref<256x5656xf32, #tpu.memory_space<vmem>>, vector<256x16xf32>
    tpu.vector_store %arg90[%swap3A_79, %swap3A_80], %get3A_78 {strides = array<i32>} : memref<256x5656xf32, #tpu.memory_space<vmem>>, vector<256x16xf32>,
    %get3A_82 = arith.constant 0 : index
    %get3A_83 = arith.constant 48 : index
    %get3A_84 = vector.load %arg4[%get3A_82, %get3A_83] : memref<256x576xf32, #tpu.memory_space<vmem>>, vector<256x48xf32>
    %swap3A_85 = arith.constant 0 : index
    %swap3A_86 = arith.constant 648 : index
    %swap3A_87 = vector.load %arg90[%swap3A_85, %swap3A_86] : memref<256x5656xf32, #tpu.memory_space<vmem>>, vector<256x48xf32>
    tpu.vector_store %arg90[%swap3A_85, %swap3A_86], %get3A_84 {strides = array<i32>} : memref<256x5656xf32, #tpu.memory_space<vmem>>, vector<256x48xf32>,
    %get3A_88 = arith.constant 0 : index
    %get3A_89 = arith.constant 0 : index
    %get3A_90 = vector.load %arg22[%get3A_88, %get3A_89] : memref<256x128xf32, #tpu.memory_space<vmem>>, vector<256x64xf32>
    %swap3A_91 = arith.constant 0 : index
    %swap3A_92 = arith.constant 696 : index
    %swap3A_93 = vector.load %arg90[%swap3A_91, %swap3A_92] : memref<256x5656xf32, #tpu.memory_space<vmem>>, vector<256x64xf32>
    tpu.vector_store %arg90[%swap3A_91, %swap3A_92], %get3A_90 {strides = array<i32>} : memref<256x5656xf32, #tpu.memory_space<vmem>>, vector<256x64xf32>,
    %get3A_94 = arith.constant 0 : index
    %get3A_95 = arith.constant 0 : index
    %get3A_96 = vector.load %arg23[%get3A_94, %get3A_95] : memref<256x128xf32, #tpu.memory_space<vmem>>, vector<256x64xf32>
    %swap3A_97 = arith.constant 0 : index
    %swap3A_98 = arith.constant 760 : index
    %swap3A_99 = vector.load %arg90[%swap3A_97, %swap3A_98] : memref<256x5656xf32, #tpu.memory_space<vmem>>, vector<256x64xf32>
    tpu.vector_store %arg90[%swap3A_97, %swap3A_98], %get3A_96 {strides = array<i32>} : memref<256x5656xf32, #tpu.memory_space<vmem>>, vector<256x64xf32>,
    %get3A_100 = arith.constant 0 : index
    %get3A_101 = arith.constant 0 : index
    %get3A_102 = vector.load %arg24[%get3A_100, %get3A_101] : memref<256x128xf32, #tpu.memory_space<vmem>>, vector<256x64xf32>
    %swap3A_103 = arith.constant 0 : index
    %swap3A_104 = arith.constant 824 : index
    %swap3A_105 = vector.load %arg90[%swap3A_103, %swap3A_104] : memref<256x5656xf32, #tpu.memory_space<vmem>>, vector<256x64xf32>
    tpu.vector_store %arg90[%swap3A_103, %swap3A_104], %get3A_102 {strides = array<i32>} : memref<256x5656xf32, #tpu.memory_space<vmem>>, vector<256x64xf32>,
    %get3A_106 = arith.constant 0 : index
    %get3A_107 = arith.constant 0 : index
    %get3A_108 = vector.load %arg25[%get3A_106, %get3A_107] : memref<256x128xf32, #tpu.memory_space<vmem>>, vector<256x64xf32>
    %swap3A_109 = arith.constant 0 : index
    %swap3A_110 = arith.constant 888 : index
    %swap3A_111 = vector.load %arg90[%swap3A_109, %swap3A_110] : memref<256x5656xf32, #tpu.memory_space<vmem>>, vector<256x64xf32>
    tpu.vector_store %arg90[%swap3A_109, %swap3A_110], %get3A_108 {strides = array<i32>} : memref<256x5656xf32, #tpu.memory_space<vmem>>, vector<256x64xf32>,
    %get3A_112 = arith.constant 0 : index
    %get3A_113 = arith.constant 64 : index
    %get3A_114 = vector.load %arg5[%get3A_112, %get3A_113] : memref<256x768xf32, #tpu.memory_space<vmem>>, vector<256x64xf32>
    %swap3A_115 = arith.constant 0 : index
    %swap3A_116 = arith.constant 952 : index
    %swap3A_117 = vector.load %arg90[%swap3A_115, %swap3A_116] : memref<256x5656xf32, #tpu.memory_space<vmem>>, vector<256x64xf32>
    tpu.vector_store %arg90[%swap3A_115, %swap3A_116], %get3A_114 {strides = array<i32>} : memref<256x5656xf32, #tpu.memory_space<vmem>>, vector<256x64xf32>,
    %get3A_118 = arith.constant 0 : index
    %get3A_119 = arith.constant 0 : index
    %get3A_120 = vector.load %arg8[%get3A_118, %get3A_119] : memref<256x128xf32, #tpu.memory_space<vmem>>, vector<256x64xf32>
    %swap3A_121 = arith.constant 0 : index
    %swap3A_122 = arith.constant 1016 : index
    %swap3A_123 = vector.load %arg90[%swap3A_121, %swap3A_122] : memref<256x5656xf32, #tpu.memory_space<vmem>>, vector<256x64xf32>
    tpu.vector_store %arg90[%swap3A_121, %swap3A_122], %get3A_120 {strides = array<i32>} : memref<256x5656xf32, #tpu.memory_space<vmem>>, vector<256x64xf32>,
    %get3A_124 = arith.constant 0 : index
    %get3A_125 = arith.constant 0 : index
    %get3A_126 = vector.load %arg68[%get3A_124, %get3A_125] : memref<256x128xf32, #tpu.memory_space<vmem>>, vector<256x16xf32>
    %swap3A_127 = arith.constant 0 : index
    %swap3A_128 = arith.constant 1080 : index
    %swap3A_129 = vector.load %arg90[%swap3A_127, %swap3A_128] : memref<256x5656xf32, #tpu.memory_space<vmem>>, vector<256x16xf32>
    tpu.vector_store %arg90[%swap3A_127, %swap3A_128], %get3A_126 {strides = array<i32>} : memref<256x5656xf32, #tpu.memory_space<vmem>>, vector<256x16xf32>,
    %get3A_130 = arith.constant 0 : index
    %get3A_131 = arith.constant 0 : index
    %get3A_132 = vector.load %arg80[%get3A_130, %get3A_131] : memref<256x128xf32, #tpu.memory_space<vmem>>, vector<256x16xf32>
    %swap3A_133 = arith.constant 0 : index
    %swap3A_134 = arith.constant 1096 : index
    %swap3A_135 = vector.load %arg90[%swap3A_133, %swap3A_134] : memref<256x5656xf32, #tpu.memory_space<vmem>>, vector<256x16xf32>
    tpu.vector_store %arg90[%swap3A_133, %swap3A_134], %get3A_132 {strides = array<i32>} : memref<256x5656xf32, #tpu.memory_space<vmem>>, vector<256x16xf32>,
    %get3A_136 = arith.constant 0 : index
    %get3A_137 = arith.constant 96 : index
    %get3A_138 = vector.load %arg4[%get3A_136, %get3A_137] : memref<256x576xf32, #tpu.memory_space<vmem>>, vector<256x48xf32>
    %swap3A_139 = arith.constant 0 : index
    %swap3A_140 = arith.constant 1112 : index
    %swap3A_141 = vector.load %arg90[%swap3A_139, %swap3A_140] : memref<256x5656xf32, #tpu.memory_space<vmem>>, vector<256x48xf32>
    tpu.vector_store %arg90[%swap3A_139, %swap3A_140], %get3A_138 {strides = array<i32>} : memref<256x5656xf32, #tpu.memory_space<vmem>>, vector<256x48xf32>,
    %get3A_142 = arith.constant 0 : index
    %get3A_143 = arith.constant 0 : index
    %get3A_144 = vector.load %arg26[%get3A_142, %get3A_143] : memref<256x128xf32, #tpu.memory_space<vmem>>, vector<256x64xf32>
    %swap3A_145 = arith.constant 0 : index
    %swap3A_146 = arith.constant 1160 : index
    %swap3A_147 = vector.load %arg90[%swap3A_145, %swap3A_146] : memref<256x5656xf32, #tpu.memory_space<vmem>>, vector<256x64xf32>
    tpu.vector_store %arg90[%swap3A_145, %swap3A_146], %get3A_144 {strides = array<i32>} : memref<256x5656xf32, #tpu.memory_space<vmem>>, vector<256x64xf32>,
    %get3A_148 = arith.constant 0 : index
    %get3A_149 = arith.constant 0 : index
    %get3A_150 = vector.load %arg27[%get3A_148, %get3A_149] : memref<256x128xf32, #tpu.memory_space<vmem>>, vector<256x64xf32>
    %swap3A_151 = arith.constant 0 : index
    %swap3A_152 = arith.constant 1224 : index
    %swap3A_153 = vector.load %arg90[%swap3A_151, %swap3A_152] : memref<256x5656xf32, #tpu.memory_space<vmem>>, vector<256x64xf32>
    tpu.vector_store %arg90[%swap3A_151, %swap3A_152], %get3A_150 {strides = array<i32>} : memref<256x5656xf32, #tpu.memory_space<vmem>>, vector<256x64xf32>,
    %get3A_154 = arith.constant 0 : index
    %get3A_155 = arith.constant 0 : index
    %get3A_156 = vector.load %arg28[%get3A_154, %get3A_155] : memref<256x128xf32, #tpu.memory_space<vmem>>, vector<256x64xf32>
    %swap3A_157 = arith.constant 0 : index
    %swap3A_158 = arith.constant 1288 : index
    %swap3A_159 = vector.load %arg90[%swap3A_157, %swap3A_158] : memref<256x5656xf32, #tpu.memory_space<vmem>>, vector<256x64xf32>
    tpu.vector_store %arg90[%swap3A_157, %swap3A_158], %get3A_156 {strides = array<i32>} : memref<256x5656xf32, #tpu.memory_space<vmem>>, vector<256x64xf32>,
    %get3A_160 = arith.constant 0 : index
    %get3A_161 = arith.constant 0 : index
    %get3A_162 = vector.load %arg29[%get3A_160, %get3A_161] : memref<256x128xf32, #tpu.memory_space<vmem>>, vector<256x64xf32>
    %swap3A_163 = arith.constant 0 : index
    %swap3A_164 = arith.constant 1352 : index
    %swap3A_165 = vector.load %arg90[%swap3A_163, %swap3A_164] : memref<256x5656xf32, #tpu.memory_space<vmem>>, vector<256x64xf32>
    tpu.vector_store %arg90[%swap3A_163, %swap3A_164], %get3A_162 {strides = array<i32>} : memref<256x5656xf32, #tpu.memory_space<vmem>>, vector<256x64xf32>,
    %get3A_166 = arith.constant 0 : index
    %get3A_167 = arith.constant 128 : index
    %get3A_168 = vector.load %arg5[%get3A_166, %get3A_167] : memref<256x768xf32, #tpu.memory_space<vmem>>, vector<256x64xf32>
    %swap3A_169 = arith.constant 0 : index
    %swap3A_170 = arith.constant 1416 : index
    %swap3A_171 = vector.load %arg90[%swap3A_169, %swap3A_170] : memref<256x5656xf32, #tpu.memory_space<vmem>>, vector<256x64xf32>
    tpu.vector_store %arg90[%swap3A_169, %swap3A_170], %get3A_168 {strides = array<i32>} : memref<256x5656xf32, #tpu.memory_space<vmem>>, vector<256x64xf32>,
    %get3A_172 = arith.constant 0 : index
    %get3A_173 = arith.constant 0 : index
    %get3A_174 = vector.load %arg9[%get3A_172, %get3A_173] : memref<256x128xf32, #tpu.memory_space<vmem>>, vector<256x64xf32>
    %swap3A_175 = arith.constant 0 : index
    %swap3A_176 = arith.constant 1480 : index
    %swap3A_177 = vector.load %arg90[%swap3A_175, %swap3A_176] : memref<256x5656xf32, #tpu.memory_space<vmem>>, vector<256x64xf32>
    tpu.vector_store %arg90[%swap3A_175, %swap3A_176], %get3A_174 {strides = array<i32>} : memref<256x5656xf32, #tpu.memory_space<vmem>>, vector<256x64xf32>,
    %get3A_178 = arith.constant 0 : index
    %get3A_179 = arith.constant 0 : index
    %get3A_180 = vector.load %arg69[%get3A_178, %get3A_179] : memref<256x128xf32, #tpu.memory_space<vmem>>, vector<256x16xf32>
    %swap3A_181 = arith.constant 0 : index
    %swap3A_182 = arith.constant 1544 : index
    %swap3A_183 = vector.load %arg90[%swap3A_181, %swap3A_182] : memref<256x5656xf32, #tpu.memory_space<vmem>>, vector<256x16xf32>
    tpu.vector_store %arg90[%swap3A_181, %swap3A_182], %get3A_180 {strides = array<i32>} : memref<256x5656xf32, #tpu.memory_space<vmem>>, vector<256x16xf32>,
    %get3A_184 = arith.constant 0 : index
    %get3A_185 = arith.constant 0 : index
    %get3A_186 = vector.load %arg81[%get3A_184, %get3A_185] : memref<256x128xf32, #tpu.memory_space<vmem>>, vector<256x16xf32>
    %swap3A_187 = arith.constant 0 : index
    %swap3A_188 = arith.constant 1560 : index
    %swap3A_189 = vector.load %arg90[%swap3A_187, %swap3A_188] : memref<256x5656xf32, #tpu.memory_space<vmem>>, vector<256x16xf32>
    tpu.vector_store %arg90[%swap3A_187, %swap3A_188], %get3A_186 {strides = array<i32>} : memref<256x5656xf32, #tpu.memory_space<vmem>>, vector<256x16xf32>,
    %get3A_190 = arith.constant 0 : index
    %get3A_191 = arith.constant 144 : index
    %get3A_192 = vector.load %arg4[%get3A_190, %get3A_191] : memref<256x576xf32, #tpu.memory_space<vmem>>, vector<256x48xf32>
    %swap3A_193 = arith.constant 0 : index
    %swap3A_194 = arith.constant 1576 : index
    %swap3A_195 = vector.load %arg90[%swap3A_193, %swap3A_194] : memref<256x5656xf32, #tpu.memory_space<vmem>>, vector<256x48xf32>
    tpu.vector_store %arg90[%swap3A_193, %swap3A_194], %get3A_192 {strides = array<i32>} : memref<256x5656xf32, #tpu.memory_space<vmem>>, vector<256x48xf32>,
    %get3A_196 = arith.constant 0 : index
    %get3A_197 = arith.constant 0 : index
    %get3A_198 = vector.load %arg30[%get3A_196, %get3A_197] : memref<256x128xf32, #tpu.memory_space<vmem>>, vector<256x64xf32>
    %swap3A_199 = arith.constant 0 : index
    %swap3A_200 = arith.constant 1624 : index
    %swap3A_201 = vector.load %arg90[%swap3A_199, %swap3A_200] : memref<256x5656xf32, #tpu.memory_space<vmem>>, vector<256x64xf32>
    tpu.vector_store %arg90[%swap3A_199, %swap3A_200], %get3A_198 {strides = array<i32>} : memref<256x5656xf32, #tpu.memory_space<vmem>>, vector<256x64xf32>,
    %get3A_202 = arith.constant 0 : index
    %get3A_203 = arith.constant 0 : index
    %get3A_204 = vector.load %arg31[%get3A_202, %get3A_203] : memref<256x128xf32, #tpu.memory_space<vmem>>, vector<256x64xf32>
    %swap3A_205 = arith.constant 0 : index
    %swap3A_206 = arith.constant 1688 : index
    %swap3A_207 = vector.load %arg90[%swap3A_205, %swap3A_206] : memref<256x5656xf32, #tpu.memory_space<vmem>>, vector<256x64xf32>
    tpu.vector_store %arg90[%swap3A_205, %swap3A_206], %get3A_204 {strides = array<i32>} : memref<256x5656xf32, #tpu.memory_space<vmem>>, vector<256x64xf32>,
    %get3A_208 = arith.constant 0 : index
    %get3A_209 = arith.constant 0 : index
    %get3A_210 = vector.load %arg32[%get3A_208, %get3A_209] : memref<256x128xf32, #tpu.memory_space<vmem>>, vector<256x64xf32>
    %swap3A_211 = arith.constant 0 : index
    %swap3A_212 = arith.constant 1752 : index
    %swap3A_213 = vector.load %arg90[%swap3A_211, %swap3A_212] : memref<256x5656xf32, #tpu.memory_space<vmem>>, vector<256x64xf32>
    tpu.vector_store %arg90[%swap3A_211, %swap3A_212], %get3A_210 {strides = array<i32>} : memref<256x5656xf32, #tpu.memory_space<vmem>>, vector<256x64xf32>,
    %get3A_214 = arith.constant 0 : index
    %get3A_215 = arith.constant 0 : index
    %get3A_216 = vector.load %arg33[%get3A_214, %get3A_215] : memref<256x128xf32, #tpu.memory_space<vmem>>, vector<256x64xf32>
    %swap3A_217 = arith.constant 0 : index
    %swap3A_218 = arith.constant 1816 : index
    %swap3A_219 = vector.load %arg90[%swap3A_217, %swap3A_218] : memref<256x5656xf32, #tpu.memory_space<vmem>>, vector<256x64xf32>
    tpu.vector_store %arg90[%swap3A_217, %swap3A_218], %get3A_216 {strides = array<i32>} : memref<256x5656xf32, #tpu.memory_space<vmem>>, vector<256x64xf32>,
    %get3A_220 = arith.constant 0 : index
    %get3A_221 = arith.constant 192 : index
    %get3A_222 = vector.load %arg5[%get3A_220, %get3A_221] : memref<256x768xf32, #tpu.memory_space<vmem>>, vector<256x64xf32>
    %swap3A_223 = arith.constant 0 : index
    %swap3A_224 = arith.constant 1880 : index
    %swap3A_225 = vector.load %arg90[%swap3A_223, %swap3A_224] : memref<256x5656xf32, #tpu.memory_space<vmem>>, vector<256x64xf32>
    tpu.vector_store %arg90[%swap3A_223, %swap3A_224], %get3A_222 {strides = array<i32>} : memref<256x5656xf32, #tpu.memory_space<vmem>>, vector<256x64xf32>,
    %get3A_226 = arith.constant 0 : index
    %get3A_227 = arith.constant 0 : index
    %get3A_228 = vector.load %arg10[%get3A_226, %get3A_227] : memref<256x128xf32, #tpu.memory_space<vmem>>, vector<256x64xf32>
    %swap3A_229 = arith.constant 0 : index
    %swap3A_230 = arith.constant 1944 : index
    %swap3A_231 = vector.load %arg90[%swap3A_229, %swap3A_230] : memref<256x5656xf32, #tpu.memory_space<vmem>>, vector<256x64xf32>
    tpu.vector_store %arg90[%swap3A_229, %swap3A_230], %get3A_228 {strides = array<i32>} : memref<256x5656xf32, #tpu.memory_space<vmem>>, vector<256x64xf32>,
    %get3A_232 = arith.constant 0 : index
    %get3A_233 = arith.constant 0 : index
    %get3A_234 = vector.load %arg70[%get3A_232, %get3A_233] : memref<256x128xf32, #tpu.memory_space<vmem>>, vector<256x16xf32>
    %swap3A_235 = arith.constant 0 : index
    %swap3A_236 = arith.constant 2008 : index
    %swap3A_237 = vector.load %arg90[%swap3A_235, %swap3A_236] : memref<256x5656xf32, #tpu.memory_space<vmem>>, vector<256x16xf32>
    tpu.vector_store %arg90[%swap3A_235, %swap3A_236], %get3A_234 {strides = array<i32>} : memref<256x5656xf32, #tpu.memory_space<vmem>>, vector<256x16xf32>,
    %get3A_238 = arith.constant 0 : index
    %get3A_239 = arith.constant 0 : index
    %get3A_240 = vector.load %arg82[%get3A_238, %get3A_239] : memref<256x128xf32, #tpu.memory_space<vmem>>, vector<256x16xf32>
    %swap3A_241 = arith.constant 0 : index
    %swap3A_242 = arith.constant 2024 : index
    %swap3A_243 = vector.load %arg90[%swap3A_241, %swap3A_242] : memref<256x5656xf32, #tpu.memory_space<vmem>>, vector<256x16xf32>
    tpu.vector_store %arg90[%swap3A_241, %swap3A_242], %get3A_240 {strides = array<i32>} : memref<256x5656xf32, #tpu.memory_space<vmem>>, vector<256x16xf32>,
    %get3A_244 = arith.constant 0 : index
    %get3A_245 = arith.constant 192 : index
    %get3A_246 = vector.load %arg4[%get3A_244, %get3A_245] : memref<256x576xf32, #tpu.memory_space<vmem>>, vector<256x48xf32>
    %swap3A_247 = arith.constant 0 : index
    %swap3A_248 = arith.constant 2040 : index
    %swap3A_249 = vector.load %arg90[%swap3A_247, %swap3A_248] : memref<256x5656xf32, #tpu.memory_space<vmem>>, vector<256x48xf32>
    tpu.vector_store %arg90[%swap3A_247, %swap3A_248], %get3A_246 {strides = array<i32>} : memref<256x5656xf32, #tpu.memory_space<vmem>>, vector<256x48xf32>,
    %get3A_250 = arith.constant 0 : index
    %get3A_251 = arith.constant 0 : index
    %get3A_252 = vector.load %arg34[%get3A_250, %get3A_251] : memref<256x128xf32, #tpu.memory_space<vmem>>, vector<256x64xf32>
    %swap3A_253 = arith.constant 0 : index
    %swap3A_254 = arith.constant 2088 : index
    %swap3A_255 = vector.load %arg90[%swap3A_253, %swap3A_254] : memref<256x5656xf32, #tpu.memory_space<vmem>>, vector<256x64xf32>
    tpu.vector_store %arg90[%swap3A_253, %swap3A_254], %get3A_252 {strides = array<i32>} : memref<256x5656xf32, #tpu.memory_space<vmem>>, vector<256x64xf32>,
    %get3A_256 = arith.constant 0 : index
    %get3A_257 = arith.constant 0 : index
    %get3A_258 = vector.load %arg35[%get3A_256, %get3A_257] : memref<256x128xf32, #tpu.memory_space<vmem>>, vector<256x64xf32>
    %swap3A_259 = arith.constant 0 : index
    %swap3A_260 = arith.constant 2152 : index
    %swap3A_261 = vector.load %arg90[%swap3A_259, %swap3A_260] : memref<256x5656xf32, #tpu.memory_space<vmem>>, vector<256x64xf32>
    tpu.vector_store %arg90[%swap3A_259, %swap3A_260], %get3A_258 {strides = array<i32>} : memref<256x5656xf32, #tpu.memory_space<vmem>>, vector<256x64xf32>,
    %get3A_262 = arith.constant 0 : index
    %get3A_263 = arith.constant 0 : index
    %get3A_264 = vector.load %arg36[%get3A_262, %get3A_263] : memref<256x128xf32, #tpu.memory_space<vmem>>, vector<256x64xf32>
    %swap3A_265 = arith.constant 0 : index
    %swap3A_266 = arith.constant 2216 : index
    %swap3A_267 = vector.load %arg90[%swap3A_265, %swap3A_266] : memref<256x5656xf32, #tpu.memory_space<vmem>>, vector<256x64xf32>
    tpu.vector_store %arg90[%swap3A_265, %swap3A_266], %get3A_264 {strides = array<i32>} : memref<256x5656xf32, #tpu.memory_space<vmem>>, vector<256x64xf32>,
    %get3A_268 = arith.constant 0 : index
    %get3A_269 = arith.constant 0 : index
    %get3A_270 = vector.load %arg37[%get3A_268, %get3A_269] : memref<256x128xf32, #tpu.memory_space<vmem>>, vector<256x64xf32>
    %swap3A_271 = arith.constant 0 : index
    %swap3A_272 = arith.constant 2280 : index
    %swap3A_273 = vector.load %arg90[%swap3A_271, %swap3A_272] : memref<256x5656xf32, #tpu.memory_space<vmem>>, vector<256x64xf32>
    tpu.vector_store %arg90[%swap3A_271, %swap3A_272], %get3A_270 {strides = array<i32>} : memref<256x5656xf32, #tpu.memory_space<vmem>>, vector<256x64xf32>,
    %get3A_274 = arith.constant 0 : index
    %get3A_275 = arith.constant 256 : index
    %get3A_276 = vector.load %arg5[%get3A_274, %get3A_275] : memref<256x768xf32, #tpu.memory_space<vmem>>, vector<256x64xf32>
    %swap3A_277 = arith.constant 0 : index
    %swap3A_278 = arith.constant 2344 : index
    %swap3A_279 = vector.load %arg90[%swap3A_277, %swap3A_278] : memref<256x5656xf32, #tpu.memory_space<vmem>>, vector<256x64xf32>
    tpu.vector_store %arg90[%swap3A_277, %swap3A_278], %get3A_276 {strides = array<i32>} : memref<256x5656xf32, #tpu.memory_space<vmem>>, vector<256x64xf32>,
    %get3A_280 = arith.constant 0 : index
    %get3A_281 = arith.constant 0 : index
    %get3A_282 = vector.load %arg11[%get3A_280, %get3A_281] : memref<256x128xf32, #tpu.memory_space<vmem>>, vector<256x64xf32>
    %swap3A_283 = arith.constant 0 : index
    %swap3A_284 = arith.constant 2408 : index
    %swap3A_285 = vector.load %arg90[%swap3A_283, %swap3A_284] : memref<256x5656xf32, #tpu.memory_space<vmem>>, vector<256x64xf32>
    tpu.vector_store %arg90[%swap3A_283, %swap3A_284], %get3A_282 {strides = array<i32>} : memref<256x5656xf32, #tpu.memory_space<vmem>>, vector<256x64xf32>,
    %get3A_286 = arith.constant 0 : index
    %get3A_287 = arith.constant 0 : index
    %get3A_288 = vector.load %arg71[%get3A_286, %get3A_287] : memref<256x128xf32, #tpu.memory_space<vmem>>, vector<256x16xf32>
    %swap3A_289 = arith.constant 0 : index
    %swap3A_290 = arith.constant 2472 : index
    %swap3A_291 = vector.load %arg90[%swap3A_289, %swap3A_290] : memref<256x5656xf32, #tpu.memory_space<vmem>>, vector<256x16xf32>
    tpu.vector_store %arg90[%swap3A_289, %swap3A_290], %get3A_288 {strides = array<i32>} : memref<256x5656xf32, #tpu.memory_space<vmem>>, vector<256x16xf32>,
    %get3A_292 = arith.constant 0 : index
    %get3A_293 = arith.constant 0 : index
    %get3A_294 = vector.load %arg83[%get3A_292, %get3A_293] : memref<256x128xf32, #tpu.memory_space<vmem>>, vector<256x16xf32>
    %swap3A_295 = arith.constant 0 : index
    %swap3A_296 = arith.constant 2488 : index
    %swap3A_297 = vector.load %arg90[%swap3A_295, %swap3A_296] : memref<256x5656xf32, #tpu.memory_space<vmem>>, vector<256x16xf32>
    tpu.vector_store %arg90[%swap3A_295, %swap3A_296], %get3A_294 {strides = array<i32>} : memref<256x5656xf32, #tpu.memory_space<vmem>>, vector<256x16xf32>,
    %get3A_298 = arith.constant 0 : index
    %get3A_299 = arith.constant 240 : index
    %get3A_300 = vector.load %arg4[%get3A_298, %get3A_299] : memref<256x576xf32, #tpu.memory_space<vmem>>, vector<256x48xf32>
    %swap3A_301 = arith.constant 0 : index
    %swap3A_302 = arith.constant 2504 : index
    %swap3A_303 = vector.load %arg90[%swap3A_301, %swap3A_302] : memref<256x5656xf32, #tpu.memory_space<vmem>>, vector<256x48xf32>
    tpu.vector_store %arg90[%swap3A_301, %swap3A_302], %get3A_300 {strides = array<i32>} : memref<256x5656xf32, #tpu.memory_space<vmem>>, vector<256x48xf32>,
    %get3A_304 = arith.constant 0 : index
    %get3A_305 = arith.constant 0 : index
    %get3A_306 = vector.load %arg38[%get3A_304, %get3A_305] : memref<256x128xf32, #tpu.memory_space<vmem>>, vector<256x64xf32>
    %swap3A_307 = arith.constant 0 : index
    %swap3A_308 = arith.constant 2552 : index
    %swap3A_309 = vector.load %arg90[%swap3A_307, %swap3A_308] : memref<256x5656xf32, #tpu.memory_space<vmem>>, vector<256x64xf32>
    tpu.vector_store %arg90[%swap3A_307, %swap3A_308], %get3A_306 {strides = array<i32>} : memref<256x5656xf32, #tpu.memory_space<vmem>>, vector<256x64xf32>,
    %get3A_310 = arith.constant 0 : index
    %get3A_311 = arith.constant 0 : index
    %get3A_312 = vector.load %arg39[%get3A_310, %get3A_311] : memref<256x128xf32, #tpu.memory_space<vmem>>, vector<256x64xf32>
    %swap3A_313 = arith.constant 0 : index
    %swap3A_314 = arith.constant 2616 : index
    %swap3A_315 = vector.load %arg90[%swap3A_313, %swap3A_314] : memref<256x5656xf32, #tpu.memory_space<vmem>>, vector<256x64xf32>
    tpu.vector_store %arg90[%swap3A_313, %swap3A_314], %get3A_312 {strides = array<i32>} : memref<256x5656xf32, #tpu.memory_space<vmem>>, vector<256x64xf32>,
    %get3A_316 = arith.constant 0 : index
    %get3A_317 = arith.constant 0 : index
    %get3A_318 = vector.load %arg40[%get3A_316, %get3A_317] : memref<256x128xf32, #tpu.memory_space<vmem>>, vector<256x64xf32>
    %swap3A_319 = arith.constant 0 : index
    %swap3A_320 = arith.constant 2680 : index
    %swap3A_321 = vector.load %arg90[%swap3A_319, %swap3A_320] : memref<256x5656xf32, #tpu.memory_space<vmem>>, vector<256x64xf32>
    tpu.vector_store %arg90[%swap3A_319, %swap3A_320], %get3A_318 {strides = array<i32>} : memref<256x5656xf32, #tpu.memory_space<vmem>>, vector<256x64xf32>,
    %get3A_322 = arith.constant 0 : index
    %get3A_323 = arith.constant 0 : index
    %get3A_324 = vector.load %arg41[%get3A_322, %get3A_323] : memref<256x128xf32, #tpu.memory_space<vmem>>, vector<256x64xf32>
    %swap3A_325 = arith.constant 0 : index
    %swap3A_326 = arith.constant 2744 : index
    %swap3A_327 = vector.load %arg90[%swap3A_325, %swap3A_326] : memref<256x5656xf32, #tpu.memory_space<vmem>>, vector<256x64xf32>
    tpu.vector_store %arg90[%swap3A_325, %swap3A_326], %get3A_324 {strides = array<i32>} : memref<256x5656xf32, #tpu.memory_space<vmem>>, vector<256x64xf32>,
    %get3A_328 = arith.constant 0 : index
    %get3A_329 = arith.constant 320 : index
    %get3A_330 = vector.load %arg5[%get3A_328, %get3A_329] : memref<256x768xf32, #tpu.memory_space<vmem>>, vector<256x64xf32>
    %swap3A_331 = arith.constant 0 : index
    %swap3A_332 = arith.constant 2808 : index
    %swap3A_333 = vector.load %arg90[%swap3A_331, %swap3A_332] : memref<256x5656xf32, #tpu.memory_space<vmem>>, vector<256x64xf32>
    tpu.vector_store %arg90[%swap3A_331, %swap3A_332], %get3A_330 {strides = array<i32>} : memref<256x5656xf32, #tpu.memory_space<vmem>>, vector<256x64xf32>,
    %get3A_334 = arith.constant 0 : index
    %get3A_335 = arith.constant 0 : index
    %get3A_336 = vector.load %arg12[%get3A_334, %get3A_335] : memref<256x128xf32, #tpu.memory_space<vmem>>, vector<256x64xf32>
    %swap3A_337 = arith.constant 0 : index
    %swap3A_338 = arith.constant 2872 : index
    %swap3A_339 = vector.load %arg90[%swap3A_337, %swap3A_338] : memref<256x5656xf32, #tpu.memory_space<vmem>>, vector<256x64xf32>
    tpu.vector_store %arg90[%swap3A_337, %swap3A_338], %get3A_336 {strides = array<i32>} : memref<256x5656xf32, #tpu.memory_space<vmem>>, vector<256x64xf32>,
    %get3A_340 = arith.constant 0 : index
    %get3A_341 = arith.constant 0 : index
    %get3A_342 = vector.load %arg72[%get3A_340, %get3A_341] : memref<256x128xf32, #tpu.memory_space<vmem>>, vector<256x16xf32>
    %swap3A_343 = arith.constant 0 : index
    %swap3A_344 = arith.constant 2936 : index
    %swap3A_345 = vector.load %arg90[%swap3A_343, %swap3A_344] : memref<256x5656xf32, #tpu.memory_space<vmem>>, vector<256x16xf32>
    tpu.vector_store %arg90[%swap3A_343, %swap3A_344], %get3A_342 {strides = array<i32>} : memref<256x5656xf32, #tpu.memory_space<vmem>>, vector<256x16xf32>,
    %get3A_346 = arith.constant 0 : index
    %get3A_347 = arith.constant 0 : index
    %get3A_348 = vector.load %arg84[%get3A_346, %get3A_347] : memref<256x128xf32, #tpu.memory_space<vmem>>, vector<256x16xf32>
    %swap3A_349 = arith.constant 0 : index
    %swap3A_350 = arith.constant 2952 : index
    %swap3A_351 = vector.load %arg90[%swap3A_349, %swap3A_350] : memref<256x5656xf32, #tpu.memory_space<vmem>>, vector<256x16xf32>
    tpu.vector_store %arg90[%swap3A_349, %swap3A_350], %get3A_348 {strides = array<i32>} : memref<256x5656xf32, #tpu.memory_space<vmem>>, vector<256x16xf32>,
    %get3A_352 = arith.constant 0 : index
    %get3A_353 = arith.constant 288 : index
    %get3A_354 = vector.load %arg4[%get3A_352, %get3A_353] : memref<256x576xf32, #tpu.memory_space<vmem>>, vector<256x48xf32>
    %swap3A_355 = arith.constant 0 : index
    %swap3A_356 = arith.constant 2968 : index
    %swap3A_357 = vector.load %arg90[%swap3A_355, %swap3A_356] : memref<256x5656xf32, #tpu.memory_space<vmem>>, vector<256x48xf32>
    tpu.vector_store %arg90[%swap3A_355, %swap3A_356], %get3A_354 {strides = array<i32>} : memref<256x5656xf32, #tpu.memory_space<vmem>>, vector<256x48xf32>,
    %get3A_358 = arith.constant 0 : index
    %get3A_359 = arith.constant 0 : index
    %get3A_360 = vector.load %arg42[%get3A_358, %get3A_359] : memref<256x128xf32, #tpu.memory_space<vmem>>, vector<256x64xf32>
    %swap3A_361 = arith.constant 0 : index
    %swap3A_362 = arith.constant 3016 : index
    %swap3A_363 = vector.load %arg90[%swap3A_361, %swap3A_362] : memref<256x5656xf32, #tpu.memory_space<vmem>>, vector<256x64xf32>
    tpu.vector_store %arg90[%swap3A_361, %swap3A_362], %get3A_360 {strides = array<i32>} : memref<256x5656xf32, #tpu.memory_space<vmem>>, vector<256x64xf32>,
    %get3A_364 = arith.constant 0 : index
    %get3A_365 = arith.constant 0 : index
    %get3A_366 = vector.load %arg43[%get3A_364, %get3A_365] : memref<256x128xf32, #tpu.memory_space<vmem>>, vector<256x64xf32>
    %swap3A_367 = arith.constant 0 : index
    %swap3A_368 = arith.constant 3080 : index
    %swap3A_369 = vector.load %arg90[%swap3A_367, %swap3A_368] : memref<256x5656xf32, #tpu.memory_space<vmem>>, vector<256x64xf32>
    tpu.vector_store %arg90[%swap3A_367, %swap3A_368], %get3A_366 {strides = array<i32>} : memref<256x5656xf32, #tpu.memory_space<vmem>>, vector<256x64xf32>,
    %get3A_370 = arith.constant 0 : index
    %get3A_371 = arith.constant 0 : index
    %get3A_372 = vector.load %arg44[%get3A_370, %get3A_371] : memref<256x128xf32, #tpu.memory_space<vmem>>, vector<256x64xf32>
    %swap3A_373 = arith.constant 0 : index
    %swap3A_374 = arith.constant 3144 : index
    %swap3A_375 = vector.load %arg90[%swap3A_373, %swap3A_374] : memref<256x5656xf32, #tpu.memory_space<vmem>>, vector<256x64xf32>
    tpu.vector_store %arg90[%swap3A_373, %swap3A_374], %get3A_372 {strides = array<i32>} : memref<256x5656xf32, #tpu.memory_space<vmem>>, vector<256x64xf32>,
    %get3A_376 = arith.constant 0 : index
    %get3A_377 = arith.constant 0 : index
    %get3A_378 = vector.load %arg45[%get3A_376, %get3A_377] : memref<256x128xf32, #tpu.memory_space<vmem>>, vector<256x64xf32>
    %swap3A_379 = arith.constant 0 : index
    %swap3A_380 = arith.constant 3208 : index
    %swap3A_381 = vector.load %arg90[%swap3A_379, %swap3A_380] : memref<256x5656xf32, #tpu.memory_space<vmem>>, vector<256x64xf32>
    tpu.vector_store %arg90[%swap3A_379, %swap3A_380], %get3A_378 {strides = array<i32>} : memref<256x5656xf32, #tpu.memory_space<vmem>>, vector<256x64xf32>,
    %get3A_382 = arith.constant 0 : index
    %get3A_383 = arith.constant 384 : index
    %get3A_384 = vector.load %arg5[%get3A_382, %get3A_383] : memref<256x768xf32, #tpu.memory_space<vmem>>, vector<256x64xf32>
    %swap3A_385 = arith.constant 0 : index
    %swap3A_386 = arith.constant 3272 : index
    %swap3A_387 = vector.load %arg90[%swap3A_385, %swap3A_386] : memref<256x5656xf32, #tpu.memory_space<vmem>>, vector<256x64xf32>
    tpu.vector_store %arg90[%swap3A_385, %swap3A_386], %get3A_384 {strides = array<i32>} : memref<256x5656xf32, #tpu.memory_space<vmem>>, vector<256x64xf32>,
    %get3A_388 = arith.constant 0 : index
    %get3A_389 = arith.constant 0 : index
    %get3A_390 = vector.load %arg13[%get3A_388, %get3A_389] : memref<256x128xf32, #tpu.memory_space<vmem>>, vector<256x64xf32>
    %swap3A_391 = arith.constant 0 : index
    %swap3A_392 = arith.constant 3336 : index
    %swap3A_393 = vector.load %arg90[%swap3A_391, %swap3A_392] : memref<256x5656xf32, #tpu.memory_space<vmem>>, vector<256x64xf32>
    tpu.vector_store %arg90[%swap3A_391, %swap3A_392], %get3A_390 {strides = array<i32>} : memref<256x5656xf32, #tpu.memory_space<vmem>>, vector<256x64xf32>,
    %get3A_394 = arith.constant 0 : index
    %get3A_395 = arith.constant 0 : index
    %get3A_396 = vector.load %arg73[%get3A_394, %get3A_395] : memref<256x128xf32, #tpu.memory_space<vmem>>, vector<256x16xf32>
    %swap3A_397 = arith.constant 0 : index
    %swap3A_398 = arith.constant 3400 : index
    %swap3A_399 = vector.load %arg90[%swap3A_397, %swap3A_398] : memref<256x5656xf32, #tpu.memory_space<vmem>>, vector<256x16xf32>
    tpu.vector_store %arg90[%swap3A_397, %swap3A_398], %get3A_396 {strides = array<i32>} : memref<256x5656xf32, #tpu.memory_space<vmem>>, vector<256x16xf32>,
    %get3A_400 = arith.constant 0 : index
    %get3A_401 = arith.constant 0 : index
    %get3A_402 = vector.load %arg85[%get3A_400, %get3A_401] : memref<256x128xf32, #tpu.memory_space<vmem>>, vector<256x16xf32>
    %swap3A_403 = arith.constant 0 : index
    %swap3A_404 = arith.constant 3416 : index
    %swap3A_405 = vector.load %arg90[%swap3A_403, %swap3A_404] : memref<256x5656xf32, #tpu.memory_space<vmem>>, vector<256x16xf32>
    tpu.vector_store %arg90[%swap3A_403, %swap3A_404], %get3A_402 {strides = array<i32>} : memref<256x5656xf32, #tpu.memory_space<vmem>>, vector<256x16xf32>,
    %get3A_406 = arith.constant 0 : index
    %get3A_407 = arith.constant 336 : index
    %get3A_408 = vector.load %arg4[%get3A_406, %get3A_407] : memref<256x576xf32, #tpu.memory_space<vmem>>, vector<256x48xf32>
    %swap3A_409 = arith.constant 0 : index
    %swap3A_410 = arith.constant 3432 : index
    %swap3A_411 = vector.load %arg90[%swap3A_409, %swap3A_410] : memref<256x5656xf32, #tpu.memory_space<vmem>>, vector<256x48xf32>
    tpu.vector_store %arg90[%swap3A_409, %swap3A_410], %get3A_408 {strides = array<i32>} : memref<256x5656xf32, #tpu.memory_space<vmem>>, vector<256x48xf32>,
    %get3A_412 = arith.constant 0 : index
    %get3A_413 = arith.constant 0 : index
    %get3A_414 = vector.load %arg46[%get3A_412, %get3A_413] : memref<256x128xf32, #tpu.memory_space<vmem>>, vector<256x64xf32>
    %swap3A_415 = arith.constant 0 : index
    %swap3A_416 = arith.constant 3480 : index
    %swap3A_417 = vector.load %arg90[%swap3A_415, %swap3A_416] : memref<256x5656xf32, #tpu.memory_space<vmem>>, vector<256x64xf32>
    tpu.vector_store %arg90[%swap3A_415, %swap3A_416], %get3A_414 {strides = array<i32>} : memref<256x5656xf32, #tpu.memory_space<vmem>>, vector<256x64xf32>,
    %get3A_418 = arith.constant 0 : index
    %get3A_419 = arith.constant 0 : index
    %get3A_420 = vector.load %arg47[%get3A_418, %get3A_419] : memref<256x128xf32, #tpu.memory_space<vmem>>, vector<256x64xf32>
    %swap3A_421 = arith.constant 0 : index
    %swap3A_422 = arith.constant 3544 : index
    %swap3A_423 = vector.load %arg90[%swap3A_421, %swap3A_422] : memref<256x5656xf32, #tpu.memory_space<vmem>>, vector<256x64xf32>
    tpu.vector_store %arg90[%swap3A_421, %swap3A_422], %get3A_420 {strides = array<i32>} : memref<256x5656xf32, #tpu.memory_space<vmem>>, vector<256x64xf32>,
    %get3A_424 = arith.constant 0 : index
    %get3A_425 = arith.constant 0 : index
    %get3A_426 = vector.load %arg48[%get3A_424, %get3A_425] : memref<256x128xf32, #tpu.memory_space<vmem>>, vector<256x64xf32>
    %swap3A_427 = arith.constant 0 : index
    %swap3A_428 = arith.constant 3608 : index
    %swap3A_429 = vector.load %arg90[%swap3A_427, %swap3A_428] : memref<256x5656xf32, #tpu.memory_space<vmem>>, vector<256x64xf32>
    tpu.vector_store %arg90[%swap3A_427, %swap3A_428], %get3A_426 {strides = array<i32>} : memref<256x5656xf32, #tpu.memory_space<vmem>>, vector<256x64xf32>,
    %get3A_430 = arith.constant 0 : index
    %get3A_431 = arith.constant 0 : index
    %get3A_432 = vector.load %arg49[%get3A_430, %get3A_431] : memref<256x128xf32, #tpu.memory_space<vmem>>, vector<256x64xf32>
    %swap3A_433 = arith.constant 0 : index
    %swap3A_434 = arith.constant 3672 : index
    %swap3A_435 = vector.load %arg90[%swap3A_433, %swap3A_434] : memref<256x5656xf32, #tpu.memory_space<vmem>>, vector<256x64xf32>
    tpu.vector_store %arg90[%swap3A_433, %swap3A_434], %get3A_432 {strides = array<i32>} : memref<256x5656xf32, #tpu.memory_space<vmem>>, vector<256x64xf32>,
    %get3A_436 = arith.constant 0 : index
    %get3A_437 = arith.constant 448 : index
    %get3A_438 = vector.load %arg5[%get3A_436, %get3A_437] : memref<256x768xf32, #tpu.memory_space<vmem>>, vector<256x64xf32>
    %swap3A_439 = arith.constant 0 : index
    %swap3A_440 = arith.constant 3736 : index
    %swap3A_441 = vector.load %arg90[%swap3A_439, %swap3A_440] : memref<256x5656xf32, #tpu.memory_space<vmem>>, vector<256x64xf32>
    tpu.vector_store %arg90[%swap3A_439, %swap3A_440], %get3A_438 {strides = array<i32>} : memref<256x5656xf32, #tpu.memory_space<vmem>>, vector<256x64xf32>,
    %get3A_442 = arith.constant 0 : index
    %get3A_443 = arith.constant 0 : index
    %get3A_444 = vector.load %arg14[%get3A_442, %get3A_443] : memref<256x128xf32, #tpu.memory_space<vmem>>, vector<256x64xf32>
    %swap3A_445 = arith.constant 0 : index
    %swap3A_446 = arith.constant 3800 : index
    %swap3A_447 = vector.load %arg90[%swap3A_445, %swap3A_446] : memref<256x5656xf32, #tpu.memory_space<vmem>>, vector<256x64xf32>
    tpu.vector_store %arg90[%swap3A_445, %swap3A_446], %get3A_444 {strides = array<i32>} : memref<256x5656xf32, #tpu.memory_space<vmem>>, vector<256x64xf32>,
    %get3A_448 = arith.constant 0 : index
    %get3A_449 = arith.constant 0 : index
    %get3A_450 = vector.load %arg74[%get3A_448, %get3A_449] : memref<256x128xf32, #tpu.memory_space<vmem>>, vector<256x16xf32>
    %swap3A_451 = arith.constant 0 : index
    %swap3A_452 = arith.constant 3864 : index
    %swap3A_453 = vector.load %arg90[%swap3A_451, %swap3A_452] : memref<256x5656xf32, #tpu.memory_space<vmem>>, vector<256x16xf32>
    tpu.vector_store %arg90[%swap3A_451, %swap3A_452], %get3A_450 {strides = array<i32>} : memref<256x5656xf32, #tpu.memory_space<vmem>>, vector<256x16xf32>,
    %get3A_454 = arith.constant 0 : index
    %get3A_455 = arith.constant 0 : index
    %get3A_456 = vector.load %arg86[%get3A_454, %get3A_455] : memref<256x128xf32, #tpu.memory_space<vmem>>, vector<256x16xf32>
    %swap3A_457 = arith.constant 0 : index
    %swap3A_458 = arith.constant 3880 : index
    %swap3A_459 = vector.load %arg90[%swap3A_457, %swap3A_458] : memref<256x5656xf32, #tpu.memory_space<vmem>>, vector<256x16xf32>
    tpu.vector_store %arg90[%swap3A_457, %swap3A_458], %get3A_456 {strides = array<i32>} : memref<256x5656xf32, #tpu.memory_space<vmem>>, vector<256x16xf32>,
    %get3A_460 = arith.constant 0 : index
    %get3A_461 = arith.constant 384 : index
    %get3A_462 = vector.load %arg4[%get3A_460, %get3A_461] : memref<256x576xf32, #tpu.memory_space<vmem>>, vector<256x48xf32>
    %swap3A_463 = arith.constant 0 : index
    %swap3A_464 = arith.constant 3896 : index
    %swap3A_465 = vector.load %arg90[%swap3A_463, %swap3A_464] : memref<256x5656xf32, #tpu.memory_space<vmem>>, vector<256x48xf32>
    tpu.vector_store %arg90[%swap3A_463, %swap3A_464], %get3A_462 {strides = array<i32>} : memref<256x5656xf32, #tpu.memory_space<vmem>>, vector<256x48xf32>,
    %get3A_466 = arith.constant 0 : index
    %get3A_467 = arith.constant 0 : index
    %get3A_468 = vector.load %arg50[%get3A_466, %get3A_467] : memref<256x128xf32, #tpu.memory_space<vmem>>, vector<256x64xf32>
    %swap3A_469 = arith.constant 0 : index
    %swap3A_470 = arith.constant 3944 : index
    %swap3A_471 = vector.load %arg90[%swap3A_469, %swap3A_470] : memref<256x5656xf32, #tpu.memory_space<vmem>>, vector<256x64xf32>
    tpu.vector_store %arg90[%swap3A_469, %swap3A_470], %get3A_468 {strides = array<i32>} : memref<256x5656xf32, #tpu.memory_space<vmem>>, vector<256x64xf32>,
    %get3A_472 = arith.constant 0 : index
    %get3A_473 = arith.constant 0 : index
    %get3A_474 = vector.load %arg51[%get3A_472, %get3A_473] : memref<256x128xf32, #tpu.memory_space<vmem>>, vector<256x64xf32>
    %swap3A_475 = arith.constant 0 : index
    %swap3A_476 = arith.constant 4008 : index
    %swap3A_477 = vector.load %arg90[%swap3A_475, %swap3A_476] : memref<256x5656xf32, #tpu.memory_space<vmem>>, vector<256x64xf32>
    tpu.vector_store %arg90[%swap3A_475, %swap3A_476], %get3A_474 {strides = array<i32>} : memref<256x5656xf32, #tpu.memory_space<vmem>>, vector<256x64xf32>,
    %get3A_478 = arith.constant 0 : index
    %get3A_479 = arith.constant 0 : index
    %get3A_480 = vector.load %arg52[%get3A_478, %get3A_479] : memref<256x128xf32, #tpu.memory_space<vmem>>, vector<256x64xf32>
    %swap3A_481 = arith.constant 0 : index
    %swap3A_482 = arith.constant 4072 : index
    %swap3A_483 = vector.load %arg90[%swap3A_481, %swap3A_482] : memref<256x5656xf32, #tpu.memory_space<vmem>>, vector<256x64xf32>
    tpu.vector_store %arg90[%swap3A_481, %swap3A_482], %get3A_480 {strides = array<i32>} : memref<256x5656xf32, #tpu.memory_space<vmem>>, vector<256x64xf32>,
    %get3A_484 = arith.constant 0 : index
    %get3A_485 = arith.constant 0 : index
    %get3A_486 = vector.load %arg53[%get3A_484, %get3A_485] : memref<256x128xf32, #tpu.memory_space<vmem>>, vector<256x64xf32>
    %swap3A_487 = arith.constant 0 : index
    %swap3A_488 = arith.constant 4136 : index
    %swap3A_489 = vector.load %arg90[%swap3A_487, %swap3A_488] : memref<256x5656xf32, #tpu.memory_space<vmem>>, vector<256x64xf32>
    tpu.vector_store %arg90[%swap3A_487, %swap3A_488], %get3A_486 {strides = array<i32>} : memref<256x5656xf32, #tpu.memory_space<vmem>>, vector<256x64xf32>,
    %get3A_490 = arith.constant 0 : index
    %get3A_491 = arith.constant 512 : index
    %get3A_492 = vector.load %arg5[%get3A_490, %get3A_491] : memref<256x768xf32, #tpu.memory_space<vmem>>, vector<256x64xf32>
    %swap3A_493 = arith.constant 0 : index
    %swap3A_494 = arith.constant 4200 : index
    %swap3A_495 = vector.load %arg90[%swap3A_493, %swap3A_494] : memref<256x5656xf32, #tpu.memory_space<vmem>>, vector<256x64xf32>
    tpu.vector_store %arg90[%swap3A_493, %swap3A_494], %get3A_492 {strides = array<i32>} : memref<256x5656xf32, #tpu.memory_space<vmem>>, vector<256x64xf32>,
    %get3A_496 = arith.constant 0 : index
    %get3A_497 = arith.constant 0 : index
    %get3A_498 = vector.load %arg15[%get3A_496, %get3A_497] : memref<256x128xf32, #tpu.memory_space<vmem>>, vector<256x64xf32>
    %swap3A_499 = arith.constant 0 : index
    %swap3A_500 = arith.constant 4264 : index
    %swap3A_501 = vector.load %arg90[%swap3A_499, %swap3A_500] : memref<256x5656xf32, #tpu.memory_space<vmem>>, vector<256x64xf32>
    tpu.vector_store %arg90[%swap3A_499, %swap3A_500], %get3A_498 {strides = array<i32>} : memref<256x5656xf32, #tpu.memory_space<vmem>>, vector<256x64xf32>,
    %get3A_502 = arith.constant 0 : index
    %get3A_503 = arith.constant 0 : index
    %get3A_504 = vector.load %arg75[%get3A_502, %get3A_503] : memref<256x128xf32, #tpu.memory_space<vmem>>, vector<256x16xf32>
    %swap3A_505 = arith.constant 0 : index
    %swap3A_506 = arith.constant 4328 : index
    %swap3A_507 = vector.load %arg90[%swap3A_505, %swap3A_506] : memref<256x5656xf32, #tpu.memory_space<vmem>>, vector<256x16xf32>
    tpu.vector_store %arg90[%swap3A_505, %swap3A_506], %get3A_504 {strides = array<i32>} : memref<256x5656xf32, #tpu.memory_space<vmem>>, vector<256x16xf32>,
    %get3A_508 = arith.constant 0 : index
    %get3A_509 = arith.constant 0 : index
    %get3A_510 = vector.load %arg87[%get3A_508, %get3A_509] : memref<256x128xf32, #tpu.memory_space<vmem>>, vector<256x16xf32>
    %swap3A_511 = arith.constant 0 : index
    %swap3A_512 = arith.constant 4344 : index
    %swap3A_513 = vector.load %arg90[%swap3A_511, %swap3A_512] : memref<256x5656xf32, #tpu.memory_space<vmem>>, vector<256x16xf32>
    tpu.vector_store %arg90[%swap3A_511, %swap3A_512], %get3A_510 {strides = array<i32>} : memref<256x5656xf32, #tpu.memory_space<vmem>>, vector<256x16xf32>,
    %get3A_514 = arith.constant 0 : index
    %get3A_515 = arith.constant 432 : index
    %get3A_516 = vector.load %arg4[%get3A_514, %get3A_515] : memref<256x576xf32, #tpu.memory_space<vmem>>, vector<256x48xf32>
    %swap3A_517 = arith.constant 0 : index
    %swap3A_518 = arith.constant 4360 : index
    %swap3A_519 = vector.load %arg90[%swap3A_517, %swap3A_518] : memref<256x5656xf32, #tpu.memory_space<vmem>>, vector<256x48xf32>
    tpu.vector_store %arg90[%swap3A_517, %swap3A_518], %get3A_516 {strides = array<i32>} : memref<256x5656xf32, #tpu.memory_space<vmem>>, vector<256x48xf32>,
    %get3A_520 = arith.constant 0 : index
    %get3A_521 = arith.constant 0 : index
    %get3A_522 = vector.load %arg54[%get3A_520, %get3A_521] : memref<256x128xf32, #tpu.memory_space<vmem>>, vector<256x64xf32>
    %swap3A_523 = arith.constant 0 : index
    %swap3A_524 = arith.constant 4408 : index
    %swap3A_525 = vector.load %arg90[%swap3A_523, %swap3A_524] : memref<256x5656xf32, #tpu.memory_space<vmem>>, vector<256x64xf32>
    tpu.vector_store %arg90[%swap3A_523, %swap3A_524], %get3A_522 {strides = array<i32>} : memref<256x5656xf32, #tpu.memory_space<vmem>>, vector<256x64xf32>,
    %get3A_526 = arith.constant 0 : index
    %get3A_527 = arith.constant 0 : index
    %get3A_528 = vector.load %arg55[%get3A_526, %get3A_527] : memref<256x128xf32, #tpu.memory_space<vmem>>, vector<256x64xf32>
    %swap3A_529 = arith.constant 0 : index
    %swap3A_530 = arith.constant 4472 : index
    %swap3A_531 = vector.load %arg90[%swap3A_529, %swap3A_530] : memref<256x5656xf32, #tpu.memory_space<vmem>>, vector<256x64xf32>
    tpu.vector_store %arg90[%swap3A_529, %swap3A_530], %get3A_528 {strides = array<i32>} : memref<256x5656xf32, #tpu.memory_space<vmem>>, vector<256x64xf32>,
    %get3A_532 = arith.constant 0 : index
    %get3A_533 = arith.constant 0 : index
    %get3A_534 = vector.load %arg56[%get3A_532, %get3A_533] : memref<256x128xf32, #tpu.memory_space<vmem>>, vector<256x64xf32>
    %swap3A_535 = arith.constant 0 : index
    %swap3A_536 = arith.constant 4536 : index
    %swap3A_537 = vector.load %arg90[%swap3A_535, %swap3A_536] : memref<256x5656xf32, #tpu.memory_space<vmem>>, vector<256x64xf32>
    tpu.vector_store %arg90[%swap3A_535, %swap3A_536], %get3A_534 {strides = array<i32>} : memref<256x5656xf32, #tpu.memory_space<vmem>>, vector<256x64xf32>,
    %get3A_538 = arith.constant 0 : index
    %get3A_539 = arith.constant 0 : index
    %get3A_540 = vector.load %arg57[%get3A_538, %get3A_539] : memref<256x128xf32, #tpu.memory_space<vmem>>, vector<256x64xf32>
    %swap3A_541 = arith.constant 0 : index
    %swap3A_542 = arith.constant 4600 : index
    %swap3A_543 = vector.load %arg90[%swap3A_541, %swap3A_542] : memref<256x5656xf32, #tpu.memory_space<vmem>>, vector<256x64xf32>
    tpu.vector_store %arg90[%swap3A_541, %swap3A_542], %get3A_540 {strides = array<i32>} : memref<256x5656xf32, #tpu.memory_space<vmem>>, vector<256x64xf32>,
    %get3A_544 = arith.constant 0 : index
    %get3A_545 = arith.constant 576 : index
    %get3A_546 = vector.load %arg5[%get3A_544, %get3A_545] : memref<256x768xf32, #tpu.memory_space<vmem>>, vector<256x64xf32>
    %swap3A_547 = arith.constant 0 : index
    %swap3A_548 = arith.constant 4664 : index
    %swap3A_549 = vector.load %arg90[%swap3A_547, %swap3A_548] : memref<256x5656xf32, #tpu.memory_space<vmem>>, vector<256x64xf32>
    tpu.vector_store %arg90[%swap3A_547, %swap3A_548], %get3A_546 {strides = array<i32>} : memref<256x5656xf32, #tpu.memory_space<vmem>>, vector<256x64xf32>,
    %get3A_550 = arith.constant 0 : index
    %get3A_551 = arith.constant 0 : index
    %get3A_552 = vector.load %arg16[%get3A_550, %get3A_551] : memref<256x128xf32, #tpu.memory_space<vmem>>, vector<256x64xf32>
    %swap3A_553 = arith.constant 0 : index
    %swap3A_554 = arith.constant 4728 : index
    %swap3A_555 = vector.load %arg90[%swap3A_553, %swap3A_554] : memref<256x5656xf32, #tpu.memory_space<vmem>>, vector<256x64xf32>
    tpu.vector_store %arg90[%swap3A_553, %swap3A_554], %get3A_552 {strides = array<i32>} : memref<256x5656xf32, #tpu.memory_space<vmem>>, vector<256x64xf32>,
    %get3A_556 = arith.constant 0 : index
    %get3A_557 = arith.constant 0 : index
    %get3A_558 = vector.load %arg76[%get3A_556, %get3A_557] : memref<256x128xf32, #tpu.memory_space<vmem>>, vector<256x16xf32>
    %swap3A_559 = arith.constant 0 : index
    %swap3A_560 = arith.constant 4792 : index
    %swap3A_561 = vector.load %arg90[%swap3A_559, %swap3A_560] : memref<256x5656xf32, #tpu.memory_space<vmem>>, vector<256x16xf32>
    tpu.vector_store %arg90[%swap3A_559, %swap3A_560], %get3A_558 {strides = array<i32>} : memref<256x5656xf32, #tpu.memory_space<vmem>>, vector<256x16xf32>,
    %get3A_562 = arith.constant 0 : index
    %get3A_563 = arith.constant 0 : index
    %get3A_564 = vector.load %arg88[%get3A_562, %get3A_563] : memref<256x128xf32, #tpu.memory_space<vmem>>, vector<256x16xf32>
    %swap3A_565 = arith.constant 0 : index
    %swap3A_566 = arith.constant 4808 : index
    %swap3A_567 = vector.load %arg90[%swap3A_565, %swap3A_566] : memref<256x5656xf32, #tpu.memory_space<vmem>>, vector<256x16xf32>
    tpu.vector_store %arg90[%swap3A_565, %swap3A_566], %get3A_564 {strides = array<i32>} : memref<256x5656xf32, #tpu.memory_space<vmem>>, vector<256x16xf32>,
    %get3A_568 = arith.constant 0 : index
    %get3A_569 = arith.constant 480 : index
    %get3A_570 = vector.load %arg4[%get3A_568, %get3A_569] : memref<256x576xf32, #tpu.memory_space<vmem>>, vector<256x48xf32>
    %swap3A_571 = arith.constant 0 : index
    %swap3A_572 = arith.constant 4824 : index
    %swap3A_573 = vector.load %arg90[%swap3A_571, %swap3A_572] : memref<256x5656xf32, #tpu.memory_space<vmem>>, vector<256x48xf32>
    tpu.vector_store %arg90[%swap3A_571, %swap3A_572], %get3A_570 {strides = array<i32>} : memref<256x5656xf32, #tpu.memory_space<vmem>>, vector<256x48xf32>,
    %get3A_574 = arith.constant 0 : index
    %get3A_575 = arith.constant 0 : index
    %get3A_576 = vector.load %arg58[%get3A_574, %get3A_575] : memref<256x128xf32, #tpu.memory_space<vmem>>, vector<256x64xf32>
    %swap3A_577 = arith.constant 0 : index
    %swap3A_578 = arith.constant 4872 : index
    %swap3A_579 = vector.load %arg90[%swap3A_577, %swap3A_578] : memref<256x5656xf32, #tpu.memory_space<vmem>>, vector<256x64xf32>
    tpu.vector_store %arg90[%swap3A_577, %swap3A_578], %get3A_576 {strides = array<i32>} : memref<256x5656xf32, #tpu.memory_space<vmem>>, vector<256x64xf32>,
    %get3A_580 = arith.constant 0 : index
    %get3A_581 = arith.constant 0 : index
    %get3A_582 = vector.load %arg59[%get3A_580, %get3A_581] : memref<256x128xf32, #tpu.memory_space<vmem>>, vector<256x64xf32>
    %swap3A_583 = arith.constant 0 : index
    %swap3A_584 = arith.constant 4936 : index
    %swap3A_585 = vector.load %arg90[%swap3A_583, %swap3A_584] : memref<256x5656xf32, #tpu.memory_space<vmem>>, vector<256x64xf32>
    tpu.vector_store %arg90[%swap3A_583, %swap3A_584], %get3A_582 {strides = array<i32>} : memref<256x5656xf32, #tpu.memory_space<vmem>>, vector<256x64xf32>,
    %get3A_586 = arith.constant 0 : index
    %get3A_587 = arith.constant 0 : index
    %get3A_588 = vector.load %arg60[%get3A_586, %get3A_587] : memref<256x128xf32, #tpu.memory_space<vmem>>, vector<256x64xf32>
    %swap3A_589 = arith.constant 0 : index
    %swap3A_590 = arith.constant 5000 : index
    %swap3A_591 = vector.load %arg90[%swap3A_589, %swap3A_590] : memref<256x5656xf32, #tpu.memory_space<vmem>>, vector<256x64xf32>
    tpu.vector_store %arg90[%swap3A_589, %swap3A_590], %get3A_588 {strides = array<i32>} : memref<256x5656xf32, #tpu.memory_space<vmem>>, vector<256x64xf32>,
    %get3A_592 = arith.constant 0 : index
    %get3A_593 = arith.constant 0 : index
    %get3A_594 = vector.load %arg61[%get3A_592, %get3A_593] : memref<256x128xf32, #tpu.memory_space<vmem>>, vector<256x64xf32>
    %swap3A_595 = arith.constant 0 : index
    %swap3A_596 = arith.constant 5064 : index
    %swap3A_597 = vector.load %arg90[%swap3A_595, %swap3A_596] : memref<256x5656xf32, #tpu.memory_space<vmem>>, vector<256x64xf32>
    tpu.vector_store %arg90[%swap3A_595, %swap3A_596], %get3A_594 {strides = array<i32>} : memref<256x5656xf32, #tpu.memory_space<vmem>>, vector<256x64xf32>,
    %get3A_598 = arith.constant 0 : index
    %get3A_599 = arith.constant 640 : index
    %get3A_600 = vector.load %arg5[%get3A_598, %get3A_599] : memref<256x768xf32, #tpu.memory_space<vmem>>, vector<256x64xf32>
    %swap3A_601 = arith.constant 0 : index
    %swap3A_602 = arith.constant 5128 : index
    %swap3A_603 = vector.load %arg90[%swap3A_601, %swap3A_602] : memref<256x5656xf32, #tpu.memory_space<vmem>>, vector<256x64xf32>
    tpu.vector_store %arg90[%swap3A_601, %swap3A_602], %get3A_600 {strides = array<i32>} : memref<256x5656xf32, #tpu.memory_space<vmem>>, vector<256x64xf32>,
    %get3A_604 = arith.constant 0 : index
    %get3A_605 = arith.constant 0 : index
    %get3A_606 = vector.load %arg17[%get3A_604, %get3A_605] : memref<256x128xf32, #tpu.memory_space<vmem>>, vector<256x64xf32>
    %swap3A_607 = arith.constant 0 : index
    %swap3A_608 = arith.constant 5192 : index
    %swap3A_609 = vector.load %arg90[%swap3A_607, %swap3A_608] : memref<256x5656xf32, #tpu.memory_space<vmem>>, vector<256x64xf32>
    tpu.vector_store %arg90[%swap3A_607, %swap3A_608], %get3A_606 {strides = array<i32>} : memref<256x5656xf32, #tpu.memory_space<vmem>>, vector<256x64xf32>,
    %get3A_610 = arith.constant 0 : index
    %get3A_611 = arith.constant 0 : index
    %get3A_612 = vector.load %arg77[%get3A_610, %get3A_611] : memref<256x128xf32, #tpu.memory_space<vmem>>, vector<256x16xf32>
    %swap3A_613 = arith.constant 0 : index
    %swap3A_614 = arith.constant 5256 : index
    %swap3A_615 = vector.load %arg90[%swap3A_613, %swap3A_614] : memref<256x5656xf32, #tpu.memory_space<vmem>>, vector<256x16xf32>
    tpu.vector_store %arg90[%swap3A_613, %swap3A_614], %get3A_612 {strides = array<i32>} : memref<256x5656xf32, #tpu.memory_space<vmem>>, vector<256x16xf32>,
    %get3A_616 = arith.constant 0 : index
    %get3A_617 = arith.constant 0 : index
    %get3A_618 = vector.load %arg89[%get3A_616, %get3A_617] : memref<256x128xf32, #tpu.memory_space<vmem>>, vector<256x16xf32>
    %swap3A_619 = arith.constant 0 : index
    %swap3A_620 = arith.constant 5272 : index
    %swap3A_621 = vector.load %arg90[%swap3A_619, %swap3A_620] : memref<256x5656xf32, #tpu.memory_space<vmem>>, vector<256x16xf32>
    tpu.vector_store %arg90[%swap3A_619, %swap3A_620], %get3A_618 {strides = array<i32>} : memref<256x5656xf32, #tpu.memory_space<vmem>>, vector<256x16xf32>,
    %get3A_622 = arith.constant 0 : index
    %get3A_623 = arith.constant 528 : index
    %get3A_624 = vector.load %arg4[%get3A_622, %get3A_623] : memref<256x576xf32, #tpu.memory_space<vmem>>, vector<256x48xf32>
    %swap3A_625 = arith.constant 0 : index
    %swap3A_626 = arith.constant 5288 : index
    %swap3A_627 = vector.load %arg90[%swap3A_625, %swap3A_626] : memref<256x5656xf32, #tpu.memory_space<vmem>>, vector<256x48xf32>
    tpu.vector_store %arg90[%swap3A_625, %swap3A_626], %get3A_624 {strides = array<i32>} : memref<256x5656xf32, #tpu.memory_space<vmem>>, vector<256x48xf32>,
    %get3A_628 = arith.constant 0 : index
    %get3A_629 = arith.constant 0 : index
    %get3A_630 = vector.load %arg62[%get3A_628, %get3A_629] : memref<256x128xf32, #tpu.memory_space<vmem>>, vector<256x64xf32>
    %swap3A_631 = arith.constant 0 : index
    %swap3A_632 = arith.constant 5336 : index
    %swap3A_633 = vector.load %arg90[%swap3A_631, %swap3A_632] : memref<256x5656xf32, #tpu.memory_space<vmem>>, vector<256x64xf32>
    tpu.vector_store %arg90[%swap3A_631, %swap3A_632], %get3A_630 {strides = array<i32>} : memref<256x5656xf32, #tpu.memory_space<vmem>>, vector<256x64xf32>,
    %get3A_634 = arith.constant 0 : index
    %get3A_635 = arith.constant 0 : index
    %get3A_636 = vector.load %arg63[%get3A_634, %get3A_635] : memref<256x128xf32, #tpu.memory_space<vmem>>, vector<256x64xf32>
    %swap3A_637 = arith.constant 0 : index
    %swap3A_638 = arith.constant 5400 : index
    %swap3A_639 = vector.load %arg90[%swap3A_637, %swap3A_638] : memref<256x5656xf32, #tpu.memory_space<vmem>>, vector<256x64xf32>
    tpu.vector_store %arg90[%swap3A_637, %swap3A_638], %get3A_636 {strides = array<i32>} : memref<256x5656xf32, #tpu.memory_space<vmem>>, vector<256x64xf32>,
    %get3A_640 = arith.constant 0 : index
    %get3A_641 = arith.constant 0 : index
    %get3A_642 = vector.load %arg64[%get3A_640, %get3A_641] : memref<256x128xf32, #tpu.memory_space<vmem>>, vector<256x64xf32>
    %swap3A_643 = arith.constant 0 : index
    %swap3A_644 = arith.constant 5464 : index
    %swap3A_645 = vector.load %arg90[%swap3A_643, %swap3A_644] : memref<256x5656xf32, #tpu.memory_space<vmem>>, vector<256x64xf32>
    tpu.vector_store %arg90[%swap3A_643, %swap3A_644], %get3A_642 {strides = array<i32>} : memref<256x5656xf32, #tpu.memory_space<vmem>>, vector<256x64xf32>,
    %get3A_646 = arith.constant 0 : index
    %get3A_647 = arith.constant 0 : index
    %get3A_648 = vector.load %arg65[%get3A_646, %get3A_647] : memref<256x128xf32, #tpu.memory_space<vmem>>, vector<256x64xf32>
    %swap3A_649 = arith.constant 0 : index
    %swap3A_650 = arith.constant 5528 : index
    %swap3A_651 = vector.load %arg90[%swap3A_649, %swap3A_650] : memref<256x5656xf32, #tpu.memory_space<vmem>>, vector<256x64xf32>
    tpu.vector_store %arg90[%swap3A_649, %swap3A_650], %get3A_648 {strides = array<i32>} : memref<256x5656xf32, #tpu.memory_space<vmem>>, vector<256x64xf32>,
    %get3A_652 = arith.constant 0 : index
    %get3A_653 = arith.constant 704 : index
    %get3A_654 = vector.load %arg5[%get3A_652, %get3A_653] : memref<256x768xf32, #tpu.memory_space<vmem>>, vector<256x64xf32>
    %swap3A_655 = arith.constant 0 : index
    %swap3A_656 = arith.constant 5592 : index
    %swap3A_657 = vector.load %arg90[%swap3A_655, %swap3A_656] : memref<256x5656xf32, #tpu.memory_space<vmem>>, vector<256x64xf32>
    tpu.vector_store %arg90[%swap3A_655, %swap3A_656], %get3A_654 {strides = array<i32>} : memref<256x5656xf32, #tpu.memory_space<vmem>>, vector<256x64xf32>,
    return
  }
  func.func @transform_1(%arg0: i32) -> (i32, i32) {
    %add3A = arith.constant 32 : i32
    %add3A_0 = arith.addi %arg0, %add3A : i32
    %c0_i32 = arith.constant 0 : i32
    %c0_i32_1 = arith.constant 0 : i32
    return %add3A_0, %c0_i32 : i32, i32
  }
  func.func @transform_2(%arg0: i32) -> (i32, i32) {
    %add3A = arith.constant 32 : i32
    %add3A_0 = arith.addi %arg0, %add3A : i32
    %c0_i32 = arith.constant 0 : i32
    %c0_i32_1 = arith.constant 0 : i32
    return %add3A_0, %c0_i32 : i32, i32
  }
  func.func @transform_3(%arg0: i32) -> (i32, i32) {
    %add3A = arith.constant 32 : i32
    %add3A_0 = arith.addi %arg0, %add3A : i32
    %c0_i32 = arith.constant 0 : i32
    %c0_i32_1 = arith.constant 0 : i32
    return %add3A_0, %c0_i32 : i32, i32
  }
  func.func @transform_4(%arg0: i32) -> (i32, i32) {
    %add3A = arith.constant 32 : i32
    %add3A_0 = arith.addi %arg0, %add3A : i32
    %c0_i32 = arith.constant 0 : i32
    %c0_i32_1 = arith.constant 0 : i32
    return %add3A_0, %c0_i32 : i32, i32
  }
  func.func @transform_5(%arg0: i32) -> (i32, i32) {
    %add3A = arith.constant 0 : i32
    %add3A_0 = arith.addi %add3A, %arg0 : i32
    %c0_i32 = arith.constant 0 : i32
    %c0_i32_1 = arith.constant 0 : i32
    return %add3A_0, %c0_i32 : i32, i32
  }
  func.func @transform_6(%arg0: i32) -> (i32, i32) {
    %add3A = arith.constant 32 : i32
    %add3A_0 = arith.addi %add3A, %arg0 : i32
    %c0_i32 = arith.constant 0 : i32
    %c0_i32_1 = arith.constant 0 : i32
    return %add3A_0, %c0_i32 : i32, i32
  }
  func.func @transform_7(%arg0: i32) -> (i32, i32) {
    %add3A = arith.constant 64 : i32
    %add3A_0 = arith.addi %add3A, %arg0 : i32
    %c0_i32 = arith.constant 0 : i32
    %c0_i32_1 = arith.constant 0 : i32
    return %add3A_0, %c0_i32 : i32, i32
  }
  func.func @transform_8(%arg0: i32) -> (i32, i32) {
    %add3A = arith.constant 96 : i32
    %add3A_0 = arith.addi %add3A, %arg0 : i32
    %c0_i32 = arith.constant 0 : i32
    %c0_i32_1 = arith.constant 0 : i32
    return %add3A_0, %c0_i32 : i32, i32
  }
  func.func @transform_9(%arg0: i32) -> (i32, i32) {
    %add3A = arith.constant 128 : i32
    %add3A_0 = arith.addi %add3A, %arg0 : i32
    %c0_i32 = arith.constant 0 : i32
    %c0_i32_1 = arith.constant 0 : i32
    return %add3A_0, %c0_i32 : i32, i32
  }
  func.func @transform_10(%arg0: i32) -> (i32, i32) {
    %add3A = arith.constant 160 : i32
    %add3A_0 = arith.addi %add3A, %arg0 : i32
    %c0_i32 = arith.constant 0 : i32
    %c0_i32_1 = arith.constant 0 : i32
    return %add3A_0, %c0_i32 : i32, i32
  }
  func.func @transform_11(%arg0: i32) -> (i32, i32) {
    %add3A = arith.constant 192 : i32
    %add3A_0 = arith.addi %add3A, %arg0 : i32
    %c0_i32 = arith.constant 0 : i32
    %c0_i32_1 = arith.constant 0 : i32
    return %add3A_0, %c0_i32 : i32, i32
  }
  func.func @transform_12(%arg0: i32) -> (i32, i32) {
    %add3A = arith.constant 224 : i32
    %add3A_0 = arith.addi %add3A, %arg0 : i32
    %c0_i32 = arith.constant 0 : i32
    %c0_i32_1 = arith.constant 0 : i32
    return %add3A_0, %c0_i32 : i32, i32
  }
  func.func @transform_13(%arg0: i32) -> (i32, i32) {
    %add3A = arith.constant 256 : i32
    %add3A_0 = arith.addi %add3A, %arg0 : i32
    %c0_i32 = arith.constant 0 : i32
    %c0_i32_1 = arith.constant 0 : i32
    return %add3A_0, %c0_i32 : i32, i32
  }
  func.func @transform_14(%arg0: i32) -> (i32, i32) {
    %add3A = arith.constant 288 : i32
    %add3A_0 = arith.addi %add3A, %arg0 : i32
    %c0_i32 = arith.constant 0 : i32
    %c0_i32_1 = arith.constant 0 : i32
    return %add3A_0, %c0_i32 : i32, i32
  }
  func.func @transform_15(%arg0: i32) -> (i32, i32) {
    %add3A = arith.constant 320 : i32
    %add3A_0 = arith.addi %add3A, %arg0 : i32
    %c0_i32 = arith.constant 0 : i32
    %c0_i32_1 = arith.constant 0 : i32
    return %add3A_0, %c0_i32 : i32, i32
  }
  func.func @transform_16(%arg0: i32) -> (i32, i32) {
    %add3A = arith.constant 352 : i32
    %add3A_0 = arith.addi %add3A, %arg0 : i32
    %c0_i32 = arith.constant 0 : i32
    %c0_i32_1 = arith.constant 0 : i32
    return %add3A_0, %c0_i32 : i32, i32
  }
  func.func @transform_17(%arg0: i32) -> (i32, i32) {
    %add3A = arith.constant 384 : i32
    %add3A_0 = arith.addi %add3A, %arg0 : i32
    %c0_i32 = arith.constant 0 : i32
    %c0_i32_1 = arith.constant 0 : i32
    return %add3A_0, %c0_i32 : i32, i32
  }
  func.func @transform_18(%arg0: i32) -> (i32, i32) {
    %add3A = arith.constant 416 : i32
    %add3A_0 = arith.addi %add3A, %arg0 : i32
    %c0_i32 = arith.constant 0 : i32
    %c0_i32_1 = arith.constant 0 : i32
    return %add3A_0, %c0_i32 : i32, i32
  }
  func.func @transform_19(%arg0: i32) -> (i32, i32) {
    %add3A = arith.constant 448 : i32
    %add3A_0 = arith.addi %add3A, %arg0 : i32
    %c0_i32 = arith.constant 0 : i32
    %c0_i32_1 = arith.constant 0 : i32
    return %add3A_0, %c0_i32 : i32, i32
  }
  func.func @transform_20(%arg0: i32) -> (i32, i32) {
    %add3A = arith.constant 480 : i32
    %add3A_0 = arith.addi %add3A, %arg0 : i32
    %c0_i32 = arith.constant 0 : i32
    %c0_i32_1 = arith.constant 0 : i32
    return %add3A_0, %c0_i32 : i32, i32
  }
  func.func @transform_21(%arg0: i32) -> (i32, i32) {
    %add3A = arith.constant 512 : i32
    %add3A_0 = arith.addi %add3A, %arg0 : i32
    %c0_i32 = arith.constant 0 : i32
    %c0_i32_1 = arith.constant 0 : i32
    return %add3A_0, %c0_i32 : i32, i32
  }
  func.func @transform_22(%arg0: i32) -> (i32, i32) {
    %add3A = arith.constant 544 : i32
    %add3A_0 = arith.addi %add3A, %arg0 : i32
    %c0_i32 = arith.constant 0 : i32
    %c0_i32_1 = arith.constant 0 : i32
    return %add3A_0, %c0_i32 : i32, i32
  }
  func.func @transform_23(%arg0: i32) -> (i32, i32) {
    %add3A = arith.constant 576 : i32
    %add3A_0 = arith.addi %add3A, %arg0 : i32
    %c0_i32 = arith.constant 0 : i32
    %c0_i32_1 = arith.constant 0 : i32
    return %add3A_0, %c0_i32 : i32, i32
  }
  func.func @transform_24(%arg0: i32) -> (i32, i32) {
    %add3A = arith.constant 608 : i32
    %add3A_0 = arith.addi %add3A, %arg0 : i32
    %c0_i32 = arith.constant 0 : i32
    %c0_i32_1 = arith.constant 0 : i32
    return %add3A_0, %c0_i32 : i32, i32
  }
  func.func @transform_25(%arg0: i32) -> (i32, i32) {
    %add3A = arith.constant 640 : i32
    %add3A_0 = arith.addi %add3A, %arg0 : i32
    %c0_i32 = arith.constant 0 : i32
    %c0_i32_1 = arith.constant 0 : i32
    return %add3A_0, %c0_i32 : i32, i32
  }
  func.func @transform_26(%arg0: i32) -> (i32, i32) {
    %add3A = arith.constant 672 : i32
    %add3A_0 = arith.addi %add3A, %arg0 : i32
    %c0_i32 = arith.constant 0 : i32
    %c0_i32_1 = arith.constant 0 : i32
    return %add3A_0, %c0_i32 : i32, i32
  }
  func.func @transform_27(%arg0: i32) -> (i32, i32) {
    %add3A = arith.constant 704 : i32
    %add3A_0 = arith.addi %add3A, %arg0 : i32
    %c0_i32 = arith.constant 0 : i32
    %c0_i32_1 = arith.constant 0 : i32
    return %add3A_0, %c0_i32 : i32, i32
  }
  func.func @transform_28(%arg0: i32) -> (i32, i32) {
    %add3A = arith.constant 736 : i32
    %add3A_0 = arith.addi %add3A, %arg0 : i32
    %c0_i32 = arith.constant 0 : i32
    %c0_i32_1 = arith.constant 0 : i32
    return %add3A_0, %c0_i32 : i32, i32
  }
  func.func @transform_29(%arg0: i32) -> (i32, i32) {
    %add3A = arith.constant 768 : i32
    %add3A_0 = arith.addi %add3A, %arg0 : i32
    %c0_i32 = arith.constant 0 : i32
    %c0_i32_1 = arith.constant 0 : i32
    return %add3A_0, %c0_i32 : i32, i32
  }
  func.func @transform_30(%arg0: i32) -> (i32, i32) {
    %add3A = arith.constant 800 : i32
    %add3A_0 = arith.addi %add3A, %arg0 : i32
    %c0_i32 = arith.constant 0 : i32
    %c0_i32_1 = arith.constant 0 : i32
    return %add3A_0, %c0_i32 : i32, i32
  }
  func.func @transform_31(%arg0: i32) -> (i32, i32) {
    %add3A = arith.constant 832 : i32
    %add3A_0 = arith.addi %add3A, %arg0 : i32
    %c0_i32 = arith.constant 0 : i32
    %c0_i32_1 = arith.constant 0 : i32
    return %add3A_0, %c0_i32 : i32, i32
  }
  func.func @transform_32(%arg0: i32) -> (i32, i32) {
    %add3A = arith.constant 864 : i32
    %add3A_0 = arith.addi %add3A, %arg0 : i32
    %c0_i32 = arith.constant 0 : i32
    %c0_i32_1 = arith.constant 0 : i32
    return %add3A_0, %c0_i32 : i32, i32
  }
  func.func @transform_33(%arg0: i32) -> (i32, i32) {
    %add3A = arith.constant 896 : i32
    %add3A_0 = arith.addi %add3A, %arg0 : i32
    %c0_i32 = arith.constant 0 : i32
    %c0_i32_1 = arith.constant 0 : i32
    return %add3A_0, %c0_i32 : i32, i32
  }
  func.func @transform_34(%arg0: i32) -> (i32, i32) {
    %add3A = arith.constant 928 : i32
    %add3A_0 = arith.addi %add3A, %arg0 : i32
    %c0_i32 = arith.constant 0 : i32
    %c0_i32_1 = arith.constant 0 : i32
    return %add3A_0, %c0_i32 : i32, i32
  }
  func.func @transform_35(%arg0: i32) -> (i32, i32) {
    %add3A = arith.constant 960 : i32
    %add3A_0 = arith.addi %add3A, %arg0 : i32
    %c0_i32 = arith.constant 0 : i32
    %c0_i32_1 = arith.constant 0 : i32
    return %add3A_0, %c0_i32 : i32, i32
  }
  func.func @transform_36(%arg0: i32) -> (i32, i32) {
    %add3A = arith.constant 992 : i32
    %add3A_0 = arith.addi %add3A, %arg0 : i32
    %c0_i32 = arith.constant 0 : i32
    %c0_i32_1 = arith.constant 0 : i32
    return %add3A_0, %c0_i32 : i32, i32
  }
  func.func @transform_37(%arg0: i32) -> (i32, i32) {
    %add3A = arith.constant 1024 : i32
    %add3A_0 = arith.addi %add3A, %arg0 : i32
    %c0_i32 = arith.constant 0 : i32
    %c0_i32_1 = arith.constant 0 : i32
    return %add3A_0, %c0_i32 : i32, i32
  }
  func.func @transform_38(%arg0: i32) -> (i32, i32) {
    %add3A = arith.constant 1056 : i32
    %add3A_0 = arith.addi %add3A, %arg0 : i32
    %c0_i32 = arith.constant 0 : i32
    %c0_i32_1 = arith.constant 0 : i32
    return %add3A_0, %c0_i32 : i32, i32
  }
  func.func @transform_39(%arg0: i32) -> (i32, i32) {
    %add3A = arith.constant 1088 : i32
    %add3A_0 = arith.addi %add3A, %arg0 : i32
    %c0_i32 = arith.constant 0 : i32
    %c0_i32_1 = arith.constant 0 : i32
    return %add3A_0, %c0_i32 : i32, i32
  }
  func.func @transform_40(%arg0: i32) -> (i32, i32) {
    %add3A = arith.constant 1120 : i32
    %add3A_0 = arith.addi %add3A, %arg0 : i32
    %c0_i32 = arith.constant 0 : i32
    %c0_i32_1 = arith.constant 0 : i32
    return %add3A_0, %c0_i32 : i32, i32
  }
  func.func @transform_41(%arg0: i32) -> (i32, i32) {
    %add3A = arith.constant 1152 : i32
    %add3A_0 = arith.addi %add3A, %arg0 : i32
    %c0_i32 = arith.constant 0 : i32
    %c0_i32_1 = arith.constant 0 : i32
    return %add3A_0, %c0_i32 : i32, i32
  }
  func.func @transform_42(%arg0: i32) -> (i32, i32) {
    %add3A = arith.constant 1184 : i32
    %add3A_0 = arith.addi %add3A, %arg0 : i32
    %c0_i32 = arith.constant 0 : i32
    %c0_i32_1 = arith.constant 0 : i32
    return %add3A_0, %c0_i32 : i32, i32
  }
  func.func @transform_43(%arg0: i32) -> (i32, i32) {
    %add3A = arith.constant 1216 : i32
    %add3A_0 = arith.addi %add3A, %arg0 : i32
    %c0_i32 = arith.constant 0 : i32
    %c0_i32_1 = arith.constant 0 : i32
    return %add3A_0, %c0_i32 : i32, i32
  }
  func.func @transform_44(%arg0: i32) -> (i32, i32) {
    %add3A = arith.constant 1248 : i32
    %add3A_0 = arith.addi %add3A, %arg0 : i32
    %c0_i32 = arith.constant 0 : i32
    %c0_i32_1 = arith.constant 0 : i32
    return %add3A_0, %c0_i32 : i32, i32
  }
  func.func @transform_45(%arg0: i32) -> (i32, i32) {
    %add3A = arith.constant 1280 : i32
    %add3A_0 = arith.addi %add3A, %arg0 : i32
    %c0_i32 = arith.constant 0 : i32
    %c0_i32_1 = arith.constant 0 : i32
    return %add3A_0, %c0_i32 : i32, i32
  }
  func.func @transform_46(%arg0: i32) -> (i32, i32) {
    %add3A = arith.constant 1312 : i32
    %add3A_0 = arith.addi %add3A, %arg0 : i32
    %c0_i32 = arith.constant 0 : i32
    %c0_i32_1 = arith.constant 0 : i32
    return %add3A_0, %c0_i32 : i32, i32
  }
  func.func @transform_47(%arg0: i32) -> (i32, i32) {
    %add3A = arith.constant 1344 : i32
    %add3A_0 = arith.addi %add3A, %arg0 : i32
    %c0_i32 = arith.constant 0 : i32
    %c0_i32_1 = arith.constant 0 : i32
    return %add3A_0, %c0_i32 : i32, i32
  }
  func.func @transform_48(%arg0: i32) -> (i32, i32) {
    %add3A = arith.constant 1376 : i32
    %add3A_0 = arith.addi %add3A, %arg0 : i32
    %c0_i32 = arith.constant 0 : i32
    %c0_i32_1 = arith.constant 0 : i32
    return %add3A_0, %c0_i32 : i32, i32
  }
  func.func @transform_49(%arg0: i32) -> (i32, i32) {
    %add3A = arith.constant 1408 : i32
    %add3A_0 = arith.addi %add3A, %arg0 : i32
    %c0_i32 = arith.constant 0 : i32
    %c0_i32_1 = arith.constant 0 : i32
    return %add3A_0, %c0_i32 : i32, i32
  }
  func.func @transform_50(%arg0: i32) -> (i32, i32) {
    %add3A = arith.constant 1440 : i32
    %add3A_0 = arith.addi %add3A, %arg0 : i32
    %c0_i32 = arith.constant 0 : i32
    %c0_i32_1 = arith.constant 0 : i32
    return %add3A_0, %c0_i32 : i32, i32
  }
  func.func @transform_51(%arg0: i32) -> (i32, i32) {
    %add3A = arith.constant 1472 : i32
    %add3A_0 = arith.addi %add3A, %arg0 : i32
    %c0_i32 = arith.constant 0 : i32
    %c0_i32_1 = arith.constant 0 : i32
    return %add3A_0, %c0_i32 : i32, i32
  }
  func.func @transform_52(%arg0: i32) -> (i32, i32) {
    %add3A = arith.constant 1504 : i32
    %add3A_0 = arith.addi %add3A, %arg0 : i32
    %c0_i32 = arith.constant 0 : i32
    %c0_i32_1 = arith.constant 0 : i32
    return %add3A_0, %c0_i32 : i32, i32
  }
  func.func @transform_53(%arg0: i32) -> (i32, i32) {
    %add3A = arith.constant 1536 : i32
    %add3A_0 = arith.addi %add3A, %arg0 : i32
    %c0_i32 = arith.constant 0 : i32
    %c0_i32_1 = arith.constant 0 : i32
    return %add3A_0, %c0_i32 : i32, i32
  }
  func.func @transform_54(%arg0: i32) -> (i32, i32) {
    %add3A = arith.constant 1568 : i32
    %add3A_0 = arith.addi %add3A, %arg0 : i32
    %c0_i32 = arith.constant 0 : i32
    %c0_i32_1 = arith.constant 0 : i32
    return %add3A_0, %c0_i32 : i32, i32
  }
  func.func @transform_55(%arg0: i32) -> (i32, i32) {
    %add3A = arith.constant 1600 : i32
    %add3A_0 = arith.addi %add3A, %arg0 : i32
    %c0_i32 = arith.constant 0 : i32
    %c0_i32_1 = arith.constant 0 : i32
    return %add3A_0, %c0_i32 : i32, i32
  }
  func.func @transform_56(%arg0: i32) -> (i32, i32) {
    %add3A = arith.constant 1632 : i32
    %add3A_0 = arith.addi %add3A, %arg0 : i32
    %c0_i32 = arith.constant 0 : i32
    %c0_i32_1 = arith.constant 0 : i32
    return %add3A_0, %c0_i32 : i32, i32
  }
  func.func @transform_57(%arg0: i32) -> (i32, i32) {
    %add3A = arith.constant 1664 : i32
    %add3A_0 = arith.addi %add3A, %arg0 : i32
    %c0_i32 = arith.constant 0 : i32
    %c0_i32_1 = arith.constant 0 : i32
    return %add3A_0, %c0_i32 : i32, i32
  }
  func.func @transform_58(%arg0: i32) -> (i32, i32) {
    %add3A = arith.constant 1696 : i32
    %add3A_0 = arith.addi %add3A, %arg0 : i32
    %c0_i32 = arith.constant 0 : i32
    %c0_i32_1 = arith.constant 0 : i32
    return %add3A_0, %c0_i32 : i32, i32
  }
  func.func @transform_59(%arg0: i32) -> (i32, i32) {
    %add3A = arith.constant 1728 : i32
    %add3A_0 = arith.addi %add3A, %arg0 : i32
    %c0_i32 = arith.constant 0 : i32
    %c0_i32_1 = arith.constant 0 : i32
    return %add3A_0, %c0_i32 : i32, i32
  }
  func.func @transform_60(%arg0: i32) -> (i32, i32) {
    %add3A = arith.constant 1760 : i32
    %add3A_0 = arith.addi %add3A, %arg0 : i32
    %c0_i32 = arith.constant 0 : i32
    %c0_i32_1 = arith.constant 0 : i32
    return %add3A_0, %c0_i32 : i32, i32
  }
  func.func @transform_61(%arg0: i32) -> (i32, i32) {
    %add3A = arith.constant 1792 : i32
    %add3A_0 = arith.addi %add3A, %arg0 : i32
    %c0_i32 = arith.constant 0 : i32
    %c0_i32_1 = arith.constant 0 : i32
    return %add3A_0, %c0_i32 : i32, i32
  }
  func.func @transform_62(%arg0: i32) -> (i32, i32) {
    %add3A = arith.constant 1824 : i32
    %add3A_0 = arith.addi %add3A, %arg0 : i32
    %c0_i32 = arith.constant 0 : i32
    %c0_i32_1 = arith.constant 0 : i32
    return %add3A_0, %c0_i32 : i32, i32
  }
  func.func @transform_63(%arg0: i32) -> (i32, i32) {
    %add3A = arith.constant 1856 : i32
    %add3A_0 = arith.addi %add3A, %arg0 : i32
    %c0_i32 = arith.constant 0 : i32
    %c0_i32_1 = arith.constant 0 : i32
    return %add3A_0, %c0_i32 : i32, i32
  }
  func.func @transform_64(%arg0: i32) -> (i32, i32) {
    %add3A = arith.constant 1888 : i32
    %add3A_0 = arith.addi %add3A, %arg0 : i32
    %c0_i32 = arith.constant 0 : i32
    %c0_i32_1 = arith.constant 0 : i32
    return %add3A_0, %c0_i32 : i32, i32
  }
  func.func @transform_65(%arg0: i32) -> (i32, i32) {
    %add3A = arith.constant 1920 : i32
    %add3A_0 = arith.addi %add3A, %arg0 : i32
    %c0_i32 = arith.constant 0 : i32
    %c0_i32_1 = arith.constant 0 : i32
    return %add3A_0, %c0_i32 : i32, i32
  }
  func.func @transform_66(%arg0: i32) -> (i32, i32) {
    %add3A = arith.constant 1952 : i32
    %add3A_0 = arith.addi %add3A, %arg0 : i32
    %c0_i32 = arith.constant 0 : i32
    %c0_i32_1 = arith.constant 0 : i32
    return %add3A_0, %c0_i32 : i32, i32
  }
  func.func @transform_67(%arg0: i32) -> (i32, i32) {
    %add3A = arith.constant 1984 : i32
    %add3A_0 = arith.addi %add3A, %arg0 : i32
    %c0_i32 = arith.constant 0 : i32
    %c0_i32_1 = arith.constant 0 : i32
    return %add3A_0, %c0_i32 : i32, i32
  }
  func.func @transform_68(%arg0: i32) -> (i32, i32) {
    %add3A = arith.constant 2016 : i32
    %add3A_0 = arith.addi %add3A, %arg0 : i32
    %c0_i32 = arith.constant 0 : i32
    %c0_i32_1 = arith.constant 0 : i32
    return %add3A_0, %c0_i32 : i32, i32
  }
  func.func @transform_69(%arg0: i32) -> (i32, i32) {
    %add3A = arith.constant 2048 : i32
    %add3A_0 = arith.addi %add3A, %arg0 : i32
    %c0_i32 = arith.constant 0 : i32
    %c0_i32_1 = arith.constant 0 : i32
    return %add3A_0, %c0_i32 : i32, i32
  }
  func.func @transform_70(%arg0: i32) -> (i32, i32) {
    %add3A = arith.constant 2080 : i32
    %add3A_0 = arith.addi %add3A, %arg0 : i32
    %c0_i32 = arith.constant 0 : i32
    %c0_i32_1 = arith.constant 0 : i32
    return %add3A_0, %c0_i32 : i32, i32
  }
  func.func @transform_71(%arg0: i32) -> (i32, i32) {
    %add3A = arith.constant 2112 : i32
    %add3A_0 = arith.addi %add3A, %arg0 : i32
    %c0_i32 = arith.constant 0 : i32
    %c0_i32_1 = arith.constant 0 : i32
    return %add3A_0, %c0_i32 : i32, i32
  }
  func.func @transform_72(%arg0: i32) -> (i32, i32) {
    %add3A = arith.constant 2144 : i32
    %add3A_0 = arith.addi %add3A, %arg0 : i32
    %c0_i32 = arith.constant 0 : i32
    %c0_i32_1 = arith.constant 0 : i32
    return %add3A_0, %c0_i32 : i32, i32
  }
  func.func @transform_73(%arg0: i32) -> (i32, i32) {
    %add3A = arith.constant 2176 : i32
    %add3A_0 = arith.addi %add3A, %arg0 : i32
    %c0_i32 = arith.constant 0 : i32
    %c0_i32_1 = arith.constant 0 : i32
    return %add3A_0, %c0_i32 : i32, i32
  }
  func.func @transform_74(%arg0: i32) -> (i32, i32) {
    %add3A = arith.constant 2208 : i32
    %add3A_0 = arith.addi %add3A, %arg0 : i32
    %c0_i32 = arith.constant 0 : i32
    %c0_i32_1 = arith.constant 0 : i32
    return %add3A_0, %c0_i32 : i32, i32
  }
  func.func @transform_75(%arg0: i32) -> (i32, i32) {
    %add3A = arith.constant 2240 : i32
    %add3A_0 = arith.addi %add3A, %arg0 : i32
    %c0_i32 = arith.constant 0 : i32
    %c0_i32_1 = arith.constant 0 : i32
    return %add3A_0, %c0_i32 : i32, i32
  }
  func.func @transform_76(%arg0: i32) -> (i32, i32) {
    %add3A = arith.constant 2272 : i32
    %add3A_0 = arith.addi %add3A, %arg0 : i32
    %c0_i32 = arith.constant 0 : i32
    %c0_i32_1 = arith.constant 0 : i32
    return %add3A_0, %c0_i32 : i32, i32
  }
  func.func @transform_77(%arg0: i32) -> (i32, i32) {
    %add3A = arith.constant 2304 : i32
    %add3A_0 = arith.addi %add3A, %arg0 : i32
    %c0_i32 = arith.constant 0 : i32
    %c0_i32_1 = arith.constant 0 : i32
    return %add3A_0, %c0_i32 : i32, i32
  }
  func.func @transform_78(%arg0: i32) -> (i32, i32) {
    %add3A = arith.constant 2336 : i32
    %add3A_0 = arith.addi %add3A, %arg0 : i32
    %c0_i32 = arith.constant 0 : i32
    %c0_i32_1 = arith.constant 0 : i32
    return %add3A_0, %c0_i32 : i32, i32
  }
  func.func @transform_79(%arg0: i32) -> (i32, i32) {
    %add3A = arith.constant 2368 : i32
    %add3A_0 = arith.addi %add3A, %arg0 : i32
    %c0_i32 = arith.constant 0 : i32
    %c0_i32_1 = arith.constant 0 : i32
    return %add3A_0, %c0_i32 : i32, i32
  }
  func.func @transform_80(%arg0: i32) -> (i32, i32) {
    %add3A = arith.constant 2400 : i32
    %add3A_0 = arith.addi %add3A, %arg0 : i32
    %c0_i32 = arith.constant 0 : i32
    %c0_i32_1 = arith.constant 0 : i32
    return %add3A_0, %c0_i32 : i32, i32
  }
  func.func @transform_81(%arg0: i32) -> (i32, i32) {
    %add3A = arith.constant 2432 : i32
    %add3A_0 = arith.addi %add3A, %arg0 : i32
    %c0_i32 = arith.constant 0 : i32
    %c0_i32_1 = arith.constant 0 : i32
    return %add3A_0, %c0_i32 : i32, i32
  }
  func.func @transform_82(%arg0: i32) -> (i32, i32) {
    %add3A = arith.constant 2464 : i32
    %add3A_0 = arith.addi %add3A, %arg0 : i32
    %c0_i32 = arith.constant 0 : i32
    %c0_i32_1 = arith.constant 0 : i32
    return %add3A_0, %c0_i32 : i32, i32
  }
  func.func @transform_83(%arg0: i32) -> (i32, i32) {
    %add3A = arith.constant 2496 : i32
    %add3A_0 = arith.addi %add3A, %arg0 : i32
    %c0_i32 = arith.constant 0 : i32
    %c0_i32_1 = arith.constant 0 : i32
    return %add3A_0, %c0_i32 : i32, i32
  }
  func.func @transform_84(%arg0: i32) -> (i32, i32) {
    %add3A = arith.constant 2528 : i32
    %add3A_0 = arith.addi %add3A, %arg0 : i32
    %c0_i32 = arith.constant 0 : i32
    %c0_i32_1 = arith.constant 0 : i32
    return %add3A_0, %c0_i32 : i32, i32
  }
  func.func @transform_85(%arg0: i32) -> (i32, i32) {
    %add3A = arith.constant 2560 : i32
    %add3A_0 = arith.addi %add3A, %arg0 : i32
    %c0_i32 = arith.constant 0 : i32
    %c0_i32_1 = arith.constant 0 : i32
    return %add3A_0, %c0_i32 : i32, i32
  }
  func.func @transform_86(%arg0: i32) -> (i32, i32) {
    %add3A = arith.constant 2592 : i32
    %add3A_0 = arith.addi %add3A, %arg0 : i32
    %c0_i32 = arith.constant 0 : i32
    %c0_i32_1 = arith.constant 0 : i32
    return %add3A_0, %c0_i32 : i32, i32
  }
  func.func @transform_87(%arg0: i32) -> (i32, i32) {
    %add3A = arith.constant 2624 : i32
    %add3A_0 = arith.addi %add3A, %arg0 : i32
    %c0_i32 = arith.constant 0 : i32
    %c0_i32_1 = arith.constant 0 : i32
    return %add3A_0, %c0_i32 : i32, i32
  }
  func.func @transform_88(%arg0: i32) -> (i32, i32) {
    %add3A = arith.constant 2656 : i32
    %add3A_0 = arith.addi %add3A, %arg0 : i32
    %c0_i32 = arith.constant 0 : i32
    %c0_i32_1 = arith.constant 0 : i32
    return %add3A_0, %c0_i32 : i32, i32
  }
  func.func @transform_89(%arg0: i32) -> (i32, i32) {
    %add3A = arith.constant 32 : i32
    %add3A_0 = arith.addi %arg0, %add3A : i32
    %c0_i32 = arith.constant 0 : i32
    %c0_i32_1 = arith.constant 0 : i32
    return %add3A_0, %c0_i32 : i32, i32
  }
}

</mosaic_0001>

<sc_bundles>
// kernel: kernel.6.cloned.1.call-start
scs
__scs_entry_jumppad:
0x0: {  	(pc) =	sbr.rel $0x88, $3  }
0x1: {  	(tag) =	ssettag $0x0;
	lr =	simm.s32 $0x1  }
0x2: {  	[smem:$0x3F95] =	sst lr;
	_ =	strace $0xD0000000  }
0x3: {  	_ = 	snop  }
0x4: {  	_ = 	snop  }
0x5: {  	_ = 	snop  }
0x6: {  	_ = 	snop  }
0x7: {  	_ = 	snop  }
__scs_overlays_trampoline_lowered:
0x8: {  	[smem:$0x3FA4] =	sst s0  }
0x9: {  	[smem:$0x3FA5] =	sst s1  }
0xa: {  	[smem:$0x3FA6] =	sst s2  }
0xb: {  	[smem:$0x3FA7] =	sst s3  }
0xc: {  	[smem:$0x3FA8] =	sst s4  }
0xd: {  	[smem:$0x3FA9] =	sst s5  }
0xe: {  	[smem:$0x3FAA] =	sst s6  }
0xf: {  	[smem:$0x3FAB] =	sst s7  }
0x10: {  	[smem:$0x3FAC] =	sst s8  }
0x11: {  	[smem:$0x3FAD] =	sst s9;
	s0 =	simm.s32 @!p0 $0x0  }
0x12: {  	s1 =	sld [smem:$0x3F93];
	s0 =	simm.s32 @p0 $0x1  }
0x13: {  	[smem:$0x3FAE] =	sst s0;
	s0 =	simm.s32 @!p1 $0x0  }
0x14: {  	s2 =	sld [smem:$0x3F92];
	s0 =	simm.s32 @p1 $0x1  }
0x15: {  	[smem:$0x3FAF] =	sst s0;
	s0 =	simm.s32 @!p2 $0x0  }
0x16: {  	s3 =	sld [smem:$0x3FDB];
	s0 =	simm.s32 @p2 $0x1  }
0x17: {  	s4 =	simm.s32 $0x1BF5;
	[smem:$0x3FB1] =	sst s0  }
0x18: {  	s0 =	sld [smem:$0x3F94];
	_ =	swait.ge [sflag:s4], $0x0  }
0x19: {  	s7 =	sld [smem:$0x3F95]  }
0x1a: {  	s8 =	sadd.s32 $0xFFFFE003, lr  }
0x1b: {  	s9 =	sadd.s32 $0xFFFFFEF7, lr;
	s5 =	simm.s32 $0xFFFFFFFF;
	p2 =	slt.u32 s8, $0xFFFFF086  }
0x1c: {  	p1 =	slt.u32 s9, $0xF7A;
	s5 =	simm.s32 @!p2 $0x0  }
0x1d: {  	s5 =	simm.s32 @p1 $0x1;
	p0 =	seq.s32 s7, s2  }
0x1e: {  	s7 =	smul.u32 @!p0 $0xF7A, s2;
	p2 =	seq.s32 @!p0 s5, $0x0  }
0x1f: {  	s9 =	smul.u32 $0xF7A, s1;
	s8 =	simm.s32 @!p0 $0x1BF5;
	p2 =	por !p2, p0  }
0x20: {  	[sflag:s8] =	ssyncset.s32 @!p0 $0xFFFFF086;
	s6 =	sadd.s32 @!p0 s3, s7;
	s7 =	simm.s32 @!p0 $0x108  }
0x21: {  	s3 =	sadd.s32 s3, s9;
	s6 =	sadd.s32 @!p0 $0x88, s6;
	s7 =	simm.s32 @p2 $0x1082  }
0x22: {  	[simem:s7], [sflag:s8] =	dma.local @!p0 [hbm:s6], $0xF7A  }
0x23: {  	s9 =	sor.u32 $0xD0000000, s2;
	s6 =	simm.s32 $0x108;
	_ =	swait.ge @!p0 [sflag:s8], $0x0  }
0x24: {  	s3 =	sadd.s32 $0x88, s3;
	s6 =	simm.s32 @!p1 $0x1082;
	[sflag:s4] =	ssyncset.s32 $0xFFFFF086  }
0x25: {  	[simem:s6], [sflag:s4] =	dma.local [hbm:s3], $0xF7A  }
0x26: {  	[smem:$0x3F95] =	sst s1;
	(tag) =	ssettag s2;
	_ =	strace s9  }
0x27: {  	s1 =	sld [smem:$0x3FA5]  }
0x28: {  	s2 =	sld [smem:$0x3FA6]  }
0x29: {  	s4 =	sld [smem:$0x3FA8]  }
0x2a: {  	p0 =	seq.s32 s5, $0x0;
	s5 =	sld [smem:$0x3FA9]  }
0x2b: {  	s6 =	sld [smem:$0x3FAA]  }
0x2c: {  	s7 =	sld [smem:$0x3FAB]  }
0x2d: {  	s3 =	simm.s32 $0x108;
	s8 =	sld [smem:$0x3FAC]  }
0x2e: {  	s3 =	simm.s32 @!p0 $0x1082;
	s9 =	sld [smem:$0x3FAD]  }
0x2f: {  	lr =	sadd.s32 s0, s3;
	s0 =	sld [smem:$0x3FA4]  }
0x30: {  	s3 =	sld [smem:$0x3FA7]  }
0x31: {  	[smem:$0x3FB0] =	sst s10  }
0x32: {  	s10 =	sld [smem:$0x3FAE];
	_ =	sdelay $0x3  }
0x33: {  	p0 =	seq.s32 s10, $0x1;
	s10 =	sld [smem:$0x3FB0];
	_ =	sdelay $0x3  }
0x34: {  	[smem:$0x3FB0] =	sst s10  }
0x35: {  	s10 =	sld [smem:$0x3FAF];
	_ =	sdelay $0x3  }
0x36: {  	p1 =	seq.s32 s10, $0x1;
	s10 =	sld [smem:$0x3FB0];
	_ =	sdelay $0x3  }
0x37: {  	[smem:$0x3FB0] =	sst s10  }
0x38: {  	s10 =	sld [smem:$0x3FB1]  }
0x39: {  	_ = 	snop;
	(pc) =	sbr.ind lr, $3  }
0x3a: {  	_ = 	snop  }
0x3b: {  	_ = 	snop  }
0x3c: {  	p2 =	seq.s32 s10, $0x1;
	s10 =	sld [smem:$0x3FB0]  }
0x3d: {  	_ =	shalt  }
0x3e: {  	_ =	shalt  }
0x3f: {  	_ =	shalt  }
0x40: {  	_ =	shalt  }
0x41: {  	_ =	shalt  }
0x42: {  	_ =	shalt  }
0x43: {  	_ =	shalt  }
0x44: {  	_ =	shalt  }
0x45: {  	_ =	shalt  }
0x46: {  	_ =	shalt  }
0x47: {  	_ =	shalt  }
0x48: {  	_ =	shalt  }
0x49: {  	_ =	shalt  }
0x4a: {  	_ =	shalt  }
0x4b: {  	_ =	shalt  }
0x4c: {  	_ =	shalt  }
0x4d: {  	_ =	shalt  }
0x4e: {  	_ =	shalt  }
0x4f: {  	_ =	shalt  }
0x50: {  	_ =	shalt  }
0x51: {  	_ =	shalt  }
0x52: {  	_ =	shalt  }
0x53: {  	_ =	shalt  }
0x54: {  	_ =	shalt  }
0x55: {  	_ =	shalt  }
0x56: {  	_ =	shalt  }
0x57: {  	_ =	shalt  }
0x58: {  	_ =	shalt  }
0x59: {  	_ =	shalt  }
0x5a: {  	_ =	shalt  }
0x5b: {  	_ =	shalt  }
0x5c: {  	_ =	shalt  }
0x5d: {  	_ =	shalt  }
0x5e: {  	_ =	shalt  }
0x5f: {  	_ =	shalt  }
0x60: {  	_ =	shalt  }
0x61: {  	_ =	shalt  }
0x62: {  	_ =	shalt  }
0x63: {  	_ =	shalt  }
0x64: {  	_ =	shalt  }
0x65: {  	_ =	shalt  }
0x66: {  	_ =	shalt  }
0x67: {  	_ =	shalt  }
0x68: {  	_ =	shalt  }
0x69: {  	_ =	shalt  }
0x6a: {  	_ =	shalt  }
0x6b: {  	_ =	shalt  }
0x6c: {  	_ =	shalt  }
0x6d: {  	_ =	shalt  }
0x6e: {  	_ =	shalt  }
0x6f: {  	_ =	shalt  }
0x70: {  	_ =	shalt  }
0x71: {  	_ =	shalt  }
0x72: {  	_ =	shalt  }
0x73: {  	_ =	shalt  }
0x74: {  	_ =	shalt  }
0x75: {  	_ =	shalt  }
0x76: {  	_ =	shalt  }
0x77: {  	_ =	shalt  }
0x78: {  	_ =	shalt  }
0x79: {  	_ =	shalt  }
0x7a: {  	_ =	shalt  }
0x7b: {  	_ =	shalt  }
0x7c: {  	_ =	shalt  }
0x7d: {  	_ =	shalt  }
0x7e: {  	_ =	shalt  }
0x7f: {  	_ =	shalt  }
0x80: {  	_ =	shalt  }
0x81: {  	_ =	shalt  }
0x82: {  	_ =	shalt  }
0x83: {  	_ =	shalt  }
0x84: {  	_ =	shalt  }
0x85: {  	_ =	shalt  }
0x86: {  	_ =	shalt  }
0x87: {  	_ =	shalt  }
.Lfunc_end0:
.L_simem_size_0:
called_computation_lowered:
.L_overlay_start_0:
0x88: {  	s2 =	sld [smem:$0x3FD9]  }
0x89: {  	s3 =	sld [smem:$0x3FFE];
	_ =	sdelay $0x1  }
0x8a: {  	s1 =	srdreg.scid  }
0x8b: {  	s0 =	sand.u32 $0x1, s1  }
0x8c: {  	s16 =	sshll.u32 s0, $0xA;
	s2 =	sadd.s32 s3, s2  }
0x8d: {  	s2 =	sadd.s32 s2, s16  }
0x8e: {  	[smem:$0x3FBC] =	sst s2  }
0x8f: {  	_ = 	snop  }
0x90: {  	(tm) =	ssettm $0x1  }
0x91: {  	s17 =	sld [smem:$0x3FFB];
	_ =	sdelay $0x3  }
0x92: {  	_ =	strace s17  }
0x93: {  	s2 =	sld [smem:$0x3FFC];
	_ =	sdelay $0x3  }
0x94: {  	_ =	strace s2  }
0x95: {  	s2 =	sld [smem:$0x3FFD];
	_ =	sdelay $0x3  }
0x96: {  	_ =	strace s2  }
0x97: {  	_ =	strace $0x8FFFFFFF  }
0x98: {  	s18 =	sld [smem:$0x3FDB];
	_ =	sdelay $0x1  }
0x99: {  	s19 =	simm.s32 $_scs_section_size  }
0x9a: {  	s4 =	simm.s32 $_size__tile_overlayer_lowered;
	s5 =	simm.s32 $_tile_overlayer_lowered  }
0x9b: {  	s22 =	simm.s32 $0x1BFF;
	s21 =	sshll.u32 s5, $0x1;
	s2 =	sadd.s32 s19, s18  }
0x9c: {  	s6 =	simm.s32 $0x0;
	s20 =	sshll.u32 s4, $0x1;
	s4 =	sadd.s32 s21, s2  }
0x9d: {  	[timem:s6], [sflag:s22] =	dma.local [hbm:s4], s20  }
0x9e: {  	_ =	swait.ge [sflag:s22], s20  }
0x9f: {  	s3 =	ssub.s32 $0x0, s20;
	[sflag:s22] =	ssyncset.done $0x0  }
0xa0: {  	[sflag:s22] =	ssyncadd.s32 s3;
	_ =	sdelay $0x1  }
0xa1: {  	s23 =	simm.s32 $0x1B8B  }
0xa2: {  	_ =	swait.ge [sflag:s23], $0x1  }
0xa3: {  	[sflag:s23] =	ssyncset.done $0x0  }
0xa4: {  	s25 =	simm.s32 $0x1B8E;
	s24 =	sld [smem:$0x3FFE];
	[sflag:s23] =	ssyncadd.s32 $0xFFFFFFFF  }
0xa5: {  	s26 =	simm.s32 $execute0_lowered;
	[smem:$0x3FD2] =	sst s25  }
0xa6: {  	s4 =	sshll.u32 s26, $0x1;
	_ =	strace $0x80000046;
	[dreg:$0x1] =	wrdreg $0xFFFFFFFF  }
0xa7: {  	s28 =	simm.s32 $_size_execute0_lowered;
	s2 =	sadd.s32 s2, s4;
	[dreg:$0x0] =	wrdreg $0x0  }
0xa8: {  	s4 =	sshll.u32 s28, $0x1;
	[dreg:$0x2] =	wrdreg s2  }
0xa9: {  	[dreg:$0x3] =	wrdreg s4  }
0xaa: {  	[dreg:$0x4] =	wrdreg $0xC0  }
0xab: {  	_ =	task [dreg:s6], $0x5FFFF  }
0xac: {  	[dreg:$0x1] =	wrdreg $0xFFFFFFFF  }
0xad: {  	[dreg:$0x0] =	wrdreg $0x60  }
0xae: {  	[dreg:$0x2] =	wrdreg s24  }
0xaf: {  	[dreg:$0x3] =	wrdreg $0x182000  }
0xb0: {  	[dreg:$0x4] =	wrdreg $0x9  }
0xb1: {  	_ =	task.clear_ibuf [dreg:s6], $0x5FFFF;
	_ =	strace $0x90000046  }
0xb2: {  	s29 =	simm.s32 $0x9;
	_ =	strace $0x80000048  }
0xb3: {  	_ =	swait.ge [sflag:s29], $0x1  }
0xb4: {  	[sflag:s29] =	ssyncadd.s32 $0xFFFFFFFF  }
0xb5: {  	_ =	strace $0x90000048  }
0xb6: {  	_ =	sfence  }
0xb7: {  	s30 =	sld [smem:$0x0];
	_ =	sdelay $0x2  }
0xb8: {  	s31 =	sshll.u32 s1, $0xD;
	s1 =	sshrl.u32 s1, $0x2  }
0xb9: {  	s3 =	sand.u32 $0x4000, s31;
	s1 =	sadd.s32 s1, s30  }
0xba: {  	s0 =	sor.u32 s3, s0;
	s1 =	sshll.u32 s1, $0x11  }
0xbb: {  	s0 =	sor.u32 s1, s0  }
0xbc: {  	s0 =	sadd.s32 $0x8F2B, s0  }
0xbd: {  	[sflag:s0] =	ssyncadd.remote.s32 $0x1  }
0xbe: {  	_ =	sfence.sel $0xFFFF  }
0xbf: {  	[dreg:$0x0] =	wrdreg $0xFFFFFFFF;
	(pc) =	sbr.abs _section_cstart, $3  }
0xc0: {  	[dreg:$0x1] =	wrdreg $0xFFFFFFFF  }
0xc1: {  	_ =	task.clear_ibuf [dreg:s6], $0x2FFFF;
	_ =	strace $0x9FFFFFFF  }
0xc2: {  	(tm) =	ssettm $0x7FFFFFFF  }
0xc3: {  	_ =	shalt  }
tec
execute0_lowered:
.L_overlay_start_1:
0x0: {  	(tag) =	ssettag $0x1  }
0x1: {  	s5 =	rddreg [dreg:$0x0]  }
0x2: {  	s1 =	rddreg [dreg:$0x1]  }
0x3: {  	s0 =	rddreg [dreg:$0x2]  }
0x4: {  	s2 =	simm.s32 $0x0;
	s9 =	stileid.u32;
	s6 =	srdreg.scid  }
0x5: {  	s12 =	simm.s32 $0x1;
	s13 =	simm.s32 $0x80;
	s14 =	simm.s32 $0x0  }
0x6: {  	[smem:$0x7FF] =	sst s2;
	s3 =	sadd.s32 $0x16600, s5;
	s4 =	sadd.s32 $0x1600, s5  }
0x7: {  	s7 =	sshll.u32 s9, $0xD;
	s6 =	sand.u32 $0x1, s6;
	s10 =	sshll.u32 s9, $0x9  }
0x8: {  	p0 =	sne.s32 s9, $0x0;
	_ =	strace $0x80000047;
	s8 =	ssub.s32 $0x2, s6  }
0x9: {  	s11 =	sshll.u32 s6, $0x8;
	s7 =	sadd.s32 s7, s5;
	s31 =	sshll.u32 s6, $0xC  }
0xa: {  	s9 =	sshrl.u32 @!p0 s1, $0x3;
	s29 =	sshrl.u32 s8, $0x1;
	s10 =	sor.u32 s11, s10  }
0xb: {  	s7 =	sadd.s32 s31, s7;
	s11 =	simm.s32 $0x100;
	s30 =	sshrl.u32 s10, $0x3  }
0xc: {  	s8 =	ssub.s32 s8, s29;
	s7 =	sadd.s32 $0x1200, s7;
	s5 =	sadd.s32 s4, s30  }
0xd: {  	s6 =	smax.u32 s8, $0x1;
	s8 =	sor.u32 $0x2000, s10;
	s10 =	sadd.s32 $0x10, s5  }
.LBB2_1:
0xe: {  	s15 =	simm.s32 @!p0 $0x1C07  }
0xf: {  	[spmem:s9], [sflag:s15] =	dma.local @!p0 [hbm:s3], $0xAB00  }
0x10: {  	s15 =	simm.s32 @!p0 $0x7  }
0x11: {  	_ =	swait.ge @!p0 [sflag:s15], $0xAB00  }
0x12: {  	[sflag:s15] =	ssyncset.done @!p0 $0x0  }
0x13: {  	[sflag:s15] =	ssyncadd.s32 @!p0 $0xFFFF5500  }
0x14: {  	s16 =	simm.s32 $0x80;
	[bflag:$0x0] =	sbarrier.arrive $0xFFFF  }
0x15: {  	[tilespmem:s2], [sflag:$0x1] =	stream.linear.gather [hbm4b:s5+s2], $0x80, $0x38;
	[tilespmem:$0x1D780] =	vst v63  }
0x16: {  	s17 =	smov.u32 s7;
	s18 =	simm.s32 $0x0;
	s15 =	smov.u32 s8  }
0x17: {  	[tilespmem:s11], [sflag:$0x1] =	stream.linear.gather [hbm4b:s10+s2], $0x80, $0x38;
	[tilespmem:$0x1D780] =	vst v63  }
.LBB2_2:
0x18: {  	s19 =	smul.u32 $0xAB, s18;
	_ =	sdelay $0x1  }
0x19: {  	s19 =	sshrl.u32 s19, $0x9  }
0x1a: {  	s19 =	sand.u32 $0x7F, s19  }
0x1b: {  	s19 =	smul.u32 $0x3, s19;
	_ =	sdelay $0x1  }
0x1c: {  	s19 =	ssub.s32 s18, s19  }
0x1d: {  	p1 =	slt.u32 s18, $0x3;
	s20 =	sand.u32 $0xFF, s19  }
0x1e: {  	s21 =	sadd.s32 @!p1 $0x4, s20  }
0x1f: {  	_ =	swait.ge @!p1 [sflag:s21], $0x8000  }
0x20: {  	p2 =	sgt.u32 @!p1 s18, $0x53;
	[sflag:s21] =	ssyncset.done @!p1 $0x0  }
0x21: {  	s31 =	sadd.s32 $0xFFFFFFFF, s18;
	p2 =	por p1, !p2;
	[sflag:s21] =	ssyncadd.s32 @!p1 $0xFFFF8000  }
0x22: {  	s19 =	sand.u32 $0x1, s18;
	s20 =	sshll.u32 @p2 s20, $0xF;
	_ =	swait.ge @p2 [sflag:s12], $0x100  }
0x23: {  	s23 =	sor.u32 @p2 $0x2, s19;
	s21 =	sadd.s32 @p2 $0xFFFFFF80, s16;
	[sflag:s12] =	ssyncset.done @p2 $0x0  }
0x24: {  	s22 =	sor.u32 @p2 $0x200, s20;
	s21 =	sand.u32 @p2 $0x80, s21;
	[sflag:s12] =	ssyncadd.s32 @p2 $0xFFFFFF00  }
0x25: {  	[tilespmem:s22], [sflag:s23] =	stream.indirect.gather @p2 [spmem:s1], $0x80, s21, s13, $0xb8;
	[tilespmem:$0x1D780] =	vst v63  }
0x26: {  	s20 =	sor.u32 @p2 $0x4200, s20;
	p1 =	sgt.u32 s31, $0x53;
	s21 =	sor.u32 @p2 $0x100, s21  }
0x27: {  	[tilespmem:s20], [sflag:s23] =	stream.indirect.gather @p2 [spmem:s1], $0x80, s21, s13, $0xb8;
	[tilespmem:$0x1D780] =	vst v63  }
0x28: {  	s20 =	sadd.s32 @!p1 $0x2, s18  }
0x29: {  	s21 =	sand.u32 @!p1 $0xFF, s20  }
0x2a: {  	s19 =	sxor.u32 @!p1 $0x1, s19;
	s21 =	smul.u32 @!p1 $0xAB, s21  }
0x2b: {  	s19 =	sor.u32 @!p1 $0x2, s19  }
0x2c: {  	_ =	swait.ge @!p1 [sflag:s19], $0x4000;
	s21 =	sshrl.u32 @!p1 s21, $0x9  }
0x2d: {  	[sflag:s19] =	ssyncset.done @!p1 $0x0;
	s21 =	smul.u32 @!p1 $0x3, s21  }
0x2e: {  	[sflag:s19] =	ssyncadd.s32 @!p1 $0xFFFFC000  }
0x2f: {  	_ =	swait.ge @!p1 [sflag:s19], $0x4000;
	s20 =	ssub.s32 @!p1 s20, s21  }
0x30: {  	[sflag:s19] =	ssyncset.done @!p1 $0x0;
	s20 =	sand.u32 @!p1 $0xFF, s20  }
0x31: {  	[sflag:s19] =	ssyncadd.s32 @!p1 $0xFFFFC000;
	s19 =	sshll.u32 @!p1 s20, $0xF  }
0x32: {  	s21 =	simm.s32 @!p1 $0x0;
	s20 =	sor.u32 @!p1 $0x4, s20;
	s19 =	sor.u32 @!p1 $0x200, s19  }
0x33: {  	[hbm4b:s17+s21] =	stream.linear.scatter @!p1 [tilespmem:s19], [sflag:s20], $0x8000, $0x38;
	[tilespmem:$0x1D780] =	vst v63  }
0x34: {  	p1 =	sgt.u32 s18, $0x52  }
0x35: {  	s19 =	sshrl.u32 @!p1 s15, $0x3  }
0x36: {  	s20 =	sand.u32 @!p1 $0x80, s16;
	s21 =	simm.s32 @!p1 $0x0;
	s19 =	sadd.s32 @!p1 s4, s19  }
0x37: {  	[tilespmem:s20], [sflag:$0x1] =	stream.linear.gather @!p1 [hbm4b:s19+s21], $0x80, $0x38;
	[tilespmem:$0x1D780] =	vst v63  }
0x38: {  	s18 =	sadd.s32 $0x1, s18;
	s19 =	sadd.s32 @!p1 $0x10, s19;
	s20 =	sor.u32 @!p1 $0x100, s20  }
0x39: {  	[tilespmem:s20], [sflag:$0x1] =	stream.linear.gather @!p1 [hbm4b:s19+s21], $0x80, $0x38;
	[tilespmem:$0x1D780] =	vst v63  }
0x3a: {  	p1 =	sne.s32 s18, $0x57  }
.Ltmp0:
0x3b: {  	_ = 	snop;
	(pc) =	sbr.rel @p1 .LBB2_2-.Ltmp0, $2  }
0x3c: {  	_ =	sdelay $0x2  }
0x3d: {  	s17 =	sadd.s32 $0x20000, s17;
	s16 =	sadd.s32 $0x80, s16;
	s15 =	sadd.s32 $0x2000, s15  }
0x3e: {  	s14 =	sadd.s32 $0x1, s14  }
0x3f: {  	p1 =	sne.s32 s14, s6  }
.Ltmp1:
0x40: {  	_ = 	snop;
	(pc) =	sbr.rel @p1 .LBB2_1-.Ltmp1, $1  }
0x41: {  	_ =	sdelay $0x3  }
0x42: {  	_ =	sfence.sel $0x180000  }
0x43: {  	[bflag:$0x0] =	sbarrier.arrive $0xFFFF  }
0x44: {  	_ =	strace $0x90000047  }
0x45: {  	s0 =	sadd.s32 @!p0 $0x100000, s0;
	[bflag:$0x2] =	sbarrier.arrive $0xFFFF  }
0x46: {  	[sflag:s0] =	ssyncadd.tile.s32 @!p0 $0x1;
	_ =	shalt  }
.Lfunc_end2:
_tile_overlayer_lowered:
.L_overlay_start_2:
0x47: {  	(tag) =	ssettag $0x2  }
0x48: {  	s0 =	rddreg [dreg:$0x0];
	s2 =	stileid.u32  }
0x49: {  	s1 =	rddreg [dreg:$0x1];
	p0 =	sne.s32 s2, $0x0  }
0x4a: {  	s3 =	rddreg [dreg:$0x2];
	[bflag:$0x3] =	sbarrier.arrive $0xFFFF;
	s2 =	simm.s32 @!p0 $0x1C07  }
0x4b: {  	[timem:s3], [sflag:s2] =	dma.local @!p0 [hbm:s0], s1  }
0x4c: {  	s0 =	simm.s32 @!p0 $0x7  }
0x4d: {  	_ =	swait.ge @!p0 [sflag:s0], s1  }
0x4e: {  	s1 =	ssub.s32 @!p0 $0x0, s1;
	[sflag:s0] =	ssyncset.done @!p0 $0x0  }
0x4f: {  	[sflag:s0] =	ssyncadd.s32 @!p0 s1  }
0x50: {  	[bflag:$0x3] =	sbarrier.arrive $0xFFFF  }
0x51: {  	_ =	shalt  }

// kernel: kernel.9.cloned.1.call-start
scs
__scs_entry_jumppad:
0x0: {  	(pc) =	sbr.rel $0x88, $3  }
0x1: {  	(tag) =	ssettag $0x0;
	lr =	simm.s32 $0x1  }
0x2: {  	[smem:$0x3F95] =	sst lr;
	_ =	strace $0xD0000000  }
0x3: {  	_ = 	snop  }
0x4: {  	_ = 	snop  }
0x5: {  	_ = 	snop  }
0x6: {  	_ = 	snop  }
0x7: {  	_ = 	snop  }
__scs_overlays_trampoline_lowered:
0x8: {  	[smem:$0x3FA4] =	sst s0  }
0x9: {  	[smem:$0x3FA5] =	sst s1  }
0xa: {  	[smem:$0x3FA6] =	sst s2  }
0xb: {  	[smem:$0x3FA7] =	sst s3  }
0xc: {  	[smem:$0x3FA8] =	sst s4  }
0xd: {  	[smem:$0x3FA9] =	sst s5  }
0xe: {  	[smem:$0x3FAA] =	sst s6  }
0xf: {  	[smem:$0x3FAB] =	sst s7  }
0x10: {  	[smem:$0x3FAC] =	sst s8  }
0x11: {  	[smem:$0x3FAD] =	sst s9;
	s0 =	simm.s32 @!p0 $0x0  }
0x12: {  	s1 =	sld [smem:$0x3F93];
	s0 =	simm.s32 @p0 $0x1  }
0x13: {  	[smem:$0x3FAE] =	sst s0;
	s0 =	simm.s32 @!p1 $0x0  }
0x14: {  	s2 =	sld [smem:$0x3F92];
	s0 =	simm.s32 @p1 $0x1  }
0x15: {  	[smem:$0x3FAF] =	sst s0;
	s0 =	simm.s32 @!p2 $0x0  }
0x16: {  	s3 =	sld [smem:$0x3FDB];
	s0 =	simm.s32 @p2 $0x1  }
0x17: {  	s4 =	simm.s32 $0x1BF5;
	[smem:$0x3FB1] =	sst s0  }
0x18: {  	s0 =	sld [smem:$0x3F94];
	_ =	swait.ge [sflag:s4], $0x0  }
0x19: {  	s7 =	sld [smem:$0x3F95]  }
0x1a: {  	s8 =	sadd.s32 $0xFFFFE003, lr  }
0x1b: {  	s9 =	sadd.s32 $0xFFFFFEF7, lr;
	s5 =	simm.s32 $0xFFFFFFFF;
	p2 =	slt.u32 s8, $0xFFFFF086  }
0x1c: {  	p1 =	slt.u32 s9, $0xF7A;
	s5 =	simm.s32 @!p2 $0x0  }
0x1d: {  	s5 =	simm.s32 @p1 $0x1;
	p0 =	seq.s32 s7, s2  }
0x1e: {  	s7 =	smul.u32 @!p0 $0xF7A, s2;
	p2 =	seq.s32 @!p0 s5, $0x0  }
0x1f: {  	s9 =	smul.u32 $0xF7A, s1;
	s8 =	simm.s32 @!p0 $0x1BF5;
	p2 =	por !p2, p0  }
0x20: {  	[sflag:s8] =	ssyncset.s32 @!p0 $0xFFFFF086;
	s6 =	sadd.s32 @!p0 s3, s7;
	s7 =	simm.s32 @!p0 $0x108  }
0x21: {  	s3 =	sadd.s32 s3, s9;
	s6 =	sadd.s32 @!p0 $0x88, s6;
	s7 =	simm.s32 @p2 $0x1082  }
0x22: {  	[simem:s7], [sflag:s8] =	dma.local @!p0 [hbm:s6], $0xF7A  }
0x23: {  	s9 =	sor.u32 $0xD0000000, s2;
	s6 =	simm.s32 $0x108;
	_ =	swait.ge @!p0 [sflag:s8], $0x0  }
0x24: {  	s3 =	sadd.s32 $0x88, s3;
	s6 =	simm.s32 @!p1 $0x1082;
	[sflag:s4] =	ssyncset.s32 $0xFFFFF086  }
0x25: {  	[simem:s6], [sflag:s4] =	dma.local [hbm:s3], $0xF7A  }
0x26: {  	[smem:$0x3F95] =	sst s1;
	(tag) =	ssettag s2;
	_ =	strace s9  }
0x27: {  	s1 =	sld [smem:$0x3FA5]  }
0x28: {  	s2 =	sld [smem:$0x3FA6]  }
0x29: {  	s4 =	sld [smem:$0x3FA8]  }
0x2a: {  	p0 =	seq.s32 s5, $0x0;
	s5 =	sld [smem:$0x3FA9]  }
0x2b: {  	s6 =	sld [smem:$0x3FAA]  }
0x2c: {  	s7 =	sld [smem:$0x3FAB]  }
0x2d: {  	s3 =	simm.s32 $0x108;
	s8 =	sld [smem:$0x3FAC]  }
0x2e: {  	s3 =	simm.s32 @!p0 $0x1082;
	s9 =	sld [smem:$0x3FAD]  }
0x2f: {  	lr =	sadd.s32 s0, s3;
	s0 =	sld [smem:$0x3FA4]  }
0x30: {  	s3 =	sld [smem:$0x3FA7]  }
0x31: {  	[smem:$0x3FB0] =	sst s10  }
0x32: {  	s10 =	sld [smem:$0x3FAE];
	_ =	sdelay $0x3  }
0x33: {  	p0 =	seq.s32 s10, $0x1;
	s10 =	sld [smem:$0x3FB0];
	_ =	sdelay $0x3  }
0x34: {  	[smem:$0x3FB0] =	sst s10  }
0x35: {  	s10 =	sld [smem:$0x3FAF];
	_ =	sdelay $0x3  }
0x36: {  	p1 =	seq.s32 s10, $0x1;
	s10 =	sld [smem:$0x3FB0];
	_ =	sdelay $0x3  }
0x37: {  	[smem:$0x3FB0] =	sst s10  }
0x38: {  	s10 =	sld [smem:$0x3FB1]  }
0x39: {  	_ = 	snop;
	(pc) =	sbr.ind lr, $3  }
0x3a: {  	_ = 	snop  }
0x3b: {  	_ = 	snop  }
0x3c: {  	p2 =	seq.s32 s10, $0x1;
	s10 =	sld [smem:$0x3FB0]  }
0x3d: {  	_ =	shalt  }
0x3e: {  	_ =	shalt  }
0x3f: {  	_ =	shalt  }
0x40: {  	_ =	shalt  }
0x41: {  	_ =	shalt  }
0x42: {  	_ =	shalt  }
0x43: {  	_ =	shalt  }
0x44: {  	_ =	shalt  }
0x45: {  	_ =	shalt  }
0x46: {  	_ =	shalt  }
0x47: {  	_ =	shalt  }
0x48: {  	_ =	shalt  }
0x49: {  	_ =	shalt  }
0x4a: {  	_ =	shalt  }
0x4b: {  	_ =	shalt  }
0x4c: {  	_ =	shalt  }
0x4d: {  	_ =	shalt  }
0x4e: {  	_ =	shalt  }
0x4f: {  	_ =	shalt  }
0x50: {  	_ =	shalt  }
0x51: {  	_ =	shalt  }
0x52: {  	_ =	shalt  }
0x53: {  	_ =	shalt  }
0x54: {  	_ =	shalt  }
0x55: {  	_ =	shalt  }
0x56: {  	_ =	shalt  }
0x57: {  	_ =	shalt  }
0x58: {  	_ =	shalt  }
0x59: {  	_ =	shalt  }
0x5a: {  	_ =	shalt  }
0x5b: {  	_ =	shalt  }
0x5c: {  	_ =	shalt  }
0x5d: {  	_ =	shalt  }
0x5e: {  	_ =	shalt  }
0x5f: {  	_ =	shalt  }
0x60: {  	_ =	shalt  }
0x61: {  	_ =	shalt  }
0x62: {  	_ =	shalt  }
0x63: {  	_ =	shalt  }
0x64: {  	_ =	shalt  }
0x65: {  	_ =	shalt  }
0x66: {  	_ =	shalt  }
0x67: {  	_ =	shalt  }
0x68: {  	_ =	shalt  }
0x69: {  	_ =	shalt  }
0x6a: {  	_ =	shalt  }
0x6b: {  	_ =	shalt  }
0x6c: {  	_ =	shalt  }
0x6d: {  	_ =	shalt  }
0x6e: {  	_ =	shalt  }
0x6f: {  	_ =	shalt  }
0x70: {  	_ =	shalt  }
0x71: {  	_ =	shalt  }
0x72: {  	_ =	shalt  }
0x73: {  	_ =	shalt  }
0x74: {  	_ =	shalt  }
0x75: {  	_ =	shalt  }
0x76: {  	_ =	shalt  }
0x77: {  	_ =	shalt  }
0x78: {  	_ =	shalt  }
0x79: {  	_ =	shalt  }
0x7a: {  	_ =	shalt  }
0x7b: {  	_ =	shalt  }
0x7c: {  	_ =	shalt  }
0x7d: {  	_ =	shalt  }
0x7e: {  	_ =	shalt  }
0x7f: {  	_ =	shalt  }
0x80: {  	_ =	shalt  }
0x81: {  	_ =	shalt  }
0x82: {  	_ =	shalt  }
0x83: {  	_ =	shalt  }
0x84: {  	_ =	shalt  }
0x85: {  	_ =	shalt  }
0x86: {  	_ =	shalt  }
0x87: {  	_ =	shalt  }
.Lfunc_end0:
.L_simem_size_0:
called_computation.1_lowered:
.L_overlay_start_0:
0x88: {  	s2 =	sld [smem:$0x3FD9]  }
0x89: {  	s3 =	sld [smem:$0x3FFE];
	_ =	sdelay $0x1  }
0x8a: {  	s1 =	srdreg.scid  }
0x8b: {  	s0 =	sand.u32 $0x1, s1  }
0x8c: {  	s17 =	sshll.u32 s0, $0xA;
	s2 =	sadd.s32 s3, s2  }
0x8d: {  	s2 =	sadd.s32 s2, s17  }
0x8e: {  	[smem:$0x3FBC] =	sst s2  }
0x8f: {  	_ = 	snop  }
0x90: {  	s18 =	sld [smem:$0x3FD0];
	(tm) =	ssettm $0x1  }
0x91: {  	s19 =	sld [smem:$0x3FFB];
	_ =	sdelay $0x3  }
0x92: {  	_ =	strace s19  }
0x93: {  	s2 =	sld [smem:$0x3FFC];
	_ =	sdelay $0x3  }
0x94: {  	_ =	strace s2  }
0x95: {  	s2 =	sld [smem:$0x3FFD];
	_ =	sdelay $0x3  }
0x96: {  	_ =	strace s2  }
0x97: {  	_ =	strace $0x8FFFFFFF  }
0x98: {  	s20 =	sld [smem:$0x3FDB];
	_ =	sdelay $0x1  }
0x99: {  	s4 =	simm.s32 $_scs_section_size  }
0x9a: {  	s5 =	simm.s32 $_size__tile_overlayer_lowered;
	s6 =	simm.s32 $_tile_overlayer_lowered  }
0x9b: {  	s7 =	simm.s32 $0x1BFF;
	s21 =	sshll.u32 s6, $0x1;
	s4 =	sadd.s32 s4, s20  }
0x9c: {  	s22 =	simm.s32 $0x0;
	s5 =	sshll.u32 s5, $0x1;
	s6 =	sadd.s32 s21, s4  }
0x9d: {  	[timem:s22], [sflag:s7] =	dma.local [hbm:s6], s5  }
0x9e: {  	_ =	swait.ge [sflag:s7], s5  }
0x9f: {  	s5 =	ssub.s32 $0x0, s5;
	[sflag:s7] =	ssyncset.done $0x0  }
0xa0: {  	[sflag:s7] =	ssyncadd.s32 s5;
	_ =	sdelay $0x1  }
0xa1: {  	s23 =	simm.s32 $0x1B8B  }
0xa2: {  	_ =	swait.ge [sflag:s23], $0x1  }
0xa3: {  	[sflag:s23] =	ssyncset.done $0x0  }
0xa4: {  	[sflag:s23] =	ssyncadd.s32 $0xFFFFFFFF  }
0xa5: {  	s5 =	sld [smem:$0x0]  }
0xa6: {  	s6 =	sand.u32 $0xFFFFFFFE, s1  }
0xa7: {  	p0 =	sne.s32 s1, s6  }
0xa8: {  	s6 =	sshll.u32 @p0 s6, $0xE  }
0xa9: {  	s6 =	sadd.s32 @p0 $0x11B8D, s6;
	s7 =	sshll.u32 @p0 s5, $0x11  }
0xaa: {  	s6 =	sor.u32 @p0 s7, s6  }
0xab: {  	[sflag:s6] =	ssyncadd.remote.s32 @p0 $0x1;
	_ =	sdelay $0x1  }
0xac: {  	s6 =	simm.s32 @p0 $0x1B8D  }
0xad: {  	_ =	swait.eq @p0 [sflag:s6], $0x1  }
0xae: {  	[sflag:s6] =	ssyncadd.s32 @p0 $0xFFFFFFFF  }
0xaf: {  	s7 =	sshll.u32 @!p0 s1, $0xE  }
0xb0: {  	s7 =	sor.u32 @!p0 $0x4000, s7;
	s6 =	simm.s32 @!p0 $0x1B8D  }
0xb1: {  	s5 =	sshll.u32 @!p0 s5, $0x11;
	s7 =	sadd.s32 @!p0 $0x11B8D, s7;
	_ =	swait.eq @!p0 [sflag:s6], $0x1  }
0xb2: {  	s5 =	sor.u32 @!p0 s5, s7;
	[sflag:s6] =	ssyncadd.s32 @!p0 $0xFFFFFFFF  }
0xb3: {  	s25 =	simm.s32 $0x1B8E;
	s24 =	sld [smem:$0x3FFE];
	[sflag:s5] =	ssyncadd.remote.s32 @!p0 $0x1  }
0xb4: {  	s26 =	simm.s32 $execute0_lowered;
	[smem:$0x3FD2] =	sst s25  }
0xb5: {  	s6 =	sshll.u32 s26, $0x1;
	_ =	strace $0x80000049;
	[dreg:$0x1] =	wrdreg $0xFFFFFFFF  }
0xb6: {  	s28 =	simm.s32 $_size_execute0_lowered;
	s4 =	sadd.s32 s4, s6;
	[dreg:$0x0] =	wrdreg $0x0  }
0xb7: {  	s6 =	sshll.u32 s28, $0x1;
	[dreg:$0x2] =	wrdreg s4  }
0xb8: {  	[dreg:$0x3] =	wrdreg s6  }
0xb9: {  	[dreg:$0x4] =	wrdreg $0xC0  }
0xba: {  	_ =	task [dreg:s22], $0x5FFFF  }
0xbb: {  	[dreg:$0x1] =	wrdreg $0xFFFFFFFF  }
0xbc: {  	[dreg:$0x0] =	wrdreg $0x60  }
0xbd: {  	[dreg:$0x2] =	wrdreg s24  }
0xbe: {  	[dreg:$0x3] =	wrdreg s18  }
0xbf: {  	[dreg:$0x4] =	wrdreg $0x182000  }
0xc0: {  	[dreg:$0x5] =	wrdreg $0xA  }
0xc1: {  	_ =	task.clear_ibuf [dreg:s22], $0x6FFFF;
	_ =	strace $0x90000049  }
0xc2: {  	s29 =	simm.s32 $0xA;
	_ =	strace $0x8000004B  }
0xc3: {  	_ =	swait.ge [sflag:s29], $0x1  }
0xc4: {  	[sflag:s29] =	ssyncadd.s32 $0xFFFFFFFF  }
0xc5: {  	_ =	strace $0x9000004B  }
0xc6: {  	_ =	sfence  }
0xc7: {  	s30 =	sld [smem:$0x0];
	_ =	sdelay $0x2  }
0xc8: {  	s31 =	sshll.u32 s1, $0xD;
	s1 =	sshrl.u32 s1, $0x2  }
0xc9: {  	s4 =	sand.u32 $0x4000, s31;
	s1 =	sadd.s32 s1, s30  }
0xca: {  	s0 =	sor.u32 s4, s0;
	s1 =	sshll.u32 s1, $0x11  }
0xcb: {  	s0 =	sor.u32 s1, s0  }
0xcc: {  	s0 =	sadd.s32 $0x8F2B, s0  }
0xcd: {  	[sflag:s0] =	ssyncadd.remote.s32 $0x1  }
0xce: {  	_ =	sfence.sel $0xFFFF  }
0xcf: {  	[dreg:$0x0] =	wrdreg $0xFFFFFFFF;
	(pc) =	sbr.abs _section_cstart, $3  }
0xd0: {  	[dreg:$0x1] =	wrdreg $0xFFFFFFFF  }
0xd1: {  	_ =	task.clear_ibuf [dreg:s22], $0x2FFFF;
	_ =	strace $0x9FFFFFFF  }
0xd2: {  	(tm) =	ssettm $0x7FFFFFFF  }
0xd3: {  	_ =	shalt  }
tec
execute0_lowered:
.L_overlay_start_1:
0x0: {  	(tag) =	ssettag $0x1  }
0x1: {  	s4 =	rddreg [dreg:$0x0]  }
0x2: {  	s5 =	rddreg [dreg:$0x1]  }
0x3: {  	s1 =	rddreg [dreg:$0x2]  }
0x4: {  	s0 =	rddreg [dreg:$0x3]  }
0x5: {  	s2 =	simm.s32 $0x0;
	s6 =	srdreg.scid;
	s9 =	stileid.u32  }
0x6: {  	s13 =	simm.s32 $0x80;
	s14 =	simm.s32 $0x0;
	[smem:$0x7FF] =	sst s2  }
0x7: {  	s3 =	sadd.s32 $0x16600, s4;
	s6 =	sand.u32 $0x1, s6;
	s4 =	sadd.s32 $0xAA1200, s4  }
0x8: {  	s10 =	sshll.u32 s9, $0x9;
	s30 =	sshll.u32 s9, $0xD;
	p0 =	sne.s32 s9, $0x0  }
0x9: {  	_ =	strace $0x8000004A;
	s7 =	ssub.s32 $0x2, s6;
	s11 =	sshll.u32 s6, $0x8  }
0xa: {  	s12 =	sshll.u32 s6, $0xC;
	s9 =	sshrl.u32 @!p0 s1, $0x3;
	s8 =	sshrl.u32 s7, $0x1  }
0xb: {  	s29 =	sor.u32 s11, s10;
	s10 =	sadd.s32 s30, s5;
	s7 =	ssub.s32 s7, s8  }
0xc: {  	s11 =	sshrl.u32 s29, $0x3;
	s31 =	sadd.s32 s12, s10;
	s8 =	sor.u32 $0x2000, s29  }
0xd: {  	s12 =	simm.s32 $0x1;
	s5 =	sadd.s32 s4, s11;
	s6 =	smax.u32 s7, $0x1  }
0xe: {  	s7 =	sadd.s32 $0xFFFE0000, s31;
	s11 =	simm.s32 $0x100;
	s10 =	sadd.s32 $0x10, s5  }
.LBB2_1:
0xf: {  	s15 =	simm.s32 @!p0 $0x1C07  }
0x10: {  	[spmem:s9], [sflag:s15] =	dma.local @!p0 [hbm:s3], $0xAB00  }
0x11: {  	s15 =	simm.s32 @!p0 $0x7  }
0x12: {  	_ =	swait.ge @!p0 [sflag:s15], $0xAB00  }
0x13: {  	[sflag:s15] =	ssyncset.done @!p0 $0x0  }
0x14: {  	[sflag:s15] =	ssyncadd.s32 @!p0 $0xFFFF5500  }
0x15: {  	s16 =	simm.s32 $0x80;
	[bflag:$0x0] =	sbarrier.arrive $0xFFFF  }
0x16: {  	[tilespmem:s2], [sflag:$0x1] =	stream.linear.gather [hbm4b:s5+s2], $0x80, $0x38;
	[tilespmem:$0x1D780] =	vst v63  }
0x17: {  	s17 =	smov.u32 s7;
	s18 =	simm.s32 $0x0;
	s15 =	smov.u32 s8  }
0x18: {  	[tilespmem:s11], [sflag:$0x1] =	stream.linear.gather [hbm4b:s10+s2], $0x80, $0x38;
	[tilespmem:$0x1D780] =	vst v63  }
.LBB2_2:
0x19: {  	s19 =	smul.u32 $0xAB, s18;
	_ =	sdelay $0x1  }
0x1a: {  	s19 =	sshrl.u32 s19, $0x9  }
0x1b: {  	s19 =	sand.u32 $0x7F, s19  }
0x1c: {  	s19 =	smul.u32 $0x3, s19;
	_ =	sdelay $0x1  }
0x1d: {  	s19 =	ssub.s32 s18, s19  }
0x1e: {  	p1 =	slt.u32 s18, $0x3;
	s20 =	sand.u32 $0xFF, s19  }
0x1f: {  	s21 =	sadd.s32 @!p1 $0x4, s20  }
0x20: {  	_ =	swait.ge @!p1 [sflag:s21], $0x8000  }
0x21: {  	p2 =	sgt.u32 @!p1 s18, $0x53;
	[sflag:s21] =	ssyncset.done @!p1 $0x0  }
0x22: {  	s31 =	sadd.s32 $0xFFFFFFFF, s18;
	p2 =	por p1, !p2;
	[sflag:s21] =	ssyncadd.s32 @!p1 $0xFFFF8000  }
0x23: {  	s19 =	sand.u32 $0x1, s18;
	s20 =	sshll.u32 @p2 s20, $0xF;
	_ =	swait.ge @p2 [sflag:s12], $0x100  }
0x24: {  	s23 =	sor.u32 @p2 $0x2, s19;
	s21 =	sadd.s32 @p2 $0xFFFFFF80, s16;
	[sflag:s12] =	ssyncset.done @p2 $0x0  }
0x25: {  	s22 =	sor.u32 @p2 $0x200, s20;
	s21 =	sand.u32 @p2 $0x80, s21;
	[sflag:s12] =	ssyncadd.s32 @p2 $0xFFFFFF00  }
0x26: {  	[tilespmem:s22], [sflag:s23] =	stream.indirect.gather @p2 [spmem:s1], $0x80, s21, s13, $0xb8;
	[tilespmem:$0x1D780] =	vst v63  }
0x27: {  	s20 =	sor.u32 @p2 $0x4200, s20;
	p1 =	sgt.u32 s31, $0x53;
	s21 =	sor.u32 @p2 $0x100, s21  }
0x28: {  	[tilespmem:s20], [sflag:s23] =	stream.indirect.gather @p2 [spmem:s1], $0x80, s21, s13, $0xb8;
	[tilespmem:$0x1D780] =	vst v63  }
0x29: {  	s20 =	sadd.s32 @!p1 $0x2, s18  }
0x2a: {  	s21 =	sand.u32 @!p1 $0xFF, s20  }
0x2b: {  	s19 =	sxor.u32 @!p1 $0x1, s19;
	s21 =	smul.u32 @!p1 $0xAB, s21  }
0x2c: {  	s19 =	sor.u32 @!p1 $0x2, s19  }
0x2d: {  	_ =	swait.ge @!p1 [sflag:s19], $0x4000;
	s21 =	sshrl.u32 @!p1 s21, $0x9  }
0x2e: {  	[sflag:s19] =	ssyncset.done @!p1 $0x0;
	s21 =	smul.u32 @!p1 $0x3, s21  }
0x2f: {  	[sflag:s19] =	ssyncadd.s32 @!p1 $0xFFFFC000  }
0x30: {  	_ =	swait.ge @!p1 [sflag:s19], $0x4000;
	s20 =	ssub.s32 @!p1 s20, s21  }
0x31: {  	[sflag:s19] =	ssyncset.done @!p1 $0x0;
	s20 =	sand.u32 @!p1 $0xFF, s20  }
0x32: {  	[sflag:s19] =	ssyncadd.s32 @!p1 $0xFFFFC000;
	s19 =	sshll.u32 @!p1 s20, $0xF  }
0x33: {  	s21 =	simm.s32 @!p1 $0x0;
	s20 =	sor.u32 @!p1 $0x4, s20;
	s19 =	sor.u32 @!p1 $0x200, s19  }
0x34: {  	[hbm4b:s17+s21] =	stream.linear.scatter @!p1 [tilespmem:s19], [sflag:s20], $0x8000, $0x38;
	[tilespmem:$0x1D780] =	vst v63  }
0x35: {  	p1 =	sgt.u32 s18, $0x52  }
0x36: {  	s19 =	sshrl.u32 @!p1 s15, $0x3  }
0x37: {  	s20 =	sand.u32 @!p1 $0x80, s16;
	s21 =	simm.s32 @!p1 $0x0;
	s19 =	sadd.s32 @!p1 s4, s19  }
0x38: {  	[tilespmem:s20], [sflag:$0x1] =	stream.linear.gather @!p1 [hbm4b:s19+s21], $0x80, $0x38;
	[tilespmem:$0x1D780] =	vst v63  }
0x39: {  	s18 =	sadd.s32 $0x1, s18;
	s19 =	sadd.s32 @!p1 $0x10, s19;
	s20 =	sor.u32 @!p1 $0x100, s20  }
0x3a: {  	[tilespmem:s20], [sflag:$0x1] =	stream.linear.gather @!p1 [hbm4b:s19+s21], $0x80, $0x38;
	[tilespmem:$0x1D780] =	vst v63  }
0x3b: {  	p1 =	sne.s32 s18, $0x57  }
.Ltmp0:
0x3c: {  	_ = 	snop;
	(pc) =	sbr.rel @p1 .LBB2_2-.Ltmp0, $2  }
0x3d: {  	_ =	sdelay $0x2  }
0x3e: {  	s17 =	sadd.s32 $0x20000, s17;
	s16 =	sadd.s32 $0x80, s16;
	s15 =	sadd.s32 $0x2000, s15  }
0x3f: {  	s14 =	sadd.s32 $0x1, s14  }
0x40: {  	p1 =	sne.s32 s14, s6  }
.Ltmp1:
0x41: {  	_ = 	snop;
	(pc) =	sbr.rel @p1 .LBB2_1-.Ltmp1, $1  }
0x42: {  	_ =	sdelay $0x3  }
0x43: {  	_ =	sfence.sel $0x180000  }
0x44: {  	[bflag:$0x0] =	sbarrier.arrive $0xFFFF  }
0x45: {  	_ =	strace $0x9000004A  }
0x46: {  	s0 =	sadd.s32 @!p0 $0x100000, s0;
	[bflag:$0x2] =	sbarrier.arrive $0xFFFF  }
0x47: {  	[sflag:s0] =	ssyncadd.tile.s32 @!p0 $0x1;
	_ =	shalt  }
.Lfunc_end2:
_tile_overlayer_lowered:
.L_overlay_start_2:
0x48: {  	(tag) =	ssettag $0x2  }
0x49: {  	s0 =	rddreg [dreg:$0x0];
	s2 =	stileid.u32  }
0x4a: {  	s1 =	rddreg [dreg:$0x1];
	p0 =	sne.s32 s2, $0x0  }
0x4b: {  	s3 =	rddreg [dreg:$0x2];
	[bflag:$0x3] =	sbarrier.arrive $0xFFFF;
	s2 =	simm.s32 @!p0 $0x1C07  }
0x4c: {  	[timem:s3], [sflag:s2] =	dma.local @!p0 [hbm:s0], s1  }
0x4d: {  	s0 =	simm.s32 @!p0 $0x7  }
0x4e: {  	_ =	swait.ge @!p0 [sflag:s0], s1  }
0x4f: {  	s1 =	ssub.s32 @!p0 $0x0, s1;
	[sflag:s0] =	ssyncset.done @!p0 $0x0  }
0x50: {  	[sflag:s0] =	ssyncadd.s32 @!p0 s1  }
0x51: {  	[bflag:$0x3] =	sbarrier.arrive $0xFFFF  }
0x52: {  	_ =	shalt  }

</sc_bundles>
